<compile_context>
chip_gen: v7x
topology: tpu7x:2x2x1
jax: 0.10.2.dev20260603
libtpu: 0.0.44.dev20260713+nightly
codegen_flags: <defaults>
</compile_context>

<pallas_src>
import functools

import jax
import jax.numpy as jnp
from jax import lax
from jax.experimental import pallas as pl
from jax.experimental.pallas import tpu as pltpu
from jax.experimental.pallas import tpu_sc as plsc

N = 10000
E = 320000
DIM = 128
HEADS = 2
DH = DIM * HEADS

NP = 10240
SL = NP // 16
NW = 32
C = 80
EW2 = E // 16
NCH2 = EW2 // C
EW1 = E // NW
NCH1 = EW1 // C

_LANE = None


def _gat16(x, idx):
    dn = lax.GatherDimensionNumbers(
        offset_dims=(), collapsed_slice_dims=(0,), start_index_map=(0,))
    return lax.gather(x, idx[:, None], dimension_numbers=dn,
                      slice_sizes=(1,),
                      mode=lax.GatherScatterMode.PROMISE_IN_BOUNDS)


def _seg_accum(ref, keys, vals, op):
    sd, sv = plsc.sort_key_val(keys, vals)
    iota = lax.iota(jnp.int32, 16)
    acc = sv
    for step in (1, 2, 4, 8):
        srcl = iota - step
        valid = srcl >= 0
        srcc = jnp.maximum(srcl, 0)
        pk = _gat16(sd, srcc)
        pv = _gat16(acc, srcc)
        same = jnp.logical_and(valid, pk == sd)
        comb = jnp.maximum(acc, pv) if op == "max" else acc + pv
        acc = jnp.where(same, comb, acc)
    nxt = _gat16(sd, jnp.minimum(iota + 1, 15))
    is_last = jnp.logical_or(iota == 15, nxt != sd)
    cur = plsc.load_gather(ref, [sd])
    newv = jnp.maximum(cur, acc) if op == "max" else cur + acc
    plsc.store_scatter(ref, [sd], newv, mask=is_last)



def _k1_body(h_ref, w_ref, b_ref, piw_ref, ft_ref, g_ref):
    ft = jnp.dot(h_ref[...], w_ref[...],
                 preferred_element_type=jnp.float32) + b_ref[...]
    ft_ref[...] = ft
    g_ref[...] = ft * piw_ref[...]


def _k1(hp, fc_W, fc_b_row, piw_row):
    blk = 256
    grid = NP // blk
    return pl.pallas_call(
        _k1_body,
        grid=(grid,),
        in_specs=[
            pl.BlockSpec((blk, DIM), lambda i: (i, 0)),
            pl.BlockSpec((DIM, DH), lambda i: (0, 0)),
            pl.BlockSpec((1, DH), lambda i: (0, 0)),
            pl.BlockSpec((1, DH), lambda i: (0, 0)),
        ],
        out_specs=[
            pl.BlockSpec((blk, DH), lambda i: (i, 0)),
            pl.BlockSpec((blk, DH), lambda i: (i, 0)),
        ],
        out_shape=[
            jax.ShapeDtypeStruct((NP, DH), jnp.float32),
            jax.ShapeDtypeStruct((NP, DH), jnp.float32),
        ],
    )(hp, fc_W, fc_b_row, piw_row)



def _k2_body(g_hbm, ft_hbm, src_hbm, dst_hbm, e_hbm, emax_hbm,
             idx_s, idx_d, gbuf, fbuf, ebuf, emax_loc, dots, sem1, sem2):
    cid = lax.axis_index("c")
    sid = lax.axis_index("s")
    wid = cid * 16 + sid
    lane = lax.iota(jnp.int32, 16)
    neg_inf = jnp.full((16,), -jnp.inf, jnp.float32)

    def init_emax(i, _):
        emax_loc[pl.ds(i * 16, 16)] = neg_inf
        return 0
    lax.fori_loop(0, NP // 16, init_emax, 0)

    base = wid * EW1

    def chunk(j, _):
        bj = base + j * C
        pltpu.sync_copy(src_hbm.at[pl.ds(bj, C)], idx_s)
        pltpu.sync_copy(dst_hbm.at[pl.ds(bj, C)], idx_d)
        cp1 = pltpu.async_copy(g_hbm.at[idx_s], gbuf, sem1)
        cp2 = pltpu.async_copy(ft_hbm.at[idx_d], fbuf, sem2)
        cp1.wait()
        cp2.wait()

        def per_edge(i, _):
            acc = jnp.zeros((16,), jnp.float32)
            for k in range(DH // 16):
                acc = acc + (gbuf[i, pl.ds(16 * k, 16)]
                             * fbuf[i, pl.ds(16 * k, 16)])
            dots[pl.ds(16 * i, 16)] = jnp.cumsum(acc)
            return 0
        lax.fori_loop(0, C, per_edge, 0)

        for t in range(C // 16):
            idx15 = (lane + 16 * t) * 16 + 15
            d = plsc.load_gather(dots, [idx15])
            e16 = jnp.where(d > 0, d, 0.2 * d)
            ebuf[pl.ds(16 * t, 16)] = e16
            d16 = idx_d[pl.ds(16 * t, 16)]
            _seg_accum(emax_loc, d16, e16, "max")
        pltpu.sync_copy(ebuf, e_hbm.at[pl.ds(bj, C)])
        return 0
    lax.fori_loop(0, NCH1, chunk, 0)
    pltpu.sync_copy(emax_loc, emax_hbm.at[wid])


def _k2(g, ft, src, dst):
    mesh = plsc.VectorSubcoreMesh(core_axis_name="c", subcore_axis_name="s")
    kfn = pl.kernel(
        _k2_body,
        mesh=mesh,
        compiler_params=pltpu.CompilerParams(use_tc_tiling_on_sc=False,
                                             needs_layout_passes=False),
        out_type=[
            jax.ShapeDtypeStruct((E,), jnp.float32),
            jax.ShapeDtypeStruct((NW, NP), jnp.float32),
        ],
        scratch_types=[
            pltpu.VMEM((C,), jnp.int32),
            pltpu.VMEM((C,), jnp.int32),
            pltpu.VMEM((C, DH), jnp.float32),
            pltpu.VMEM((C, DH), jnp.float32),
            pltpu.VMEM((C,), jnp.float32),
            pltpu.VMEM((NP,), jnp.float32),
            pltpu.VMEM((C * 16,), jnp.float32),
            pltpu.SemaphoreType.DMA,
            pltpu.SemaphoreType.DMA,
        ],
    )
    return kfn(g, ft, src, dst)



def _k3_body(ft128_hbm, src_hbm, dst_hbm, e_hbm, emaxp_hbm,
             rst_hbm, ex_hbm, dpart_hbm,
             emax_loc, denom_loc, rowbuf, dstc, sidx, ebuf, abuf,
             tmpa, tmpb, sem,
             emax_sh, acc_sh):
    cid = lax.axis_index("c")
    sid = lax.axis_index("s")
    ebase = sid * EW2
    s0 = sid * SL
    z16 = jnp.zeros((16,), jnp.float32)
    neg_inf = jnp.full((16,), -jnp.inf, jnp.float32)

    def zrow(i, _):
        for k in range(DIM // 16):
            rowbuf[i, pl.ds(16 * k, 16)] = z16
        return 0
    lax.fori_loop(0, C, zrow, 0)
    for m in range(SL // C):
        pltpu.sync_copy(rowbuf, acc_sh.at[pl.ds(s0 + m * C, C)])

    def init_a(t, _):
        tmpa[pl.ds(16 * t, 16)] = neg_inf
        return 0
    lax.fori_loop(0, SL // 16, init_a, 0)

    def rmax(r, _):
        pltpu.sync_copy(emaxp_hbm.at[r, pl.ds(s0, SL)], tmpb)

        def mstep(t, _):
            tmpa[pl.ds(t * 16, 16)] = jnp.maximum(tmpa[pl.ds(t * 16, 16)],
                                                  tmpb[pl.ds(t * 16, 16)])
            return 0
        lax.fori_loop(0, SL // 16, mstep, 0)
        return 0
    lax.fori_loop(0, NW, rmax, 0)
    pltpu.sync_copy(tmpa, emax_sh.at[pl.ds(s0, SL)])
    plsc.subcore_barrier()
    pltpu.sync_copy(emax_sh, emax_loc)

    def init_d(i, _):
        denom_loc[pl.ds(i * 16, 16)] = z16
        return 0
    lax.fori_loop(0, NP // 16, init_d, 0)

    def chB(j, _):
        bj = ebase + j * C
        pltpu.sync_copy(e_hbm.at[pl.ds(bj, C)], ebuf)
        pltpu.sync_copy(dst_hbm.at[pl.ds(bj, C)], dstc)
        for t in range(C // 16):
            d16 = dstc[pl.ds(16 * t, 16)]
            em = plsc.load_gather(emax_loc, [d16])
            ex = jnp.exp(ebuf[pl.ds(16 * t, 16)] - em)
            ebuf[pl.ds(16 * t, 16)] = ex
            _seg_accum(denom_loc, d16, ex, "add")
        pltpu.sync_copy(ebuf, ex_hbm.at[cid, pl.ds(bj, C)])
        return 0
    lax.fori_loop(0, NCH2, chB, 0)

    pltpu.sync_copy(denom_loc, dpart_hbm.at[cid, sid])
    plsc.subcore_barrier()

    def init_s(t, _):
        tmpa[pl.ds(16 * t, 16)] = z16
        return 0
    lax.fori_loop(0, SL // 16, init_s, 0)

    def rsum(r, _):
        pltpu.sync_copy(dpart_hbm.at[cid, r, pl.ds(s0, SL)], tmpb)

        def astep(t, _):
            tmpa[pl.ds(t * 16, 16)] = (tmpa[pl.ds(t * 16, 16)]
                                       + tmpb[pl.ds(t * 16, 16)])
            return 0
        lax.fori_loop(0, SL // 16, astep, 0)
        return 0
    lax.fori_loop(0, 16, rsum, 0)

    def inv_step(t, _):
        v = tmpa[pl.ds(t * 16, 16)]
        tmpa[pl.ds(t * 16, 16)] = 1.0 / (v + 1e-9)
        return 0
    lax.fori_loop(0, SL // 16, inv_step, 0)
    pltpu.sync_copy(tmpa, emax_sh.at[pl.ds(s0, SL)])
    plsc.subcore_barrier()
    pltpu.sync_copy(emax_sh, emax_loc)

    def chD(j, _):
        bj = ebase + j * C
        pltpu.sync_copy(src_hbm.at[pl.ds(bj, C)], sidx)
        pltpu.sync_copy(dst_hbm.at[pl.ds(bj, C)], dstc)
        pltpu.sync_copy(ex_hbm.at[cid, pl.ds(bj, C)], ebuf)
        for t in range(C // 16):
            sidx[pl.ds(16 * t, 16)] = sidx[pl.ds(16 * t, 16)] * 2 + cid
        pltpu.async_copy(ft128_hbm.at[sidx], rowbuf, sem).wait()
        for t in range(C // 16):
            d16 = dstc[pl.ds(16 * t, 16)]
            iv = plsc.load_gather(emax_loc, [d16])
            abuf[pl.ds(16 * t, 16)] = ebuf[pl.ds(16 * t, 16)] * iv
        def rowscale(i, _):
            a = plsc.load_gather(abuf, [jnp.full((16,), i, jnp.int32)])
            for k in range(DIM // 16):
                rowbuf[i, pl.ds(16 * k, 16)] = rowbuf[i, pl.ds(16 * k, 16)] * a
            return 0
        lax.fori_loop(0, C, rowscale, 0)
        pltpu.sync_copy(rowbuf, acc_sh.at[dstc], add=True)
        return 0
    lax.fori_loop(0, NCH2, chD, 0)

    plsc.subcore_barrier()
    pltpu.sync_copy(acc_sh.at[pl.ds(s0, SL)], rst_hbm.at[cid, pl.ds(s0, SL)])


def _k3(ft128, src, dst, e, emax_part):
    mesh = plsc.VectorSubcoreMesh(core_axis_name="c", subcore_axis_name="s")
    kfn = pl.kernel(
        _k3_body,
        mesh=mesh,
        compiler_params=pltpu.CompilerParams(use_tc_tiling_on_sc=False,
                                             needs_layout_passes=False),
        out_type=[
            jax.ShapeDtypeStruct((HEADS, NP, DIM), jnp.float32),
            jax.ShapeDtypeStruct((HEADS, E), jnp.float32),
            jax.ShapeDtypeStruct((HEADS, 16, NP), jnp.float32),
        ],
        scratch_types=[
            pltpu.VMEM((NP,), jnp.float32),
            pltpu.VMEM((NP,), jnp.float32),
            pltpu.VMEM((C, DIM), jnp.float32),
            pltpu.VMEM((C,), jnp.int32),
            pltpu.VMEM((C,), jnp.int32),
            pltpu.VMEM((C,), jnp.float32),
            pltpu.VMEM((C,), jnp.float32),
            pltpu.VMEM((SL,), jnp.float32),
            pltpu.VMEM((SL,), jnp.float32),
            pltpu.SemaphoreType.DMA,
            pltpu.VMEM_SHARED((NP,), jnp.float32),
            pltpu.VMEM_SHARED((NP, DIM), jnp.float32),
        ],
    )
    rst, _, _ = kfn(ft128, src, dst, e, emax_part)
    return rst



def _k4_body(rst_ref, out_ref):
    out_ref[...] = jnp.max(rst_ref[...], axis=0)


def _k4(rst):
    blk = 400
    grid = N // blk
    return pl.pallas_call(
        _k4_body,
        grid=(grid,),
        in_specs=[pl.BlockSpec((HEADS, blk, DIM), lambda i: (0, i, 0))],
        out_specs=pl.BlockSpec((blk, DIM), lambda i: (i, 0)),
        out_shape=jax.ShapeDtypeStruct((N, DIM), jnp.float32),
    )(rst)



def kernel(h_v, edge_index, fc_W, fc_b, pi_w):
    hp = jnp.pad(h_v, ((0, NP - N), (0, 0)))
    ft, g = _k1(hp, fc_W, fc_b.reshape(1, DH), pi_w.reshape(1, DH))
    src = edge_index[0].astype(jnp.int32)
    dst = edge_index[1].astype(jnp.int32)
    e, emax_part = _k2(g, ft, src, dst)
    ft128 = ft.reshape(HEADS * NP, DIM)
    rst = _k3(ft128, src, dst, e, emax_part)
    return _k4(rst)

# --- scband reference (transcript-rebuilt; emitter-appended) ---
"""Pipeline reference for scband-gatlayer-17635135717521 (READ-ONLY COPY).

The authoritative reference and input builder live on the scoring server;
editing this copy changes nothing except your own understanding.
"""

import jax, jax.numpy as jnp
import numpy as np

N = 10000
E = 320000
DIM = 128
HEADS = 2
DH = DIM * HEADS


def setup_inputs(seed: int = 0) -> dict:
    key = jax.random.key(seed)
    k1, k2, k3, k4, k5 = jax.random.split(key, 5)
    h_v = jax.random.normal(k1, (N, DIM), dtype=jnp.float32)
    edge_index = jax.random.randint(k2, (2, E), 0, N)
    fc_W = jax.random.normal(k3, (DIM, DH), dtype=jnp.float32) * (1.0 / np.sqrt(DIM))
    fc_b = jnp.zeros((DH,), dtype=jnp.float32)
    pi_w = jax.random.normal(k4, (DH, 1), dtype=jnp.float32) * (1.0 / np.sqrt(DH))
    return {"h_v": h_v, "edge_index": edge_index, "fc_W": fc_W, "fc_b": fc_b, "pi_w": pi_w}


def reference(h_v, edge_index, fc_W, fc_b, pi_w):
    src = edge_index[0]
    dst = edge_index[1]
    # fc: ft = Linear(dim -> dim*num_heads)
    ft = h_v @ fc_W + fc_b  # [N, DH]
    # u_mul_v: per-edge elementwise product of src and dst features
    e_feat = ft[src] * ft[dst]  # [E, DH]
    # pi: Linear(DH -> 1, no bias)
    e = e_feat @ pi_w  # [E, 1]
    # leaky_relu(0.2)
    e = jnp.where(e > 0, e, 0.2 * e)
    # edge_softmax over incoming edges of each dst node
    emax = jax.ops.segment_max(e, dst, num_segments=N)  # [N, 1]
    emax = jnp.where(jnp.isfinite(emax), emax, 0.0)
    ex = jnp.exp(e - emax[dst])  # [E, 1]
    denom = jax.ops.segment_sum(ex, dst, num_segments=N)  # [N, 1]
    a = ex / (denom[dst] + 1e-9)  # [E, 1]
    # u_mul_e then sum into dst: rst[v] = sum_{(u,v)} ft[u] * a[(u,v)]
    m = ft[src] * a  # [E, DH]
    rst = jax.ops.segment_sum(m, dst, num_segments=N)  # [N, DH]
    # max over heads
    out = jnp.max(rst.reshape(-1, HEADS, DIM), axis=1)  # [N, DIM]
    return out

if __name__ == "__main__":
    import jax
    _d = setup_inputs()
    print(jax.jit(kernel)(*tuple(_d.values())))

</pallas_src>

<mosaic_0001>
#map = affine_map<(d0, d1) -> (0, 0)>
#map1 = affine_map<(d0, d1) -> (0)>
module attributes {stable_mosaic.version = 14 : i64} {
  func.func @_k2_body(%arg0: i32, %arg1: i32, %arg2: memref<10240x256xf32, #tpu.memory_space<hbm>>, %arg3: memref<10240x256xf32, #tpu.memory_space<hbm>>, %arg4: memref<320000xi32, #tpu.memory_space<hbm>>, %arg5: memref<320000xi32, #tpu.memory_space<hbm>>, %arg6: memref<320000xf32, #tpu.memory_space<hbm>>, %arg7: memref<32x10240xf32, #tpu.memory_space<hbm>>, %arg8: memref<80xi32, #tpu.memory_space<vmem>>, %arg9: memref<80xi32, #tpu.memory_space<vmem>>, %arg10: memref<80x256xf32, #tpu.memory_space<vmem>>, %arg11: memref<80x256xf32, #tpu.memory_space<vmem>>, %arg12: memref<80xf32, #tpu.memory_space<vmem>>, %arg13: memref<10240xf32, #tpu.memory_space<vmem>>, %arg14: memref<1280xf32, #tpu.memory_space<vmem>>, %arg15: memref<!tpu.dma_semaphore, #tpu.memory_space<semaphore_mem>>, %arg16: memref<!tpu.dma_semaphore, #tpu.memory_space<semaphore_mem>>) attributes {dimension_semantics = [#tpu.dimension_semantics<core_parallel>, #tpu.dimension_semantics<subcore_parallel>], iteration_bounds = array<i64: 2, 16>, scalar_prefetch = 0 : i64, scratch_operands = 9 : i64, tpu.core_type = #tpu.core_type<sc_vector_subcore>, window_params = [{transform_indices = #map}, {transform_indices = #map}, {transform_indices = #map1}, {transform_indices = #map1}, {transform_indices = #map1}, {transform_indices = #map}]} {
    %mul3A = arith.constant 16 : i32
    %mul3A_0 = arith.muli %arg0, %mul3A : i32
    %add3A = arith.addi %mul3A_0, %arg1 : i32
    %iota3A = tpu.iota {dimensions = array<i32: 0>} : vector<16xi32>
    %broadcast_in_dim3A = arith.constant 0xFF800000 : f32
    %broadcast_in_dim3A_1 = vector.broadcast %broadcast_in_dim3A : f32 to vector<16xf32>
    %scan3A = arith.constant 0 : i32
    %scan3A_2 = arith.constant 0 : i32
    %scan3A_3 = arith.constant 640 : i32
    %scan3A_4 = arith.addi %scan3A_2, %scan3A_3 : i32
    %scan3A_5 = arith.constant 1 : i32
    %scan3A_6 = scf.for %scan3A_17 = %scan3A_2 to %scan3A_4 step %scan3A_5 iter_args(%scan3A_18 = %scan3A) -> (i32)  : i32 {
      %mul3A_19 = arith.constant 16 : i32
      %mul3A_20 = arith.muli %scan3A_17, %mul3A_19 : i32
      %swap3A = arith.index_cast %mul3A_20 : i32 to index
      %swap3A_21 = tpu.vector_load %arg13[%swap3A] {strides = array<i32>} : memref<10240xf32, #tpu.memory_space<vmem>>, vector<16xf32>,
      tpu.vector_store %arg13[%swap3A], %broadcast_in_dim3A_1 {strides = array<i32>} : memref<10240xf32, #tpu.memory_space<vmem>>, vector<16xf32>,
      %scan3A_22 = arith.constant 0 : i32
      scf.yield %scan3A_22 : i32
    }
    %scan3A_7 = arith.constant 640 : i32
    %mul3A_8 = arith.constant 10000 : i32
    %mul3A_9 = arith.muli %add3A, %mul3A_8 : i32
    %scan3A_10 = arith.constant 0 : i32
    %scan3A_11 = arith.constant 0 : i32
    %scan3A_12 = arith.constant 125 : i32
    %scan3A_13 = arith.addi %scan3A_11, %scan3A_12 : i32
    %scan3A_14 = arith.constant 1 : i32
    %scan3A_15 = scf.for %scan3A_17 = %scan3A_11 to %scan3A_13 step %scan3A_14 iter_args(%scan3A_18 = %scan3A_10) -> (i32)  : i32 {
      %mul3A_19 = arith.constant 80 : i32
      %mul3A_20 = arith.muli %scan3A_17, %mul3A_19 : i32
      %add3A_21 = arith.addi %mul3A_9, %mul3A_20 : i32
      "tpu.region"() ({
        %run_scoped3A = tpu.sem_alloc : memref<!tpu.dma_semaphore, #tpu.memory_space<semaphore_mem>>
        %dma_start3A_636 = tpu.memref_slice %arg4[%add3A_21] : memref<320000xi32, #tpu.memory_space<hbm>> -> memref<80xi32, #tpu.memory_space<hbm>>
        %dma_start3A_637 = tpu.memref_slice %arg4[%add3A_21] : memref<320000xi32, #tpu.memory_space<hbm>> -> memref<80xi32, #tpu.memory_space<hbm>>
        tpu.enqueue_dma source(%dma_start3A_637 : memref<80xi32, #tpu.memory_space<hbm>>) target(%arg8 : memref<80xi32, #tpu.memory_space<vmem>>) target_semaphore(%run_scoped3A : memref<!tpu.dma_semaphore, #tpu.memory_space<semaphore_mem>>)
        %dma_wait3A_638 = tpu.memref_slice %arg4[%add3A_21] : memref<320000xi32, #tpu.memory_space<hbm>> -> memref<80xi32, #tpu.memory_space<hbm>>
        %dma_wait3A_639 = tpu.memref_slice %arg4[%add3A_21] : memref<320000xi32, #tpu.memory_space<hbm>> -> memref<80xi32, #tpu.memory_space<hbm>>
        tpu.wait_dma2 semaphore(%run_scoped3A : memref<!tpu.dma_semaphore, #tpu.memory_space<semaphore_mem>>) src(%dma_wait3A_639 : memref<80xi32, #tpu.memory_space<hbm>>) dst(%arg8 : memref<80xi32, #tpu.memory_space<vmem>>)
        tpu.yield
      }) : () -> ()
      "tpu.region"() ({
        %run_scoped3A = tpu.sem_alloc : memref<!tpu.dma_semaphore, #tpu.memory_space<semaphore_mem>>
        %dma_start3A_636 = tpu.memref_slice %arg5[%add3A_21] : memref<320000xi32, #tpu.memory_space<hbm>> -> memref<80xi32, #tpu.memory_space<hbm>>
        %dma_start3A_637 = tpu.memref_slice %arg5[%add3A_21] : memref<320000xi32, #tpu.memory_space<hbm>> -> memref<80xi32, #tpu.memory_space<hbm>>
        tpu.enqueue_dma source(%dma_start3A_637 : memref<80xi32, #tpu.memory_space<hbm>>) target(%arg9 : memref<80xi32, #tpu.memory_space<vmem>>) target_semaphore(%run_scoped3A : memref<!tpu.dma_semaphore, #tpu.memory_space<semaphore_mem>>)
        %dma_wait3A_638 = tpu.memref_slice %arg5[%add3A_21] : memref<320000xi32, #tpu.memory_space<hbm>> -> memref<80xi32, #tpu.memory_space<hbm>>
        %dma_wait3A_639 = tpu.memref_slice %arg5[%add3A_21] : memref<320000xi32, #tpu.memory_space<hbm>> -> memref<80xi32, #tpu.memory_space<hbm>>
        tpu.wait_dma2 semaphore(%run_scoped3A : memref<!tpu.dma_semaphore, #tpu.memory_space<semaphore_mem>>) src(%dma_wait3A_639 : memref<80xi32, #tpu.memory_space<hbm>>) dst(%arg9 : memref<80xi32, #tpu.memory_space<vmem>>)
        tpu.yield
      }) : () -> ()
      %dma_start3A = arith.constant 0 : i32
      %dma_start3A_22 = arith.constant 0 : i32
      %dma_start3A_23 = tpu.memref_slice %arg2[%dma_start3A, %dma_start3A_22] : memref<10240x256xf32, #tpu.memory_space<hbm>> -> memref<10240x256xf32, #tpu.memory_space<hbm>>
      tpu.enqueue_indirect_dma source(%dma_start3A_23 : memref<10240x256xf32, #tpu.memory_space<hbm>>) target(%arg10 : memref<80x256xf32, #tpu.memory_space<vmem>>) offsets(%arg8 : memref<80xi32, #tpu.memory_space<vmem>>) semaphore(%arg15 : memref<!tpu.dma_semaphore, #tpu.memory_space<semaphore_mem>>)
      %dma_start3A_24 = arith.constant 0 : i32
      %dma_start3A_25 = arith.constant 0 : i32
      %dma_start3A_26 = tpu.memref_slice %arg3[%dma_start3A_24, %dma_start3A_25] : memref<10240x256xf32, #tpu.memory_space<hbm>> -> memref<10240x256xf32, #tpu.memory_space<hbm>>
      tpu.enqueue_indirect_dma source(%dma_start3A_26 : memref<10240x256xf32, #tpu.memory_space<hbm>>) target(%arg11 : memref<80x256xf32, #tpu.memory_space<vmem>>) offsets(%arg9 : memref<80xi32, #tpu.memory_space<vmem>>) semaphore(%arg16 : memref<!tpu.dma_semaphore, #tpu.memory_space<semaphore_mem>>)
      %dma_wait3A = arith.constant 0 : i32
      %dma_wait3A_27 = arith.constant 0 : i32
      %dma_wait3A_28 = tpu.memref_slice %arg2[%dma_wait3A, %dma_wait3A_27] : memref<10240x256xf32, #tpu.memory_space<hbm>> -> memref<10240x256xf32, #tpu.memory_space<hbm>>
      tpu.wait_indirect_dma semaphore(%arg15 : memref<!tpu.dma_semaphore, #tpu.memory_space<semaphore_mem>>) src(%dma_wait3A_28 : memref<10240x256xf32, #tpu.memory_space<hbm>>) dst(%arg10 : memref<80x256xf32, #tpu.memory_space<vmem>>)
      %dma_wait3A_29 = arith.constant 0 : i32
      %dma_wait3A_30 = arith.constant 0 : i32
      %dma_wait3A_31 = tpu.memref_slice %arg3[%dma_wait3A_29, %dma_wait3A_30] : memref<10240x256xf32, #tpu.memory_space<hbm>> -> memref<10240x256xf32, #tpu.memory_space<hbm>>
      tpu.wait_indirect_dma semaphore(%arg16 : memref<!tpu.dma_semaphore, #tpu.memory_space<semaphore_mem>>) src(%dma_wait3A_31 : memref<10240x256xf32, #tpu.memory_space<hbm>>) dst(%arg11 : memref<80x256xf32, #tpu.memory_space<vmem>>)
      %scan3A_32 = arith.constant 0 : i32
      %scan3A_33 = arith.constant 0 : i32
      %scan3A_34 = arith.constant 80 : i32
      %scan3A_35 = arith.addi %scan3A_33, %scan3A_34 : i32
      %scan3A_36 = arith.constant 1 : i32
      %scan3A_37 = scf.for %scan3A_636 = %scan3A_33 to %scan3A_35 step %scan3A_36 iter_args(%scan3A_637 = %scan3A_32) -> (i32)  : i32 {
        %broadcast_in_dim3A_638 = arith.constant 0.000000e+00 : f32
        %broadcast_in_dim3A_639 = vector.broadcast %broadcast_in_dim3A_638 : f32 to vector<16xf32>
        %get3A_640 = arith.index_cast %scan3A_636 : i32 to index
        %get3A_641 = arith.constant 0 : index
        %get3A_642 = tpu.vector_load %arg10[%get3A_640, %get3A_641] {strides = array<i32>} : memref<80x256xf32, #tpu.memory_space<vmem>>, vector<16xf32>,
        %get3A_643 = arith.index_cast %scan3A_636 : i32 to index
        %get3A_644 = arith.constant 0 : index
        %get3A_645 = tpu.vector_load %arg11[%get3A_643, %get3A_644] {strides = array<i32>} : memref<80x256xf32, #tpu.memory_space<vmem>>, vector<16xf32>,
        %mul3A_646 = arith.mulf %get3A_642, %get3A_645 : vector<16xf32>
        %add3A_647 = arith.addf %broadcast_in_dim3A_639, %mul3A_646 : vector<16xf32>
        %get3A_648 = arith.index_cast %scan3A_636 : i32 to index
        %get3A_649 = arith.constant 16 : index
        %get3A_650 = tpu.vector_load %arg10[%get3A_648, %get3A_649] {strides = array<i32>} : memref<80x256xf32, #tpu.memory_space<vmem>>, vector<16xf32>,
        %get3A_651 = arith.index_cast %scan3A_636 : i32 to index
        %get3A_652 = arith.constant 16 : index
        %get3A_653 = tpu.vector_load %arg11[%get3A_651, %get3A_652] {strides = array<i32>} : memref<80x256xf32, #tpu.memory_space<vmem>>, vector<16xf32>,
        %mul3A_654 = arith.mulf %get3A_650, %get3A_653 : vector<16xf32>
        %add3A_655 = arith.addf %add3A_647, %mul3A_654 : vector<16xf32>
        %get3A_656 = arith.index_cast %scan3A_636 : i32 to index
        %get3A_657 = arith.constant 32 : index
        %get3A_658 = tpu.vector_load %arg10[%get3A_656, %get3A_657] {strides = array<i32>} : memref<80x256xf32, #tpu.memory_space<vmem>>, vector<16xf32>,
        %get3A_659 = arith.index_cast %scan3A_636 : i32 to index
        %get3A_660 = arith.constant 32 : index
        %get3A_661 = tpu.vector_load %arg11[%get3A_659, %get3A_660] {strides = array<i32>} : memref<80x256xf32, #tpu.memory_space<vmem>>, vector<16xf32>,
        %mul3A_662 = arith.mulf %get3A_658, %get3A_661 : vector<16xf32>
        %add3A_663 = arith.addf %add3A_655, %mul3A_662 : vector<16xf32>
        %get3A_664 = arith.index_cast %scan3A_636 : i32 to index
        %get3A_665 = arith.constant 48 : index
        %get3A_666 = tpu.vector_load %arg10[%get3A_664, %get3A_665] {strides = array<i32>} : memref<80x256xf32, #tpu.memory_space<vmem>>, vector<16xf32>,
        %get3A_667 = arith.index_cast %scan3A_636 : i32 to index
        %get3A_668 = arith.constant 48 : index
        %get3A_669 = tpu.vector_load %arg11[%get3A_667, %get3A_668] {strides = array<i32>} : memref<80x256xf32, #tpu.memory_space<vmem>>, vector<16xf32>,
        %mul3A_670 = arith.mulf %get3A_666, %get3A_669 : vector<16xf32>
        %add3A_671 = arith.addf %add3A_663, %mul3A_670 : vector<16xf32>
        %get3A_672 = arith.index_cast %scan3A_636 : i32 to index
        %get3A_673 = arith.constant 64 : index
        %get3A_674 = tpu.vector_load %arg10[%get3A_672, %get3A_673] {strides = array<i32>} : memref<80x256xf32, #tpu.memory_space<vmem>>, vector<16xf32>,
        %get3A_675 = arith.index_cast %scan3A_636 : i32 to index
        %get3A_676 = arith.constant 64 : index
        %get3A_677 = tpu.vector_load %arg11[%get3A_675, %get3A_676] {strides = array<i32>} : memref<80x256xf32, #tpu.memory_space<vmem>>, vector<16xf32>,
        %mul3A_678 = arith.mulf %get3A_674, %get3A_677 : vector<16xf32>
        %add3A_679 = arith.addf %add3A_671, %mul3A_678 : vector<16xf32>
        %get3A_680 = arith.index_cast %scan3A_636 : i32 to index
        %get3A_681 = arith.constant 80 : index
        %get3A_682 = tpu.vector_load %arg10[%get3A_680, %get3A_681] {strides = array<i32>} : memref<80x256xf32, #tpu.memory_space<vmem>>, vector<16xf32>,
        %get3A_683 = arith.index_cast %scan3A_636 : i32 to index
        %get3A_684 = arith.constant 80 : index
        %get3A_685 = tpu.vector_load %arg11[%get3A_683, %get3A_684] {strides = array<i32>} : memref<80x256xf32, #tpu.memory_space<vmem>>, vector<16xf32>,
        %mul3A_686 = arith.mulf %get3A_682, %get3A_685 : vector<16xf32>
        %add3A_687 = arith.addf %add3A_679, %mul3A_686 : vector<16xf32>
        %get3A_688 = arith.index_cast %scan3A_636 : i32 to index
        %get3A_689 = arith.constant 96 : index
        %get3A_690 = tpu.vector_load %arg10[%get3A_688, %get3A_689] {strides = array<i32>} : memref<80x256xf32, #tpu.memory_space<vmem>>, vector<16xf32>,
        %get3A_691 = arith.index_cast %scan3A_636 : i32 to index
        %get3A_692 = arith.constant 96 : index
        %get3A_693 = tpu.vector_load %arg11[%get3A_691, %get3A_692] {strides = array<i32>} : memref<80x256xf32, #tpu.memory_space<vmem>>, vector<16xf32>,
        %mul3A_694 = arith.mulf %get3A_690, %get3A_693 : vector<16xf32>
        %add3A_695 = arith.addf %add3A_687, %mul3A_694 : vector<16xf32>
        %get3A_696 = arith.index_cast %scan3A_636 : i32 to index
        %get3A_697 = arith.constant 112 : index
        %get3A_698 = tpu.vector_load %arg10[%get3A_696, %get3A_697] {strides = array<i32>} : memref<80x256xf32, #tpu.memory_space<vmem>>, vector<16xf32>,
        %get3A_699 = arith.index_cast %scan3A_636 : i32 to index
        %get3A_700 = arith.constant 112 : index
        %get3A_701 = tpu.vector_load %arg11[%get3A_699, %get3A_700] {strides = array<i32>} : memref<80x256xf32, #tpu.memory_space<vmem>>, vector<16xf32>,
        %mul3A_702 = arith.mulf %get3A_698, %get3A_701 : vector<16xf32>
        %add3A_703 = arith.addf %add3A_695, %mul3A_702 : vector<16xf32>
        %get3A_704 = arith.index_cast %scan3A_636 : i32 to index
        %get3A_705 = arith.constant 128 : index
        %get3A_706 = tpu.vector_load %arg10[%get3A_704, %get3A_705] {strides = array<i32>} : memref<80x256xf32, #tpu.memory_space<vmem>>, vector<16xf32>,
        %get3A_707 = arith.index_cast %scan3A_636 : i32 to index
        %get3A_708 = arith.constant 128 : index
        %get3A_709 = tpu.vector_load %arg11[%get3A_707, %get3A_708] {strides = array<i32>} : memref<80x256xf32, #tpu.memory_space<vmem>>, vector<16xf32>,
        %mul3A_710 = arith.mulf %get3A_706, %get3A_709 : vector<16xf32>
        %add3A_711 = arith.addf %add3A_703, %mul3A_710 : vector<16xf32>
        %get3A_712 = arith.index_cast %scan3A_636 : i32 to index
        %get3A_713 = arith.constant 144 : index
        %get3A_714 = tpu.vector_load %arg10[%get3A_712, %get3A_713] {strides = array<i32>} : memref<80x256xf32, #tpu.memory_space<vmem>>, vector<16xf32>,
        %get3A_715 = arith.index_cast %scan3A_636 : i32 to index
        %get3A_716 = arith.constant 144 : index
        %get3A_717 = tpu.vector_load %arg11[%get3A_715, %get3A_716] {strides = array<i32>} : memref<80x256xf32, #tpu.memory_space<vmem>>, vector<16xf32>,
        %mul3A_718 = arith.mulf %get3A_714, %get3A_717 : vector<16xf32>
        %add3A_719 = arith.addf %add3A_711, %mul3A_718 : vector<16xf32>
        %get3A_720 = arith.index_cast %scan3A_636 : i32 to index
        %get3A_721 = arith.constant 160 : index
        %get3A_722 = tpu.vector_load %arg10[%get3A_720, %get3A_721] {strides = array<i32>} : memref<80x256xf32, #tpu.memory_space<vmem>>, vector<16xf32>,
        %get3A_723 = arith.index_cast %scan3A_636 : i32 to index
        %get3A_724 = arith.constant 160 : index
        %get3A_725 = tpu.vector_load %arg11[%get3A_723, %get3A_724] {strides = array<i32>} : memref<80x256xf32, #tpu.memory_space<vmem>>, vector<16xf32>,
        %mul3A_726 = arith.mulf %get3A_722, %get3A_725 : vector<16xf32>
        %add3A_727 = arith.addf %add3A_719, %mul3A_726 : vector<16xf32>
        %get3A_728 = arith.index_cast %scan3A_636 : i32 to index
        %get3A_729 = arith.constant 176 : index
        %get3A_730 = tpu.vector_load %arg10[%get3A_728, %get3A_729] {strides = array<i32>} : memref<80x256xf32, #tpu.memory_space<vmem>>, vector<16xf32>,
        %get3A_731 = arith.index_cast %scan3A_636 : i32 to index
        %get3A_732 = arith.constant 176 : index
        %get3A_733 = tpu.vector_load %arg11[%get3A_731, %get3A_732] {strides = array<i32>} : memref<80x256xf32, #tpu.memory_space<vmem>>, vector<16xf32>,
        %mul3A_734 = arith.mulf %get3A_730, %get3A_733 : vector<16xf32>
        %add3A_735 = arith.addf %add3A_727, %mul3A_734 : vector<16xf32>
        %get3A_736 = arith.index_cast %scan3A_636 : i32 to index
        %get3A_737 = arith.constant 192 : index
        %get3A_738 = tpu.vector_load %arg10[%get3A_736, %get3A_737] {strides = array<i32>} : memref<80x256xf32, #tpu.memory_space<vmem>>, vector<16xf32>,
        %get3A_739 = arith.index_cast %scan3A_636 : i32 to index
        %get3A_740 = arith.constant 192 : index
        %get3A_741 = tpu.vector_load %arg11[%get3A_739, %get3A_740] {strides = array<i32>} : memref<80x256xf32, #tpu.memory_space<vmem>>, vector<16xf32>,
        %mul3A_742 = arith.mulf %get3A_738, %get3A_741 : vector<16xf32>
        %add3A_743 = arith.addf %add3A_735, %mul3A_742 : vector<16xf32>
        %get3A_744 = arith.index_cast %scan3A_636 : i32 to index
        %get3A_745 = arith.constant 208 : index
        %get3A_746 = tpu.vector_load %arg10[%get3A_744, %get3A_745] {strides = array<i32>} : memref<80x256xf32, #tpu.memory_space<vmem>>, vector<16xf32>,
        %get3A_747 = arith.index_cast %scan3A_636 : i32 to index
        %get3A_748 = arith.constant 208 : index
        %get3A_749 = tpu.vector_load %arg11[%get3A_747, %get3A_748] {strides = array<i32>} : memref<80x256xf32, #tpu.memory_space<vmem>>, vector<16xf32>,
        %mul3A_750 = arith.mulf %get3A_746, %get3A_749 : vector<16xf32>
        %add3A_751 = arith.addf %add3A_743, %mul3A_750 : vector<16xf32>
        %get3A_752 = arith.index_cast %scan3A_636 : i32 to index
        %get3A_753 = arith.constant 224 : index
        %get3A_754 = tpu.vector_load %arg10[%get3A_752, %get3A_753] {strides = array<i32>} : memref<80x256xf32, #tpu.memory_space<vmem>>, vector<16xf32>,
        %get3A_755 = arith.index_cast %scan3A_636 : i32 to index
        %get3A_756 = arith.constant 224 : index
        %get3A_757 = tpu.vector_load %arg11[%get3A_755, %get3A_756] {strides = array<i32>} : memref<80x256xf32, #tpu.memory_space<vmem>>, vector<16xf32>,
        %mul3A_758 = arith.mulf %get3A_754, %get3A_757 : vector<16xf32>
        %add3A_759 = arith.addf %add3A_751, %mul3A_758 : vector<16xf32>
        %get3A_760 = arith.index_cast %scan3A_636 : i32 to index
        %get3A_761 = arith.constant 240 : index
        %get3A_762 = tpu.vector_load %arg10[%get3A_760, %get3A_761] {strides = array<i32>} : memref<80x256xf32, #tpu.memory_space<vmem>>, vector<16xf32>,
        %get3A_763 = arith.index_cast %scan3A_636 : i32 to index
        %get3A_764 = arith.constant 240 : index
        %get3A_765 = tpu.vector_load %arg11[%get3A_763, %get3A_764] {strides = array<i32>} : memref<80x256xf32, #tpu.memory_space<vmem>>, vector<16xf32>,
        %mul3A_766 = arith.mulf %get3A_762, %get3A_765 : vector<16xf32>
        %add3A_767 = arith.addf %add3A_759, %mul3A_766 : vector<16xf32>
        %cumsum3A = arith.constant true
        %cumsum3A_768 = vector.broadcast %cumsum3A : i1 to vector<16xi1>
        %cumsum3A_769 = tpu.scan <sum>, %add3A_767 masked %cumsum3A_768 : vector<16xf32>, vector<16xi1> -> vector<16xf32>
        %mul3A_770 = arith.constant 16 : i32
        %mul3A_771 = arith.muli %mul3A_770, %scan3A_636 : i32
        %swap3A_772 = arith.index_cast %mul3A_771 : i32 to index
        %swap3A_773 = tpu.vector_load %arg14[%swap3A_772] {strides = array<i32>} : memref<1280xf32, #tpu.memory_space<vmem>>, vector<16xf32>,
        tpu.vector_store %arg14[%swap3A_772], %cumsum3A_769 {strides = array<i32>} : memref<1280xf32, #tpu.memory_space<vmem>>, vector<16xf32>,
        %scan3A_774 = arith.constant 0 : i32
        scf.yield %scan3A_774 : i32
      }
      %scan3A_38 = arith.constant 80 : i32
      %add3A_39 = arith.constant 0 : i32
      %add3A_40 = vector.broadcast %add3A_39 : i32 to vector<16xi32>
      %add3A_41 = arith.addi %iota3A, %add3A_40 : vector<16xi32>
      %mul3A_42 = arith.constant 16 : i32
      %mul3A_43 = vector.broadcast %mul3A_42 : i32 to vector<16xi32>
      %mul3A_44 = arith.muli %add3A_41, %mul3A_43 : vector<16xi32>
      %add3A_45 = arith.constant 15 : i32
      %add3A_46 = vector.broadcast %add3A_45 : i32 to vector<16xi32>
      %add3A_47 = arith.addi %mul3A_44, %add3A_46 : vector<16xi32>
      %gather3A = tpu.vector_load_idx %arg14[%add3A_47] : memref<1280xf32, #tpu.memory_space<vmem>>[vector<16xi32>], vector<16xf32>,
      %gt3A = arith.constant 0.000000e+00 : f32
      %gt3A_48 = vector.broadcast %gt3A : f32 to vector<16xf32>
      %gt3A_49 = arith.cmpf ogt, %gather3A, %gt3A_48 : vector<16xf32>
      %mul3A_50 = arith.constant 2.000000e-01 : f32
      %mul3A_51 = vector.broadcast %mul3A_50 : f32 to vector<16xf32>
      %mul3A_52 = arith.mulf %mul3A_51, %gather3A : vector<16xf32>
      %select_n3A = arith.select %gt3A_49, %gather3A, %mul3A_52 : vector<16xi1>, vector<16xf32>
      %swap3A = arith.constant 0 : index
      %swap3A_53 = tpu.vector_load %arg12[%swap3A] {strides = array<i32>} : memref<80xf32, #tpu.memory_space<vmem>>, vector<16xf32>,
      tpu.vector_store %arg12[%swap3A], %select_n3A {strides = array<i32>} : memref<80xf32, #tpu.memory_space<vmem>>, vector<16xf32>,
      %get3A = arith.constant 0 : index
      %get3A_54 = tpu.vector_load %arg9[%get3A] {strides = array<i32>} : memref<80xi32, #tpu.memory_space<vmem>>, vector<16xi32>,
      %masked_sort3A = arith.constant dense<true> : vector<16xi1>
      %masked_sort3A_55 = arith.constant -2147483648 : i32
      %masked_sort3A_56 = vector.broadcast %masked_sort3A_55 : i32 to vector<16xi32>
      %masked_sort3A_57 = arith.xori %get3A_54, %masked_sort3A_56 : vector<16xi32>
      %masked_sort3A_58, %masked_sort3A_59, %masked_sort3A_60 = tpu.sort %masked_sort3A_57, %select_n3A masked %masked_sort3A : (vector<16xi32>, vector<16xf32>, vector<16xi1>) -> (vector<16xi1>, vector<16xi32>, vector<16xf32>)
      %masked_sort3A_61 = arith.xori %masked_sort3A_59, %masked_sort3A_56 : vector<16xi32>
      %iota3A_62 = tpu.iota {dimensions = array<i32: 0>} : vector<16xi32>
      %sub3A = arith.constant 1 : i32
      %sub3A_63 = vector.broadcast %sub3A : i32 to vector<16xi32>
      %sub3A_64 = arith.subi %iota3A_62, %sub3A_63 : vector<16xi32>
      %ge3A = arith.constant 0 : i32
      %ge3A_65 = vector.broadcast %ge3A : i32 to vector<16xi32>
      %ge3A_66 = arith.cmpi sge, %sub3A_64, %ge3A_65 : vector<16xi32>
      %max3A = arith.constant 0 : i32
      %max3A_67 = vector.broadcast %max3A : i32 to vector<16xi32>
      %max3A_68 = arith.maxsi %sub3A_64, %max3A_67 : vector<16xi32>
      %broadcast_in_dim3A_69 = vector.shape_cast %max3A_68 : vector<16xi32> to vector<16x1xi32>
      %gather3A_70 = vector.shape_cast %broadcast_in_dim3A_69 : vector<16x1xi32> to vector<16xi32>
      %gather3A_71 = tpu.dynamic_gather %masked_sort3A_61[%gather3A_70] in [0] : vector<16xi32>, vector<16xi32> -> vector<16xi32>
      %broadcast_in_dim3A_72 = vector.shape_cast %max3A_68 : vector<16xi32> to vector<16x1xi32>
      %gather3A_73 = vector.shape_cast %broadcast_in_dim3A_72 : vector<16x1xi32> to vector<16xi32>
      %gather3A_74 = tpu.dynamic_gather %masked_sort3A_60[%gather3A_73] in [0] : vector<16xf32>, vector<16xi32> -> vector<16xf32>
      %eq3A = arith.cmpi eq, %gather3A_71, %masked_sort3A_61 : vector<16xi32>
      %and3A = arith.andi %ge3A_66, %eq3A : vector<16xi1>
      %max3A_75 = arith.maximumf %masked_sort3A_60, %gather3A_74 : vector<16xf32>
      %select_n3A_76 = arith.select %and3A, %max3A_75, %masked_sort3A_60 : vector<16xi1>, vector<16xf32>
      %sub3A_77 = arith.constant 2 : i32
      %sub3A_78 = vector.broadcast %sub3A_77 : i32 to vector<16xi32>
      %sub3A_79 = arith.subi %iota3A_62, %sub3A_78 : vector<16xi32>
      %ge3A_80 = arith.constant 0 : i32
      %ge3A_81 = vector.broadcast %ge3A_80 : i32 to vector<16xi32>
      %ge3A_82 = arith.cmpi sge, %sub3A_79, %ge3A_81 : vector<16xi32>
      %max3A_83 = arith.constant 0 : i32
      %max3A_84 = vector.broadcast %max3A_83 : i32 to vector<16xi32>
      %max3A_85 = arith.maxsi %sub3A_79, %max3A_84 : vector<16xi32>
      %broadcast_in_dim3A_86 = vector.shape_cast %max3A_85 : vector<16xi32> to vector<16x1xi32>
      %gather3A_87 = vector.shape_cast %broadcast_in_dim3A_86 : vector<16x1xi32> to vector<16xi32>
      %gather3A_88 = tpu.dynamic_gather %masked_sort3A_61[%gather3A_87] in [0] : vector<16xi32>, vector<16xi32> -> vector<16xi32>
      %broadcast_in_dim3A_89 = vector.shape_cast %max3A_85 : vector<16xi32> to vector<16x1xi32>
      %gather3A_90 = vector.shape_cast %broadcast_in_dim3A_89 : vector<16x1xi32> to vector<16xi32>
      %gather3A_91 = tpu.dynamic_gather %select_n3A_76[%gather3A_90] in [0] : vector<16xf32>, vector<16xi32> -> vector<16xf32>
      %eq3A_92 = arith.cmpi eq, %gather3A_88, %masked_sort3A_61 : vector<16xi32>
      %and3A_93 = arith.andi %ge3A_82, %eq3A_92 : vector<16xi1>
      %max3A_94 = arith.maximumf %select_n3A_76, %gather3A_91 : vector<16xf32>
      %select_n3A_95 = arith.select %and3A_93, %max3A_94, %select_n3A_76 : vector<16xi1>, vector<16xf32>
      %sub3A_96 = arith.constant 4 : i32
      %sub3A_97 = vector.broadcast %sub3A_96 : i32 to vector<16xi32>
      %sub3A_98 = arith.subi %iota3A_62, %sub3A_97 : vector<16xi32>
      %ge3A_99 = arith.constant 0 : i32
      %ge3A_100 = vector.broadcast %ge3A_99 : i32 to vector<16xi32>
      %ge3A_101 = arith.cmpi sge, %sub3A_98, %ge3A_100 : vector<16xi32>
      %max3A_102 = arith.constant 0 : i32
      %max3A_103 = vector.broadcast %max3A_102 : i32 to vector<16xi32>
      %max3A_104 = arith.maxsi %sub3A_98, %max3A_103 : vector<16xi32>
      %broadcast_in_dim3A_105 = vector.shape_cast %max3A_104 : vector<16xi32> to vector<16x1xi32>
      %gather3A_106 = vector.shape_cast %broadcast_in_dim3A_105 : vector<16x1xi32> to vector<16xi32>
      %gather3A_107 = tpu.dynamic_gather %masked_sort3A_61[%gather3A_106] in [0] : vector<16xi32>, vector<16xi32> -> vector<16xi32>
      %broadcast_in_dim3A_108 = vector.shape_cast %max3A_104 : vector<16xi32> to vector<16x1xi32>
      %gather3A_109 = vector.shape_cast %broadcast_in_dim3A_108 : vector<16x1xi32> to vector<16xi32>
      %gather3A_110 = tpu.dynamic_gather %select_n3A_95[%gather3A_109] in [0] : vector<16xf32>, vector<16xi32> -> vector<16xf32>
      %eq3A_111 = arith.cmpi eq, %gather3A_107, %masked_sort3A_61 : vector<16xi32>
      %and3A_112 = arith.andi %ge3A_101, %eq3A_111 : vector<16xi1>
      %max3A_113 = arith.maximumf %select_n3A_95, %gather3A_110 : vector<16xf32>
      %select_n3A_114 = arith.select %and3A_112, %max3A_113, %select_n3A_95 : vector<16xi1>, vector<16xf32>
      %sub3A_115 = arith.constant 8 : i32
      %sub3A_116 = vector.broadcast %sub3A_115 : i32 to vector<16xi32>
      %sub3A_117 = arith.subi %iota3A_62, %sub3A_116 : vector<16xi32>
      %ge3A_118 = arith.constant 0 : i32
      %ge3A_119 = vector.broadcast %ge3A_118 : i32 to vector<16xi32>
      %ge3A_120 = arith.cmpi sge, %sub3A_117, %ge3A_119 : vector<16xi32>
      %max3A_121 = arith.constant 0 : i32
      %max3A_122 = vector.broadcast %max3A_121 : i32 to vector<16xi32>
      %max3A_123 = arith.maxsi %sub3A_117, %max3A_122 : vector<16xi32>
      %broadcast_in_dim3A_124 = vector.shape_cast %max3A_123 : vector<16xi32> to vector<16x1xi32>
      %gather3A_125 = vector.shape_cast %broadcast_in_dim3A_124 : vector<16x1xi32> to vector<16xi32>
      %gather3A_126 = tpu.dynamic_gather %masked_sort3A_61[%gather3A_125] in [0] : vector<16xi32>, vector<16xi32> -> vector<16xi32>
      %broadcast_in_dim3A_127 = vector.shape_cast %max3A_123 : vector<16xi32> to vector<16x1xi32>
      %gather3A_128 = vector.shape_cast %broadcast_in_dim3A_127 : vector<16x1xi32> to vector<16xi32>
      %gather3A_129 = tpu.dynamic_gather %select_n3A_114[%gather3A_128] in [0] : vector<16xf32>, vector<16xi32> -> vector<16xf32>
      %eq3A_130 = arith.cmpi eq, %gather3A_126, %masked_sort3A_61 : vector<16xi32>
      %and3A_131 = arith.andi %ge3A_120, %eq3A_130 : vector<16xi1>
      %max3A_132 = arith.maximumf %select_n3A_114, %gather3A_129 : vector<16xf32>
      %select_n3A_133 = arith.select %and3A_131, %max3A_132, %select_n3A_114 : vector<16xi1>, vector<16xf32>
      %add3A_134 = arith.constant 1 : i32
      %add3A_135 = vector.broadcast %add3A_134 : i32 to vector<16xi32>
      %add3A_136 = arith.addi %iota3A_62, %add3A_135 : vector<16xi32>
      %min3A = arith.constant 15 : i32
      %min3A_137 = vector.broadcast %min3A : i32 to vector<16xi32>
      %min3A_138 = arith.minsi %add3A_136, %min3A_137 : vector<16xi32>
      %broadcast_in_dim3A_139 = vector.shape_cast %min3A_138 : vector<16xi32> to vector<16x1xi32>
      %gather3A_140 = vector.shape_cast %broadcast_in_dim3A_139 : vector<16x1xi32> to vector<16xi32>
      %gather3A_141 = tpu.dynamic_gather %masked_sort3A_61[%gather3A_140] in [0] : vector<16xi32>, vector<16xi32> -> vector<16xi32>
      %eq3A_142 = arith.constant 15 : i32
      %eq3A_143 = vector.broadcast %eq3A_142 : i32 to vector<16xi32>
      %eq3A_144 = arith.cmpi eq, %iota3A_62, %eq3A_143 : vector<16xi32>
      %ne3A = arith.cmpi ne, %gather3A_141, %masked_sort3A_61 : vector<16xi32>
      %or3A = arith.ori %eq3A_144, %ne3A : vector<16xi1>
      %gather3A_145 = tpu.vector_load_idx %arg13[%masked_sort3A_61] : memref<10240xf32, #tpu.memory_space<vmem>>[vector<16xi32>], vector<16xf32>,
      %max3A_146 = arith.maximumf %gather3A_145, %select_n3A_133 : vector<16xf32>
      tpu.vector_store_idx %arg13[%masked_sort3A_61], %max3A_146 masked %or3A : memref<10240xf32, #tpu.memory_space<vmem>>[vector<16xi32>], vector<16xf32>, vector<16xi1>
      %add3A_147 = arith.constant 16 : i32
      %add3A_148 = vector.broadcast %add3A_147 : i32 to vector<16xi32>
      %add3A_149 = arith.addi %iota3A, %add3A_148 : vector<16xi32>
      %mul3A_150 = arith.constant 16 : i32
      %mul3A_151 = vector.broadcast %mul3A_150 : i32 to vector<16xi32>
      %mul3A_152 = arith.muli %add3A_149, %mul3A_151 : vector<16xi32>
      %add3A_153 = arith.constant 15 : i32
      %add3A_154 = vector.broadcast %add3A_153 : i32 to vector<16xi32>
      %add3A_155 = arith.addi %mul3A_152, %add3A_154 : vector<16xi32>
      %gather3A_156 = tpu.vector_load_idx %arg14[%add3A_155] : memref<1280xf32, #tpu.memory_space<vmem>>[vector<16xi32>], vector<16xf32>,
      %gt3A_157 = arith.constant 0.000000e+00 : f32
      %gt3A_158 = vector.broadcast %gt3A_157 : f32 to vector<16xf32>
      %gt3A_159 = arith.cmpf ogt, %gather3A_156, %gt3A_158 : vector<16xf32>
      %mul3A_160 = arith.constant 2.000000e-01 : f32
      %mul3A_161 = vector.broadcast %mul3A_160 : f32 to vector<16xf32>
      %mul3A_162 = arith.mulf %mul3A_161, %gather3A_156 : vector<16xf32>
      %select_n3A_163 = arith.select %gt3A_159, %gather3A_156, %mul3A_162 : vector<16xi1>, vector<16xf32>
      %swap3A_164 = arith.constant 16 : index
      %swap3A_165 = tpu.vector_load %arg12[%swap3A_164] {strides = array<i32>} : memref<80xf32, #tpu.memory_space<vmem>>, vector<16xf32>,
      tpu.vector_store %arg12[%swap3A_164], %select_n3A_163 {strides = array<i32>} : memref<80xf32, #tpu.memory_space<vmem>>, vector<16xf32>,
      %get3A_166 = arith.constant 16 : index
      %get3A_167 = tpu.vector_load %arg9[%get3A_166] {strides = array<i32>} : memref<80xi32, #tpu.memory_space<vmem>>, vector<16xi32>,
      %masked_sort3A_168 = arith.constant dense<true> : vector<16xi1>
      %masked_sort3A_169 = arith.constant -2147483648 : i32
      %masked_sort3A_170 = vector.broadcast %masked_sort3A_169 : i32 to vector<16xi32>
      %masked_sort3A_171 = arith.xori %get3A_167, %masked_sort3A_170 : vector<16xi32>
      %masked_sort3A_172, %masked_sort3A_173, %masked_sort3A_174 = tpu.sort %masked_sort3A_171, %select_n3A_163 masked %masked_sort3A_168 : (vector<16xi32>, vector<16xf32>, vector<16xi1>) -> (vector<16xi1>, vector<16xi32>, vector<16xf32>)
      %masked_sort3A_175 = arith.xori %masked_sort3A_173, %masked_sort3A_170 : vector<16xi32>
      %iota3A_176 = tpu.iota {dimensions = array<i32: 0>} : vector<16xi32>
      %sub3A_177 = arith.constant 1 : i32
      %sub3A_178 = vector.broadcast %sub3A_177 : i32 to vector<16xi32>
      %sub3A_179 = arith.subi %iota3A_176, %sub3A_178 : vector<16xi32>
      %ge3A_180 = arith.constant 0 : i32
      %ge3A_181 = vector.broadcast %ge3A_180 : i32 to vector<16xi32>
      %ge3A_182 = arith.cmpi sge, %sub3A_179, %ge3A_181 : vector<16xi32>
      %max3A_183 = arith.constant 0 : i32
      %max3A_184 = vector.broadcast %max3A_183 : i32 to vector<16xi32>
      %max3A_185 = arith.maxsi %sub3A_179, %max3A_184 : vector<16xi32>
      %broadcast_in_dim3A_186 = vector.shape_cast %max3A_185 : vector<16xi32> to vector<16x1xi32>
      %gather3A_187 = vector.shape_cast %broadcast_in_dim3A_186 : vector<16x1xi32> to vector<16xi32>
      %gather3A_188 = tpu.dynamic_gather %masked_sort3A_175[%gather3A_187] in [0] : vector<16xi32>, vector<16xi32> -> vector<16xi32>
      %broadcast_in_dim3A_189 = vector.shape_cast %max3A_185 : vector<16xi32> to vector<16x1xi32>
      %gather3A_190 = vector.shape_cast %broadcast_in_dim3A_189 : vector<16x1xi32> to vector<16xi32>
      %gather3A_191 = tpu.dynamic_gather %masked_sort3A_174[%gather3A_190] in [0] : vector<16xf32>, vector<16xi32> -> vector<16xf32>
      %eq3A_192 = arith.cmpi eq, %gather3A_188, %masked_sort3A_175 : vector<16xi32>
      %and3A_193 = arith.andi %ge3A_182, %eq3A_192 : vector<16xi1>
      %max3A_194 = arith.maximumf %masked_sort3A_174, %gather3A_191 : vector<16xf32>
      %select_n3A_195 = arith.select %and3A_193, %max3A_194, %masked_sort3A_174 : vector<16xi1>, vector<16xf32>
      %sub3A_196 = arith.constant 2 : i32
      %sub3A_197 = vector.broadcast %sub3A_196 : i32 to vector<16xi32>
      %sub3A_198 = arith.subi %iota3A_176, %sub3A_197 : vector<16xi32>
      %ge3A_199 = arith.constant 0 : i32
      %ge3A_200 = vector.broadcast %ge3A_199 : i32 to vector<16xi32>
      %ge3A_201 = arith.cmpi sge, %sub3A_198, %ge3A_200 : vector<16xi32>
      %max3A_202 = arith.constant 0 : i32
      %max3A_203 = vector.broadcast %max3A_202 : i32 to vector<16xi32>
      %max3A_204 = arith.maxsi %sub3A_198, %max3A_203 : vector<16xi32>
      %broadcast_in_dim3A_205 = vector.shape_cast %max3A_204 : vector<16xi32> to vector<16x1xi32>
      %gather3A_206 = vector.shape_cast %broadcast_in_dim3A_205 : vector<16x1xi32> to vector<16xi32>
      %gather3A_207 = tpu.dynamic_gather %masked_sort3A_175[%gather3A_206] in [0] : vector<16xi32>, vector<16xi32> -> vector<16xi32>
      %broadcast_in_dim3A_208 = vector.shape_cast %max3A_204 : vector<16xi32> to vector<16x1xi32>
      %gather3A_209 = vector.shape_cast %broadcast_in_dim3A_208 : vector<16x1xi32> to vector<16xi32>
      %gather3A_210 = tpu.dynamic_gather %select_n3A_195[%gather3A_209] in [0] : vector<16xf32>, vector<16xi32> -> vector<16xf32>
      %eq3A_211 = arith.cmpi eq, %gather3A_207, %masked_sort3A_175 : vector<16xi32>
      %and3A_212 = arith.andi %ge3A_201, %eq3A_211 : vector<16xi1>
      %max3A_213 = arith.maximumf %select_n3A_195, %gather3A_210 : vector<16xf32>
      %select_n3A_214 = arith.select %and3A_212, %max3A_213, %select_n3A_195 : vector<16xi1>, vector<16xf32>
      %sub3A_215 = arith.constant 4 : i32
      %sub3A_216 = vector.broadcast %sub3A_215 : i32 to vector<16xi32>
      %sub3A_217 = arith.subi %iota3A_176, %sub3A_216 : vector<16xi32>
      %ge3A_218 = arith.constant 0 : i32
      %ge3A_219 = vector.broadcast %ge3A_218 : i32 to vector<16xi32>
      %ge3A_220 = arith.cmpi sge, %sub3A_217, %ge3A_219 : vector<16xi32>
      %max3A_221 = arith.constant 0 : i32
      %max3A_222 = vector.broadcast %max3A_221 : i32 to vector<16xi32>
      %max3A_223 = arith.maxsi %sub3A_217, %max3A_222 : vector<16xi32>
      %broadcast_in_dim3A_224 = vector.shape_cast %max3A_223 : vector<16xi32> to vector<16x1xi32>
      %gather3A_225 = vector.shape_cast %broadcast_in_dim3A_224 : vector<16x1xi32> to vector<16xi32>
      %gather3A_226 = tpu.dynamic_gather %masked_sort3A_175[%gather3A_225] in [0] : vector<16xi32>, vector<16xi32> -> vector<16xi32>
      %broadcast_in_dim3A_227 = vector.shape_cast %max3A_223 : vector<16xi32> to vector<16x1xi32>
      %gather3A_228 = vector.shape_cast %broadcast_in_dim3A_227 : vector<16x1xi32> to vector<16xi32>
      %gather3A_229 = tpu.dynamic_gather %select_n3A_214[%gather3A_228] in [0] : vector<16xf32>, vector<16xi32> -> vector<16xf32>
      %eq3A_230 = arith.cmpi eq, %gather3A_226, %masked_sort3A_175 : vector<16xi32>
      %and3A_231 = arith.andi %ge3A_220, %eq3A_230 : vector<16xi1>
      %max3A_232 = arith.maximumf %select_n3A_214, %gather3A_229 : vector<16xf32>
      %select_n3A_233 = arith.select %and3A_231, %max3A_232, %select_n3A_214 : vector<16xi1>, vector<16xf32>
      %sub3A_234 = arith.constant 8 : i32
      %sub3A_235 = vector.broadcast %sub3A_234 : i32 to vector<16xi32>
      %sub3A_236 = arith.subi %iota3A_176, %sub3A_235 : vector<16xi32>
      %ge3A_237 = arith.constant 0 : i32
      %ge3A_238 = vector.broadcast %ge3A_237 : i32 to vector<16xi32>
      %ge3A_239 = arith.cmpi sge, %sub3A_236, %ge3A_238 : vector<16xi32>
      %max3A_240 = arith.constant 0 : i32
      %max3A_241 = vector.broadcast %max3A_240 : i32 to vector<16xi32>
      %max3A_242 = arith.maxsi %sub3A_236, %max3A_241 : vector<16xi32>
      %broadcast_in_dim3A_243 = vector.shape_cast %max3A_242 : vector<16xi32> to vector<16x1xi32>
      %gather3A_244 = vector.shape_cast %broadcast_in_dim3A_243 : vector<16x1xi32> to vector<16xi32>
      %gather3A_245 = tpu.dynamic_gather %masked_sort3A_175[%gather3A_244] in [0] : vector<16xi32>, vector<16xi32> -> vector<16xi32>
      %broadcast_in_dim3A_246 = vector.shape_cast %max3A_242 : vector<16xi32> to vector<16x1xi32>
      %gather3A_247 = vector.shape_cast %broadcast_in_dim3A_246 : vector<16x1xi32> to vector<16xi32>
      %gather3A_248 = tpu.dynamic_gather %select_n3A_233[%gather3A_247] in [0] : vector<16xf32>, vector<16xi32> -> vector<16xf32>
      %eq3A_249 = arith.cmpi eq, %gather3A_245, %masked_sort3A_175 : vector<16xi32>
      %and3A_250 = arith.andi %ge3A_239, %eq3A_249 : vector<16xi1>
      %max3A_251 = arith.maximumf %select_n3A_233, %gather3A_248 : vector<16xf32>
      %select_n3A_252 = arith.select %and3A_250, %max3A_251, %select_n3A_233 : vector<16xi1>, vector<16xf32>
      %add3A_253 = arith.constant 1 : i32
      %add3A_254 = vector.broadcast %add3A_253 : i32 to vector<16xi32>
      %add3A_255 = arith.addi %iota3A_176, %add3A_254 : vector<16xi32>
      %min3A_256 = arith.constant 15 : i32
      %min3A_257 = vector.broadcast %min3A_256 : i32 to vector<16xi32>
      %min3A_258 = arith.minsi %add3A_255, %min3A_257 : vector<16xi32>
      %broadcast_in_dim3A_259 = vector.shape_cast %min3A_258 : vector<16xi32> to vector<16x1xi32>
      %gather3A_260 = vector.shape_cast %broadcast_in_dim3A_259 : vector<16x1xi32> to vector<16xi32>
      %gather3A_261 = tpu.dynamic_gather %masked_sort3A_175[%gather3A_260] in [0] : vector<16xi32>, vector<16xi32> -> vector<16xi32>
      %eq3A_262 = arith.constant 15 : i32
      %eq3A_263 = vector.broadcast %eq3A_262 : i32 to vector<16xi32>
      %eq3A_264 = arith.cmpi eq, %iota3A_176, %eq3A_263 : vector<16xi32>
      %ne3A_265 = arith.cmpi ne, %gather3A_261, %masked_sort3A_175 : vector<16xi32>
      %or3A_266 = arith.ori %eq3A_264, %ne3A_265 : vector<16xi1>
      %gather3A_267 = tpu.vector_load_idx %arg13[%masked_sort3A_175] : memref<10240xf32, #tpu.memory_space<vmem>>[vector<16xi32>], vector<16xf32>,
      %max3A_268 = arith.maximumf %gather3A_267, %select_n3A_252 : vector<16xf32>
      tpu.vector_store_idx %arg13[%masked_sort3A_175], %max3A_268 masked %or3A_266 : memref<10240xf32, #tpu.memory_space<vmem>>[vector<16xi32>], vector<16xf32>, vector<16xi1>
      %add3A_269 = arith.constant 32 : i32
      %add3A_270 = vector.broadcast %add3A_269 : i32 to vector<16xi32>
      %add3A_271 = arith.addi %iota3A, %add3A_270 : vector<16xi32>
      %mul3A_272 = arith.constant 16 : i32
      %mul3A_273 = vector.broadcast %mul3A_272 : i32 to vector<16xi32>
      %mul3A_274 = arith.muli %add3A_271, %mul3A_273 : vector<16xi32>
      %add3A_275 = arith.constant 15 : i32
      %add3A_276 = vector.broadcast %add3A_275 : i32 to vector<16xi32>
      %add3A_277 = arith.addi %mul3A_274, %add3A_276 : vector<16xi32>
      %gather3A_278 = tpu.vector_load_idx %arg14[%add3A_277] : memref<1280xf32, #tpu.memory_space<vmem>>[vector<16xi32>], vector<16xf32>,
      %gt3A_279 = arith.constant 0.000000e+00 : f32
      %gt3A_280 = vector.broadcast %gt3A_279 : f32 to vector<16xf32>
      %gt3A_281 = arith.cmpf ogt, %gather3A_278, %gt3A_280 : vector<16xf32>
      %mul3A_282 = arith.constant 2.000000e-01 : f32
      %mul3A_283 = vector.broadcast %mul3A_282 : f32 to vector<16xf32>
      %mul3A_284 = arith.mulf %mul3A_283, %gather3A_278 : vector<16xf32>
      %select_n3A_285 = arith.select %gt3A_281, %gather3A_278, %mul3A_284 : vector<16xi1>, vector<16xf32>
      %swap3A_286 = arith.constant 32 : index
      %swap3A_287 = tpu.vector_load %arg12[%swap3A_286] {strides = array<i32>} : memref<80xf32, #tpu.memory_space<vmem>>, vector<16xf32>,
      tpu.vector_store %arg12[%swap3A_286], %select_n3A_285 {strides = array<i32>} : memref<80xf32, #tpu.memory_space<vmem>>, vector<16xf32>,
      %get3A_288 = arith.constant 32 : index
      %get3A_289 = tpu.vector_load %arg9[%get3A_288] {strides = array<i32>} : memref<80xi32, #tpu.memory_space<vmem>>, vector<16xi32>,
      %masked_sort3A_290 = arith.constant dense<true> : vector<16xi1>
      %masked_sort3A_291 = arith.constant -2147483648 : i32
      %masked_sort3A_292 = vector.broadcast %masked_sort3A_291 : i32 to vector<16xi32>
      %masked_sort3A_293 = arith.xori %get3A_289, %masked_sort3A_292 : vector<16xi32>
      %masked_sort3A_294, %masked_sort3A_295, %masked_sort3A_296 = tpu.sort %masked_sort3A_293, %select_n3A_285 masked %masked_sort3A_290 : (vector<16xi32>, vector<16xf32>, vector<16xi1>) -> (vector<16xi1>, vector<16xi32>, vector<16xf32>)
      %masked_sort3A_297 = arith.xori %masked_sort3A_295, %masked_sort3A_292 : vector<16xi32>
      %iota3A_298 = tpu.iota {dimensions = array<i32: 0>} : vector<16xi32>
      %sub3A_299 = arith.constant 1 : i32
      %sub3A_300 = vector.broadcast %sub3A_299 : i32 to vector<16xi32>
      %sub3A_301 = arith.subi %iota3A_298, %sub3A_300 : vector<16xi32>
      %ge3A_302 = arith.constant 0 : i32
      %ge3A_303 = vector.broadcast %ge3A_302 : i32 to vector<16xi32>
      %ge3A_304 = arith.cmpi sge, %sub3A_301, %ge3A_303 : vector<16xi32>
      %max3A_305 = arith.constant 0 : i32
      %max3A_306 = vector.broadcast %max3A_305 : i32 to vector<16xi32>
      %max3A_307 = arith.maxsi %sub3A_301, %max3A_306 : vector<16xi32>
      %broadcast_in_dim3A_308 = vector.shape_cast %max3A_307 : vector<16xi32> to vector<16x1xi32>
      %gather3A_309 = vector.shape_cast %broadcast_in_dim3A_308 : vector<16x1xi32> to vector<16xi32>
      %gather3A_310 = tpu.dynamic_gather %masked_sort3A_297[%gather3A_309] in [0] : vector<16xi32>, vector<16xi32> -> vector<16xi32>
      %broadcast_in_dim3A_311 = vector.shape_cast %max3A_307 : vector<16xi32> to vector<16x1xi32>
      %gather3A_312 = vector.shape_cast %broadcast_in_dim3A_311 : vector<16x1xi32> to vector<16xi32>
      %gather3A_313 = tpu.dynamic_gather %masked_sort3A_296[%gather3A_312] in [0] : vector<16xf32>, vector<16xi32> -> vector<16xf32>
      %eq3A_314 = arith.cmpi eq, %gather3A_310, %masked_sort3A_297 : vector<16xi32>
      %and3A_315 = arith.andi %ge3A_304, %eq3A_314 : vector<16xi1>
      %max3A_316 = arith.maximumf %masked_sort3A_296, %gather3A_313 : vector<16xf32>
      %select_n3A_317 = arith.select %and3A_315, %max3A_316, %masked_sort3A_296 : vector<16xi1>, vector<16xf32>
      %sub3A_318 = arith.constant 2 : i32
      %sub3A_319 = vector.broadcast %sub3A_318 : i32 to vector<16xi32>
      %sub3A_320 = arith.subi %iota3A_298, %sub3A_319 : vector<16xi32>
      %ge3A_321 = arith.constant 0 : i32
      %ge3A_322 = vector.broadcast %ge3A_321 : i32 to vector<16xi32>
      %ge3A_323 = arith.cmpi sge, %sub3A_320, %ge3A_322 : vector<16xi32>
      %max3A_324 = arith.constant 0 : i32
      %max3A_325 = vector.broadcast %max3A_324 : i32 to vector<16xi32>
      %max3A_326 = arith.maxsi %sub3A_320, %max3A_325 : vector<16xi32>
      %broadcast_in_dim3A_327 = vector.shape_cast %max3A_326 : vector<16xi32> to vector<16x1xi32>
      %gather3A_328 = vector.shape_cast %broadcast_in_dim3A_327 : vector<16x1xi32> to vector<16xi32>
      %gather3A_329 = tpu.dynamic_gather %masked_sort3A_297[%gather3A_328] in [0] : vector<16xi32>, vector<16xi32> -> vector<16xi32>
      %broadcast_in_dim3A_330 = vector.shape_cast %max3A_326 : vector<16xi32> to vector<16x1xi32>
      %gather3A_331 = vector.shape_cast %broadcast_in_dim3A_330 : vector<16x1xi32> to vector<16xi32>
      %gather3A_332 = tpu.dynamic_gather %select_n3A_317[%gather3A_331] in [0] : vector<16xf32>, vector<16xi32> -> vector<16xf32>
      %eq3A_333 = arith.cmpi eq, %gather3A_329, %masked_sort3A_297 : vector<16xi32>
      %and3A_334 = arith.andi %ge3A_323, %eq3A_333 : vector<16xi1>
      %max3A_335 = arith.maximumf %select_n3A_317, %gather3A_332 : vector<16xf32>
      %select_n3A_336 = arith.select %and3A_334, %max3A_335, %select_n3A_317 : vector<16xi1>, vector<16xf32>
      %sub3A_337 = arith.constant 4 : i32
      %sub3A_338 = vector.broadcast %sub3A_337 : i32 to vector<16xi32>
      %sub3A_339 = arith.subi %iota3A_298, %sub3A_338 : vector<16xi32>
      %ge3A_340 = arith.constant 0 : i32
      %ge3A_341 = vector.broadcast %ge3A_340 : i32 to vector<16xi32>
      %ge3A_342 = arith.cmpi sge, %sub3A_339, %ge3A_341 : vector<16xi32>
      %max3A_343 = arith.constant 0 : i32
      %max3A_344 = vector.broadcast %max3A_343 : i32 to vector<16xi32>
      %max3A_345 = arith.maxsi %sub3A_339, %max3A_344 : vector<16xi32>
      %broadcast_in_dim3A_346 = vector.shape_cast %max3A_345 : vector<16xi32> to vector<16x1xi32>
      %gather3A_347 = vector.shape_cast %broadcast_in_dim3A_346 : vector<16x1xi32> to vector<16xi32>
      %gather3A_348 = tpu.dynamic_gather %masked_sort3A_297[%gather3A_347] in [0] : vector<16xi32>, vector<16xi32> -> vector<16xi32>
      %broadcast_in_dim3A_349 = vector.shape_cast %max3A_345 : vector<16xi32> to vector<16x1xi32>
      %gather3A_350 = vector.shape_cast %broadcast_in_dim3A_349 : vector<16x1xi32> to vector<16xi32>
      %gather3A_351 = tpu.dynamic_gather %select_n3A_336[%gather3A_350] in [0] : vector<16xf32>, vector<16xi32> -> vector<16xf32>
      %eq3A_352 = arith.cmpi eq, %gather3A_348, %masked_sort3A_297 : vector<16xi32>
      %and3A_353 = arith.andi %ge3A_342, %eq3A_352 : vector<16xi1>
      %max3A_354 = arith.maximumf %select_n3A_336, %gather3A_351 : vector<16xf32>
      %select_n3A_355 = arith.select %and3A_353, %max3A_354, %select_n3A_336 : vector<16xi1>, vector<16xf32>
      %sub3A_356 = arith.constant 8 : i32
      %sub3A_357 = vector.broadcast %sub3A_356 : i32 to vector<16xi32>
      %sub3A_358 = arith.subi %iota3A_298, %sub3A_357 : vector<16xi32>
      %ge3A_359 = arith.constant 0 : i32
      %ge3A_360 = vector.broadcast %ge3A_359 : i32 to vector<16xi32>
      %ge3A_361 = arith.cmpi sge, %sub3A_358, %ge3A_360 : vector<16xi32>
      %max3A_362 = arith.constant 0 : i32
      %max3A_363 = vector.broadcast %max3A_362 : i32 to vector<16xi32>
      %max3A_364 = arith.maxsi %sub3A_358, %max3A_363 : vector<16xi32>
      %broadcast_in_dim3A_365 = vector.shape_cast %max3A_364 : vector<16xi32> to vector<16x1xi32>
      %gather3A_366 = vector.shape_cast %broadcast_in_dim3A_365 : vector<16x1xi32> to vector<16xi32>
      %gather3A_367 = tpu.dynamic_gather %masked_sort3A_297[%gather3A_366] in [0] : vector<16xi32>, vector<16xi32> -> vector<16xi32>
      %broadcast_in_dim3A_368 = vector.shape_cast %max3A_364 : vector<16xi32> to vector<16x1xi32>
      %gather3A_369 = vector.shape_cast %broadcast_in_dim3A_368 : vector<16x1xi32> to vector<16xi32>
      %gather3A_370 = tpu.dynamic_gather %select_n3A_355[%gather3A_369] in [0] : vector<16xf32>, vector<16xi32> -> vector<16xf32>
      %eq3A_371 = arith.cmpi eq, %gather3A_367, %masked_sort3A_297 : vector<16xi32>
      %and3A_372 = arith.andi %ge3A_361, %eq3A_371 : vector<16xi1>
      %max3A_373 = arith.maximumf %select_n3A_355, %gather3A_370 : vector<16xf32>
      %select_n3A_374 = arith.select %and3A_372, %max3A_373, %select_n3A_355 : vector<16xi1>, vector<16xf32>
      %add3A_375 = arith.constant 1 : i32
      %add3A_376 = vector.broadcast %add3A_375 : i32 to vector<16xi32>
      %add3A_377 = arith.addi %iota3A_298, %add3A_376 : vector<16xi32>
      %min3A_378 = arith.constant 15 : i32
      %min3A_379 = vector.broadcast %min3A_378 : i32 to vector<16xi32>
      %min3A_380 = arith.minsi %add3A_377, %min3A_379 : vector<16xi32>
      %broadcast_in_dim3A_381 = vector.shape_cast %min3A_380 : vector<16xi32> to vector<16x1xi32>
      %gather3A_382 = vector.shape_cast %broadcast_in_dim3A_381 : vector<16x1xi32> to vector<16xi32>
      %gather3A_383 = tpu.dynamic_gather %masked_sort3A_297[%gather3A_382] in [0] : vector<16xi32>, vector<16xi32> -> vector<16xi32>
      %eq3A_384 = arith.constant 15 : i32
      %eq3A_385 = vector.broadcast %eq3A_384 : i32 to vector<16xi32>
      %eq3A_386 = arith.cmpi eq, %iota3A_298, %eq3A_385 : vector<16xi32>
      %ne3A_387 = arith.cmpi ne, %gather3A_383, %masked_sort3A_297 : vector<16xi32>
      %or3A_388 = arith.ori %eq3A_386, %ne3A_387 : vector<16xi1>
      %gather3A_389 = tpu.vector_load_idx %arg13[%masked_sort3A_297] : memref<10240xf32, #tpu.memory_space<vmem>>[vector<16xi32>], vector<16xf32>,
      %max3A_390 = arith.maximumf %gather3A_389, %select_n3A_374 : vector<16xf32>
      tpu.vector_store_idx %arg13[%masked_sort3A_297], %max3A_390 masked %or3A_388 : memref<10240xf32, #tpu.memory_space<vmem>>[vector<16xi32>], vector<16xf32>, vector<16xi1>
      %add3A_391 = arith.constant 48 : i32
      %add3A_392 = vector.broadcast %add3A_391 : i32 to vector<16xi32>
      %add3A_393 = arith.addi %iota3A, %add3A_392 : vector<16xi32>
      %mul3A_394 = arith.constant 16 : i32
      %mul3A_395 = vector.broadcast %mul3A_394 : i32 to vector<16xi32>
      %mul3A_396 = arith.muli %add3A_393, %mul3A_395 : vector<16xi32>
      %add3A_397 = arith.constant 15 : i32
      %add3A_398 = vector.broadcast %add3A_397 : i32 to vector<16xi32>
      %add3A_399 = arith.addi %mul3A_396, %add3A_398 : vector<16xi32>
      %gather3A_400 = tpu.vector_load_idx %arg14[%add3A_399] : memref<1280xf32, #tpu.memory_space<vmem>>[vector<16xi32>], vector<16xf32>,
      %gt3A_401 = arith.constant 0.000000e+00 : f32
      %gt3A_402 = vector.broadcast %gt3A_401 : f32 to vector<16xf32>
      %gt3A_403 = arith.cmpf ogt, %gather3A_400, %gt3A_402 : vector<16xf32>
      %mul3A_404 = arith.constant 2.000000e-01 : f32
      %mul3A_405 = vector.broadcast %mul3A_404 : f32 to vector<16xf32>
      %mul3A_406 = arith.mulf %mul3A_405, %gather3A_400 : vector<16xf32>
      %select_n3A_407 = arith.select %gt3A_403, %gather3A_400, %mul3A_406 : vector<16xi1>, vector<16xf32>
      %swap3A_408 = arith.constant 48 : index
      %swap3A_409 = tpu.vector_load %arg12[%swap3A_408] {strides = array<i32>} : memref<80xf32, #tpu.memory_space<vmem>>, vector<16xf32>,
      tpu.vector_store %arg12[%swap3A_408], %select_n3A_407 {strides = array<i32>} : memref<80xf32, #tpu.memory_space<vmem>>, vector<16xf32>,
      %get3A_410 = arith.constant 48 : index
      %get3A_411 = tpu.vector_load %arg9[%get3A_410] {strides = array<i32>} : memref<80xi32, #tpu.memory_space<vmem>>, vector<16xi32>,
      %masked_sort3A_412 = arith.constant dense<true> : vector<16xi1>
      %masked_sort3A_413 = arith.constant -2147483648 : i32
      %masked_sort3A_414 = vector.broadcast %masked_sort3A_413 : i32 to vector<16xi32>
      %masked_sort3A_415 = arith.xori %get3A_411, %masked_sort3A_414 : vector<16xi32>
      %masked_sort3A_416, %masked_sort3A_417, %masked_sort3A_418 = tpu.sort %masked_sort3A_415, %select_n3A_407 masked %masked_sort3A_412 : (vector<16xi32>, vector<16xf32>, vector<16xi1>) -> (vector<16xi1>, vector<16xi32>, vector<16xf32>)
      %masked_sort3A_419 = arith.xori %masked_sort3A_417, %masked_sort3A_414 : vector<16xi32>
      %iota3A_420 = tpu.iota {dimensions = array<i32: 0>} : vector<16xi32>
      %sub3A_421 = arith.constant 1 : i32
      %sub3A_422 = vector.broadcast %sub3A_421 : i32 to vector<16xi32>
      %sub3A_423 = arith.subi %iota3A_420, %sub3A_422 : vector<16xi32>
      %ge3A_424 = arith.constant 0 : i32
      %ge3A_425 = vector.broadcast %ge3A_424 : i32 to vector<16xi32>
      %ge3A_426 = arith.cmpi sge, %sub3A_423, %ge3A_425 : vector<16xi32>
      %max3A_427 = arith.constant 0 : i32
      %max3A_428 = vector.broadcast %max3A_427 : i32 to vector<16xi32>
      %max3A_429 = arith.maxsi %sub3A_423, %max3A_428 : vector<16xi32>
      %broadcast_in_dim3A_430 = vector.shape_cast %max3A_429 : vector<16xi32> to vector<16x1xi32>
      %gather3A_431 = vector.shape_cast %broadcast_in_dim3A_430 : vector<16x1xi32> to vector<16xi32>
      %gather3A_432 = tpu.dynamic_gather %masked_sort3A_419[%gather3A_431] in [0] : vector<16xi32>, vector<16xi32> -> vector<16xi32>
      %broadcast_in_dim3A_433 = vector.shape_cast %max3A_429 : vector<16xi32> to vector<16x1xi32>
      %gather3A_434 = vector.shape_cast %broadcast_in_dim3A_433 : vector<16x1xi32> to vector<16xi32>
      %gather3A_435 = tpu.dynamic_gather %masked_sort3A_418[%gather3A_434] in [0] : vector<16xf32>, vector<16xi32> -> vector<16xf32>
      %eq3A_436 = arith.cmpi eq, %gather3A_432, %masked_sort3A_419 : vector<16xi32>
      %and3A_437 = arith.andi %ge3A_426, %eq3A_436 : vector<16xi1>
      %max3A_438 = arith.maximumf %masked_sort3A_418, %gather3A_435 : vector<16xf32>
      %select_n3A_439 = arith.select %and3A_437, %max3A_438, %masked_sort3A_418 : vector<16xi1>, vector<16xf32>
      %sub3A_440 = arith.constant 2 : i32
      %sub3A_441 = vector.broadcast %sub3A_440 : i32 to vector<16xi32>
      %sub3A_442 = arith.subi %iota3A_420, %sub3A_441 : vector<16xi32>
      %ge3A_443 = arith.constant 0 : i32
      %ge3A_444 = vector.broadcast %ge3A_443 : i32 to vector<16xi32>
      %ge3A_445 = arith.cmpi sge, %sub3A_442, %ge3A_444 : vector<16xi32>
      %max3A_446 = arith.constant 0 : i32
      %max3A_447 = vector.broadcast %max3A_446 : i32 to vector<16xi32>
      %max3A_448 = arith.maxsi %sub3A_442, %max3A_447 : vector<16xi32>
      %broadcast_in_dim3A_449 = vector.shape_cast %max3A_448 : vector<16xi32> to vector<16x1xi32>
      %gather3A_450 = vector.shape_cast %broadcast_in_dim3A_449 : vector<16x1xi32> to vector<16xi32>
      %gather3A_451 = tpu.dynamic_gather %masked_sort3A_419[%gather3A_450] in [0] : vector<16xi32>, vector<16xi32> -> vector<16xi32>
      %broadcast_in_dim3A_452 = vector.shape_cast %max3A_448 : vector<16xi32> to vector<16x1xi32>
      %gather3A_453 = vector.shape_cast %broadcast_in_dim3A_452 : vector<16x1xi32> to vector<16xi32>
      %gather3A_454 = tpu.dynamic_gather %select_n3A_439[%gather3A_453] in [0] : vector<16xf32>, vector<16xi32> -> vector<16xf32>
      %eq3A_455 = arith.cmpi eq, %gather3A_451, %masked_sort3A_419 : vector<16xi32>
      %and3A_456 = arith.andi %ge3A_445, %eq3A_455 : vector<16xi1>
      %max3A_457 = arith.maximumf %select_n3A_439, %gather3A_454 : vector<16xf32>
      %select_n3A_458 = arith.select %and3A_456, %max3A_457, %select_n3A_439 : vector<16xi1>, vector<16xf32>
      %sub3A_459 = arith.constant 4 : i32
      %sub3A_460 = vector.broadcast %sub3A_459 : i32 to vector<16xi32>
      %sub3A_461 = arith.subi %iota3A_420, %sub3A_460 : vector<16xi32>
      %ge3A_462 = arith.constant 0 : i32
      %ge3A_463 = vector.broadcast %ge3A_462 : i32 to vector<16xi32>
      %ge3A_464 = arith.cmpi sge, %sub3A_461, %ge3A_463 : vector<16xi32>
      %max3A_465 = arith.constant 0 : i32
      %max3A_466 = vector.broadcast %max3A_465 : i32 to vector<16xi32>
      %max3A_467 = arith.maxsi %sub3A_461, %max3A_466 : vector<16xi32>
      %broadcast_in_dim3A_468 = vector.shape_cast %max3A_467 : vector<16xi32> to vector<16x1xi32>
      %gather3A_469 = vector.shape_cast %broadcast_in_dim3A_468 : vector<16x1xi32> to vector<16xi32>
      %gather3A_470 = tpu.dynamic_gather %masked_sort3A_419[%gather3A_469] in [0] : vector<16xi32>, vector<16xi32> -> vector<16xi32>
      %broadcast_in_dim3A_471 = vector.shape_cast %max3A_467 : vector<16xi32> to vector<16x1xi32>
      %gather3A_472 = vector.shape_cast %broadcast_in_dim3A_471 : vector<16x1xi32> to vector<16xi32>
      %gather3A_473 = tpu.dynamic_gather %select_n3A_458[%gather3A_472] in [0] : vector<16xf32>, vector<16xi32> -> vector<16xf32>
      %eq3A_474 = arith.cmpi eq, %gather3A_470, %masked_sort3A_419 : vector<16xi32>
      %and3A_475 = arith.andi %ge3A_464, %eq3A_474 : vector<16xi1>
      %max3A_476 = arith.maximumf %select_n3A_458, %gather3A_473 : vector<16xf32>
      %select_n3A_477 = arith.select %and3A_475, %max3A_476, %select_n3A_458 : vector<16xi1>, vector<16xf32>
      %sub3A_478 = arith.constant 8 : i32
      %sub3A_479 = vector.broadcast %sub3A_478 : i32 to vector<16xi32>
      %sub3A_480 = arith.subi %iota3A_420, %sub3A_479 : vector<16xi32>
      %ge3A_481 = arith.constant 0 : i32
      %ge3A_482 = vector.broadcast %ge3A_481 : i32 to vector<16xi32>
      %ge3A_483 = arith.cmpi sge, %sub3A_480, %ge3A_482 : vector<16xi32>
      %max3A_484 = arith.constant 0 : i32
      %max3A_485 = vector.broadcast %max3A_484 : i32 to vector<16xi32>
      %max3A_486 = arith.maxsi %sub3A_480, %max3A_485 : vector<16xi32>
      %broadcast_in_dim3A_487 = vector.shape_cast %max3A_486 : vector<16xi32> to vector<16x1xi32>
      %gather3A_488 = vector.shape_cast %broadcast_in_dim3A_487 : vector<16x1xi32> to vector<16xi32>
      %gather3A_489 = tpu.dynamic_gather %masked_sort3A_419[%gather3A_488] in [0] : vector<16xi32>, vector<16xi32> -> vector<16xi32>
      %broadcast_in_dim3A_490 = vector.shape_cast %max3A_486 : vector<16xi32> to vector<16x1xi32>
      %gather3A_491 = vector.shape_cast %broadcast_in_dim3A_490 : vector<16x1xi32> to vector<16xi32>
      %gather3A_492 = tpu.dynamic_gather %select_n3A_477[%gather3A_491] in [0] : vector<16xf32>, vector<16xi32> -> vector<16xf32>
      %eq3A_493 = arith.cmpi eq, %gather3A_489, %masked_sort3A_419 : vector<16xi32>
      %and3A_494 = arith.andi %ge3A_483, %eq3A_493 : vector<16xi1>
      %max3A_495 = arith.maximumf %select_n3A_477, %gather3A_492 : vector<16xf32>
      %select_n3A_496 = arith.select %and3A_494, %max3A_495, %select_n3A_477 : vector<16xi1>, vector<16xf32>
      %add3A_497 = arith.constant 1 : i32
      %add3A_498 = vector.broadcast %add3A_497 : i32 to vector<16xi32>
      %add3A_499 = arith.addi %iota3A_420, %add3A_498 : vector<16xi32>
      %min3A_500 = arith.constant 15 : i32
      %min3A_501 = vector.broadcast %min3A_500 : i32 to vector<16xi32>
      %min3A_502 = arith.minsi %add3A_499, %min3A_501 : vector<16xi32>
      %broadcast_in_dim3A_503 = vector.shape_cast %min3A_502 : vector<16xi32> to vector<16x1xi32>
      %gather3A_504 = vector.shape_cast %broadcast_in_dim3A_503 : vector<16x1xi32> to vector<16xi32>
      %gather3A_505 = tpu.dynamic_gather %masked_sort3A_419[%gather3A_504] in [0] : vector<16xi32>, vector<16xi32> -> vector<16xi32>
      %eq3A_506 = arith.constant 15 : i32
      %eq3A_507 = vector.broadcast %eq3A_506 : i32 to vector<16xi32>
      %eq3A_508 = arith.cmpi eq, %iota3A_420, %eq3A_507 : vector<16xi32>
      %ne3A_509 = arith.cmpi ne, %gather3A_505, %masked_sort3A_419 : vector<16xi32>
      %or3A_510 = arith.ori %eq3A_508, %ne3A_509 : vector<16xi1>
      %gather3A_511 = tpu.vector_load_idx %arg13[%masked_sort3A_419] : memref<10240xf32, #tpu.memory_space<vmem>>[vector<16xi32>], vector<16xf32>,
      %max3A_512 = arith.maximumf %gather3A_511, %select_n3A_496 : vector<16xf32>
      tpu.vector_store_idx %arg13[%masked_sort3A_419], %max3A_512 masked %or3A_510 : memref<10240xf32, #tpu.memory_space<vmem>>[vector<16xi32>], vector<16xf32>, vector<16xi1>
      %add3A_513 = arith.constant 64 : i32
      %add3A_514 = vector.broadcast %add3A_513 : i32 to vector<16xi32>
      %add3A_515 = arith.addi %iota3A, %add3A_514 : vector<16xi32>
      %mul3A_516 = arith.constant 16 : i32
      %mul3A_517 = vector.broadcast %mul3A_516 : i32 to vector<16xi32>
      %mul3A_518 = arith.muli %add3A_515, %mul3A_517 : vector<16xi32>
      %add3A_519 = arith.constant 15 : i32
      %add3A_520 = vector.broadcast %add3A_519 : i32 to vector<16xi32>
      %add3A_521 = arith.addi %mul3A_518, %add3A_520 : vector<16xi32>
      %gather3A_522 = tpu.vector_load_idx %arg14[%add3A_521] : memref<1280xf32, #tpu.memory_space<vmem>>[vector<16xi32>], vector<16xf32>,
      %gt3A_523 = arith.constant 0.000000e+00 : f32
      %gt3A_524 = vector.broadcast %gt3A_523 : f32 to vector<16xf32>
      %gt3A_525 = arith.cmpf ogt, %gather3A_522, %gt3A_524 : vector<16xf32>
      %mul3A_526 = arith.constant 2.000000e-01 : f32
      %mul3A_527 = vector.broadcast %mul3A_526 : f32 to vector<16xf32>
      %mul3A_528 = arith.mulf %mul3A_527, %gather3A_522 : vector<16xf32>
      %select_n3A_529 = arith.select %gt3A_525, %gather3A_522, %mul3A_528 : vector<16xi1>, vector<16xf32>
      %swap3A_530 = arith.constant 64 : index
      %swap3A_531 = tpu.vector_load %arg12[%swap3A_530] {strides = array<i32>} : memref<80xf32, #tpu.memory_space<vmem>>, vector<16xf32>,
      tpu.vector_store %arg12[%swap3A_530], %select_n3A_529 {strides = array<i32>} : memref<80xf32, #tpu.memory_space<vmem>>, vector<16xf32>,
      %get3A_532 = arith.constant 64 : index
      %get3A_533 = tpu.vector_load %arg9[%get3A_532] {strides = array<i32>} : memref<80xi32, #tpu.memory_space<vmem>>, vector<16xi32>,
      %masked_sort3A_534 = arith.constant dense<true> : vector<16xi1>
      %masked_sort3A_535 = arith.constant -2147483648 : i32
      %masked_sort3A_536 = vector.broadcast %masked_sort3A_535 : i32 to vector<16xi32>
      %masked_sort3A_537 = arith.xori %get3A_533, %masked_sort3A_536 : vector<16xi32>
      %masked_sort3A_538, %masked_sort3A_539, %masked_sort3A_540 = tpu.sort %masked_sort3A_537, %select_n3A_529 masked %masked_sort3A_534 : (vector<16xi32>, vector<16xf32>, vector<16xi1>) -> (vector<16xi1>, vector<16xi32>, vector<16xf32>)
      %masked_sort3A_541 = arith.xori %masked_sort3A_539, %masked_sort3A_536 : vector<16xi32>
      %iota3A_542 = tpu.iota {dimensions = array<i32: 0>} : vector<16xi32>
      %sub3A_543 = arith.constant 1 : i32
      %sub3A_544 = vector.broadcast %sub3A_543 : i32 to vector<16xi32>
      %sub3A_545 = arith.subi %iota3A_542, %sub3A_544 : vector<16xi32>
      %ge3A_546 = arith.constant 0 : i32
      %ge3A_547 = vector.broadcast %ge3A_546 : i32 to vector<16xi32>
      %ge3A_548 = arith.cmpi sge, %sub3A_545, %ge3A_547 : vector<16xi32>
      %max3A_549 = arith.constant 0 : i32
      %max3A_550 = vector.broadcast %max3A_549 : i32 to vector<16xi32>
      %max3A_551 = arith.maxsi %sub3A_545, %max3A_550 : vector<16xi32>
      %broadcast_in_dim3A_552 = vector.shape_cast %max3A_551 : vector<16xi32> to vector<16x1xi32>
      %gather3A_553 = vector.shape_cast %broadcast_in_dim3A_552 : vector<16x1xi32> to vector<16xi32>
      %gather3A_554 = tpu.dynamic_gather %masked_sort3A_541[%gather3A_553] in [0] : vector<16xi32>, vector<16xi32> -> vector<16xi32>
      %broadcast_in_dim3A_555 = vector.shape_cast %max3A_551 : vector<16xi32> to vector<16x1xi32>
      %gather3A_556 = vector.shape_cast %broadcast_in_dim3A_555 : vector<16x1xi32> to vector<16xi32>
      %gather3A_557 = tpu.dynamic_gather %masked_sort3A_540[%gather3A_556] in [0] : vector<16xf32>, vector<16xi32> -> vector<16xf32>
      %eq3A_558 = arith.cmpi eq, %gather3A_554, %masked_sort3A_541 : vector<16xi32>
      %and3A_559 = arith.andi %ge3A_548, %eq3A_558 : vector<16xi1>
      %max3A_560 = arith.maximumf %masked_sort3A_540, %gather3A_557 : vector<16xf32>
      %select_n3A_561 = arith.select %and3A_559, %max3A_560, %masked_sort3A_540 : vector<16xi1>, vector<16xf32>
      %sub3A_562 = arith.constant 2 : i32
      %sub3A_563 = vector.broadcast %sub3A_562 : i32 to vector<16xi32>
      %sub3A_564 = arith.subi %iota3A_542, %sub3A_563 : vector<16xi32>
      %ge3A_565 = arith.constant 0 : i32
      %ge3A_566 = vector.broadcast %ge3A_565 : i32 to vector<16xi32>
      %ge3A_567 = arith.cmpi sge, %sub3A_564, %ge3A_566 : vector<16xi32>
      %max3A_568 = arith.constant 0 : i32
      %max3A_569 = vector.broadcast %max3A_568 : i32 to vector<16xi32>
      %max3A_570 = arith.maxsi %sub3A_564, %max3A_569 : vector<16xi32>
      %broadcast_in_dim3A_571 = vector.shape_cast %max3A_570 : vector<16xi32> to vector<16x1xi32>
      %gather3A_572 = vector.shape_cast %broadcast_in_dim3A_571 : vector<16x1xi32> to vector<16xi32>
      %gather3A_573 = tpu.dynamic_gather %masked_sort3A_541[%gather3A_572] in [0] : vector<16xi32>, vector<16xi32> -> vector<16xi32>
      %broadcast_in_dim3A_574 = vector.shape_cast %max3A_570 : vector<16xi32> to vector<16x1xi32>
      %gather3A_575 = vector.shape_cast %broadcast_in_dim3A_574 : vector<16x1xi32> to vector<16xi32>
      %gather3A_576 = tpu.dynamic_gather %select_n3A_561[%gather3A_575] in [0] : vector<16xf32>, vector<16xi32> -> vector<16xf32>
      %eq3A_577 = arith.cmpi eq, %gather3A_573, %masked_sort3A_541 : vector<16xi32>
      %and3A_578 = arith.andi %ge3A_567, %eq3A_577 : vector<16xi1>
      %max3A_579 = arith.maximumf %select_n3A_561, %gather3A_576 : vector<16xf32>
      %select_n3A_580 = arith.select %and3A_578, %max3A_579, %select_n3A_561 : vector<16xi1>, vector<16xf32>
      %sub3A_581 = arith.constant 4 : i32
      %sub3A_582 = vector.broadcast %sub3A_581 : i32 to vector<16xi32>
      %sub3A_583 = arith.subi %iota3A_542, %sub3A_582 : vector<16xi32>
      %ge3A_584 = arith.constant 0 : i32
      %ge3A_585 = vector.broadcast %ge3A_584 : i32 to vector<16xi32>
      %ge3A_586 = arith.cmpi sge, %sub3A_583, %ge3A_585 : vector<16xi32>
      %max3A_587 = arith.constant 0 : i32
      %max3A_588 = vector.broadcast %max3A_587 : i32 to vector<16xi32>
      %max3A_589 = arith.maxsi %sub3A_583, %max3A_588 : vector<16xi32>
      %broadcast_in_dim3A_590 = vector.shape_cast %max3A_589 : vector<16xi32> to vector<16x1xi32>
      %gather3A_591 = vector.shape_cast %broadcast_in_dim3A_590 : vector<16x1xi32> to vector<16xi32>
      %gather3A_592 = tpu.dynamic_gather %masked_sort3A_541[%gather3A_591] in [0] : vector<16xi32>, vector<16xi32> -> vector<16xi32>
      %broadcast_in_dim3A_593 = vector.shape_cast %max3A_589 : vector<16xi32> to vector<16x1xi32>
      %gather3A_594 = vector.shape_cast %broadcast_in_dim3A_593 : vector<16x1xi32> to vector<16xi32>
      %gather3A_595 = tpu.dynamic_gather %select_n3A_580[%gather3A_594] in [0] : vector<16xf32>, vector<16xi32> -> vector<16xf32>
      %eq3A_596 = arith.cmpi eq, %gather3A_592, %masked_sort3A_541 : vector<16xi32>
      %and3A_597 = arith.andi %ge3A_586, %eq3A_596 : vector<16xi1>
      %max3A_598 = arith.maximumf %select_n3A_580, %gather3A_595 : vector<16xf32>
      %select_n3A_599 = arith.select %and3A_597, %max3A_598, %select_n3A_580 : vector<16xi1>, vector<16xf32>
      %sub3A_600 = arith.constant 8 : i32
      %sub3A_601 = vector.broadcast %sub3A_600 : i32 to vector<16xi32>
      %sub3A_602 = arith.subi %iota3A_542, %sub3A_601 : vector<16xi32>
      %ge3A_603 = arith.constant 0 : i32
      %ge3A_604 = vector.broadcast %ge3A_603 : i32 to vector<16xi32>
      %ge3A_605 = arith.cmpi sge, %sub3A_602, %ge3A_604 : vector<16xi32>
      %max3A_606 = arith.constant 0 : i32
      %max3A_607 = vector.broadcast %max3A_606 : i32 to vector<16xi32>
      %max3A_608 = arith.maxsi %sub3A_602, %max3A_607 : vector<16xi32>
      %broadcast_in_dim3A_609 = vector.shape_cast %max3A_608 : vector<16xi32> to vector<16x1xi32>
      %gather3A_610 = vector.shape_cast %broadcast_in_dim3A_609 : vector<16x1xi32> to vector<16xi32>
      %gather3A_611 = tpu.dynamic_gather %masked_sort3A_541[%gather3A_610] in [0] : vector<16xi32>, vector<16xi32> -> vector<16xi32>
      %broadcast_in_dim3A_612 = vector.shape_cast %max3A_608 : vector<16xi32> to vector<16x1xi32>
      %gather3A_613 = vector.shape_cast %broadcast_in_dim3A_612 : vector<16x1xi32> to vector<16xi32>
      %gather3A_614 = tpu.dynamic_gather %select_n3A_599[%gather3A_613] in [0] : vector<16xf32>, vector<16xi32> -> vector<16xf32>
      %eq3A_615 = arith.cmpi eq, %gather3A_611, %masked_sort3A_541 : vector<16xi32>
      %and3A_616 = arith.andi %ge3A_605, %eq3A_615 : vector<16xi1>
      %max3A_617 = arith.maximumf %select_n3A_599, %gather3A_614 : vector<16xf32>
      %select_n3A_618 = arith.select %and3A_616, %max3A_617, %select_n3A_599 : vector<16xi1>, vector<16xf32>
      %add3A_619 = arith.constant 1 : i32
      %add3A_620 = vector.broadcast %add3A_619 : i32 to vector<16xi32>
      %add3A_621 = arith.addi %iota3A_542, %add3A_620 : vector<16xi32>
      %min3A_622 = arith.constant 15 : i32
      %min3A_623 = vector.broadcast %min3A_622 : i32 to vector<16xi32>
      %min3A_624 = arith.minsi %add3A_621, %min3A_623 : vector<16xi32>
      %broadcast_in_dim3A_625 = vector.shape_cast %min3A_624 : vector<16xi32> to vector<16x1xi32>
      %gather3A_626 = vector.shape_cast %broadcast_in_dim3A_625 : vector<16x1xi32> to vector<16xi32>
      %gather3A_627 = tpu.dynamic_gather %masked_sort3A_541[%gather3A_626] in [0] : vector<16xi32>, vector<16xi32> -> vector<16xi32>
      %eq3A_628 = arith.constant 15 : i32
      %eq3A_629 = vector.broadcast %eq3A_628 : i32 to vector<16xi32>
      %eq3A_630 = arith.cmpi eq, %iota3A_542, %eq3A_629 : vector<16xi32>
      %ne3A_631 = arith.cmpi ne, %gather3A_627, %masked_sort3A_541 : vector<16xi32>
      %or3A_632 = arith.ori %eq3A_630, %ne3A_631 : vector<16xi1>
      %gather3A_633 = tpu.vector_load_idx %arg13[%masked_sort3A_541] : memref<10240xf32, #tpu.memory_space<vmem>>[vector<16xi32>], vector<16xf32>,
      %max3A_634 = arith.maximumf %gather3A_633, %select_n3A_618 : vector<16xf32>
      tpu.vector_store_idx %arg13[%masked_sort3A_541], %max3A_634 masked %or3A_632 : memref<10240xf32, #tpu.memory_space<vmem>>[vector<16xi32>], vector<16xf32>, vector<16xi1>
      "tpu.region"() ({
        %run_scoped3A = tpu.sem_alloc : memref<!tpu.dma_semaphore, #tpu.memory_space<semaphore_mem>>
        %dma_start3A_636 = tpu.memref_slice %arg6[%add3A_21] : memref<320000xf32, #tpu.memory_space<hbm>> -> memref<80xf32, #tpu.memory_space<hbm>>
        %dma_start3A_637 = tpu.memref_slice %arg6[%add3A_21] : memref<320000xf32, #tpu.memory_space<hbm>> -> memref<80xf32, #tpu.memory_space<hbm>>
        tpu.enqueue_dma source(%arg12 : memref<80xf32, #tpu.memory_space<vmem>>) target(%dma_start3A_637 : memref<80xf32, #tpu.memory_space<hbm>>) target_semaphore(%run_scoped3A : memref<!tpu.dma_semaphore, #tpu.memory_space<semaphore_mem>>)
        %dma_wait3A_638 = tpu.memref_slice %arg6[%add3A_21] : memref<320000xf32, #tpu.memory_space<hbm>> -> memref<80xf32, #tpu.memory_space<hbm>>
        %dma_wait3A_639 = tpu.memref_slice %arg6[%add3A_21] : memref<320000xf32, #tpu.memory_space<hbm>> -> memref<80xf32, #tpu.memory_space<hbm>>
        tpu.wait_dma2 semaphore(%run_scoped3A : memref<!tpu.dma_semaphore, #tpu.memory_space<semaphore_mem>>) src(%arg12 : memref<80xf32, #tpu.memory_space<vmem>>) dst(%dma_wait3A_639 : memref<80xf32, #tpu.memory_space<hbm>>)
        tpu.yield
      }) : () -> ()
      %scan3A_635 = arith.constant 0 : i32
      scf.yield %scan3A_635 : i32
    }
    %scan3A_16 = arith.constant 125 : i32
    "tpu.region"() ({
      %run_scoped3A = tpu.sem_alloc : memref<!tpu.dma_semaphore, #tpu.memory_space<semaphore_mem>>
      %dma_start3A = arith.constant 0 : i32
      %dma_start3A_17 = tpu.memref_slice %arg7[%add3A, %dma_start3A] : memref<32x10240xf32, #tpu.memory_space<hbm>> -> memref<1x10240xf32, #tpu.memory_space<hbm>>
      %dma_start3A_18 = tpu.memref_squeeze %dma_start3A_17 : memref<1x10240xf32, #tpu.memory_space<hbm>> -> memref<10240xf32, #tpu.memory_space<hbm>>
      %dma_start3A_19 = arith.constant 0 : i32
      %dma_start3A_20 = tpu.memref_slice %arg7[%add3A, %dma_start3A_19] : memref<32x10240xf32, #tpu.memory_space<hbm>> -> memref<1x10240xf32, #tpu.memory_space<hbm>>
      %dma_start3A_21 = tpu.memref_squeeze %dma_start3A_20 : memref<1x10240xf32, #tpu.memory_space<hbm>> -> memref<10240xf32, #tpu.memory_space<hbm>>
      tpu.enqueue_dma source(%arg13 : memref<10240xf32, #tpu.memory_space<vmem>>) target(%dma_start3A_21 : memref<10240xf32, #tpu.memory_space<hbm>>) target_semaphore(%run_scoped3A : memref<!tpu.dma_semaphore, #tpu.memory_space<semaphore_mem>>)
      %dma_wait3A = arith.constant 0 : i32
      %dma_wait3A_22 = tpu.memref_slice %arg7[%add3A, %dma_wait3A] : memref<32x10240xf32, #tpu.memory_space<hbm>> -> memref<1x10240xf32, #tpu.memory_space<hbm>>
      %dma_wait3A_23 = tpu.memref_squeeze %dma_wait3A_22 : memref<1x10240xf32, #tpu.memory_space<hbm>> -> memref<10240xf32, #tpu.memory_space<hbm>>
      %dma_wait3A_24 = arith.constant 0 : i32
      %dma_wait3A_25 = tpu.memref_slice %arg7[%add3A, %dma_wait3A_24] : memref<32x10240xf32, #tpu.memory_space<hbm>> -> memref<1x10240xf32, #tpu.memory_space<hbm>>
      %dma_wait3A_26 = tpu.memref_squeeze %dma_wait3A_25 : memref<1x10240xf32, #tpu.memory_space<hbm>> -> memref<10240xf32, #tpu.memory_space<hbm>>
      tpu.wait_dma2 semaphore(%run_scoped3A : memref<!tpu.dma_semaphore, #tpu.memory_space<semaphore_mem>>) src(%arg13 : memref<10240xf32, #tpu.memory_space<vmem>>) dst(%dma_wait3A_26 : memref<10240xf32, #tpu.memory_space<hbm>>)
      tpu.yield
    }) : () -> ()
    return
  }
}

#map = affine_map<(d0, d1) -> (0, 0)>
#map1 = affine_map<(d0, d1) -> (0)>
#map2 = affine_map<(d0, d1) -> (0, 0, 0)>
module attributes {stable_mosaic.version = 14 : i64} {
  func.func @_k3_body(%arg0: i32, %arg1: i32, %arg2: memref<20480x128xf32, #tpu.memory_space<hbm>>, %arg3: memref<320000xi32, #tpu.memory_space<hbm>>, %arg4: memref<320000xi32, #tpu.memory_space<hbm>>, %arg5: memref<320000xf32, #tpu.memory_space<hbm>>, %arg6: memref<32x10240xf32, #tpu.memory_space<hbm>>, %arg7: memref<2x10240x128xf32, #tpu.memory_space<hbm>>, %arg8: memref<2x320000xf32, #tpu.memory_space<hbm>>, %arg9: memref<2x16x10240xf32, #tpu.memory_space<hbm>>, %arg10: memref<10240xf32, #tpu.memory_space<vmem>>, %arg11: memref<10240xf32, #tpu.memory_space<vmem>>, %arg12: memref<80x128xf32, #tpu.memory_space<vmem>>, %arg13: memref<80xi32, #tpu.memory_space<vmem>>, %arg14: memref<80xi32, #tpu.memory_space<vmem>>, %arg15: memref<80xf32, #tpu.memory_space<vmem>>, %arg16: memref<80xf32, #tpu.memory_space<vmem>>, %arg17: memref<640xf32, #tpu.memory_space<vmem>>, %arg18: memref<640xf32, #tpu.memory_space<vmem>>, %arg19: memref<!tpu.dma_semaphore, #tpu.memory_space<semaphore_mem>>, %arg20: memref<10240xf32, #tpu.memory_space<vmem_shared>>, %arg21: memref<10240x128xf32, #tpu.memory_space<vmem_shared>>) attributes {dimension_semantics = [#tpu.dimension_semantics<core_parallel>, #tpu.dimension_semantics<subcore_parallel>], iteration_bounds = array<i64: 2, 16>, scalar_prefetch = 0 : i64, scratch_operands = 12 : i64, tpu.core_type = #tpu.core_type<sc_vector_subcore>, window_params = [{transform_indices = #map}, {transform_indices = #map1}, {transform_indices = #map1}, {transform_indices = #map1}, {transform_indices = #map}, {transform_indices = #map2}, {transform_indices = #map}, {transform_indices = #map2}]} {
    %mul3A = arith.constant 20000 : i32
    %mul3A_0 = arith.muli %arg1, %mul3A : i32
    %mul3A_1 = arith.constant 640 : i32
    %mul3A_2 = arith.muli %arg1, %mul3A_1 : i32
    %broadcast_in_dim3A = arith.constant 0.000000e+00 : f32
    %broadcast_in_dim3A_3 = vector.broadcast %broadcast_in_dim3A : f32 to vector<16xf32>
    %broadcast_in_dim3A_4 = arith.constant 0xFF800000 : f32
    %broadcast_in_dim3A_5 = vector.broadcast %broadcast_in_dim3A_4 : f32 to vector<16xf32>
    %scan3A = arith.constant 0 : i32
    %scan3A_6 = arith.constant 0 : i32
    %scan3A_7 = arith.constant 80 : i32
    %scan3A_8 = arith.addi %scan3A_6, %scan3A_7 : i32
    %scan3A_9 = arith.constant 1 : i32
    %scan3A_10 = scf.for %scan3A_86 = %scan3A_6 to %scan3A_8 step %scan3A_9 iter_args(%scan3A_87 = %scan3A) -> (i32)  : i32 {
      %swap3A = arith.index_cast %scan3A_86 : i32 to index
      %swap3A_88 = arith.constant 0 : index
      %swap3A_89 = tpu.vector_load %arg12[%swap3A, %swap3A_88] {strides = array<i32>} : memref<80x128xf32, #tpu.memory_space<vmem>>, vector<16xf32>,
      tpu.vector_store %arg12[%swap3A, %swap3A_88], %broadcast_in_dim3A_3 {strides = array<i32>} : memref<80x128xf32, #tpu.memory_space<vmem>>, vector<16xf32>,
      %swap3A_90 = arith.index_cast %scan3A_86 : i32 to index
      %swap3A_91 = arith.constant 16 : index
      %swap3A_92 = tpu.vector_load %arg12[%swap3A_90, %swap3A_91] {strides = array<i32>} : memref<80x128xf32, #tpu.memory_space<vmem>>, vector<16xf32>,
      tpu.vector_store %arg12[%swap3A_90, %swap3A_91], %broadcast_in_dim3A_3 {strides = array<i32>} : memref<80x128xf32, #tpu.memory_space<vmem>>, vector<16xf32>,
      %swap3A_93 = arith.index_cast %scan3A_86 : i32 to index
      %swap3A_94 = arith.constant 32 : index
      %swap3A_95 = tpu.vector_load %arg12[%swap3A_93, %swap3A_94] {strides = array<i32>} : memref<80x128xf32, #tpu.memory_space<vmem>>, vector<16xf32>,
      tpu.vector_store %arg12[%swap3A_93, %swap3A_94], %broadcast_in_dim3A_3 {strides = array<i32>} : memref<80x128xf32, #tpu.memory_space<vmem>>, vector<16xf32>,
      %swap3A_96 = arith.index_cast %scan3A_86 : i32 to index
      %swap3A_97 = arith.constant 48 : index
      %swap3A_98 = tpu.vector_load %arg12[%swap3A_96, %swap3A_97] {strides = array<i32>} : memref<80x128xf32, #tpu.memory_space<vmem>>, vector<16xf32>,
      tpu.vector_store %arg12[%swap3A_96, %swap3A_97], %broadcast_in_dim3A_3 {strides = array<i32>} : memref<80x128xf32, #tpu.memory_space<vmem>>, vector<16xf32>,
      %swap3A_99 = arith.index_cast %scan3A_86 : i32 to index
      %swap3A_100 = arith.constant 64 : index
      %swap3A_101 = tpu.vector_load %arg12[%swap3A_99, %swap3A_100] {strides = array<i32>} : memref<80x128xf32, #tpu.memory_space<vmem>>, vector<16xf32>,
      tpu.vector_store %arg12[%swap3A_99, %swap3A_100], %broadcast_in_dim3A_3 {strides = array<i32>} : memref<80x128xf32, #tpu.memory_space<vmem>>, vector<16xf32>,
      %swap3A_102 = arith.index_cast %scan3A_86 : i32 to index
      %swap3A_103 = arith.constant 80 : index
      %swap3A_104 = tpu.vector_load %arg12[%swap3A_102, %swap3A_103] {strides = array<i32>} : memref<80x128xf32, #tpu.memory_space<vmem>>, vector<16xf32>,
      tpu.vector_store %arg12[%swap3A_102, %swap3A_103], %broadcast_in_dim3A_3 {strides = array<i32>} : memref<80x128xf32, #tpu.memory_space<vmem>>, vector<16xf32>,
      %swap3A_105 = arith.index_cast %scan3A_86 : i32 to index
      %swap3A_106 = arith.constant 96 : index
      %swap3A_107 = tpu.vector_load %arg12[%swap3A_105, %swap3A_106] {strides = array<i32>} : memref<80x128xf32, #tpu.memory_space<vmem>>, vector<16xf32>,
      tpu.vector_store %arg12[%swap3A_105, %swap3A_106], %broadcast_in_dim3A_3 {strides = array<i32>} : memref<80x128xf32, #tpu.memory_space<vmem>>, vector<16xf32>,
      %swap3A_108 = arith.index_cast %scan3A_86 : i32 to index
      %swap3A_109 = arith.constant 112 : index
      %swap3A_110 = tpu.vector_load %arg12[%swap3A_108, %swap3A_109] {strides = array<i32>} : memref<80x128xf32, #tpu.memory_space<vmem>>, vector<16xf32>,
      tpu.vector_store %arg12[%swap3A_108, %swap3A_109], %broadcast_in_dim3A_3 {strides = array<i32>} : memref<80x128xf32, #tpu.memory_space<vmem>>, vector<16xf32>,
      %scan3A_111 = arith.constant 0 : i32
      scf.yield %scan3A_111 : i32
    }
    %scan3A_11 = arith.constant 80 : i32
    %add3A = arith.constant 0 : i32
    %add3A_12 = arith.addi %mul3A_2, %add3A : i32
    "tpu.region"() ({
      %run_scoped3A = tpu.sem_alloc : memref<!tpu.dma_semaphore, #tpu.memory_space<semaphore_mem>>
      %dma_start3A = arith.constant 0 : i32
      %dma_start3A_86 = tpu.memref_slice %arg21[%add3A_12, %dma_start3A] : memref<10240x128xf32, #tpu.memory_space<vmem_shared>> -> memref<80x128xf32, #tpu.memory_space<vmem_shared>>
      %dma_start3A_87 = arith.constant 0 : i32
      %dma_start3A_88 = tpu.memref_slice %arg21[%add3A_12, %dma_start3A_87] : memref<10240x128xf32, #tpu.memory_space<vmem_shared>> -> memref<80x128xf32, #tpu.memory_space<vmem_shared>>
      tpu.enqueue_dma source(%arg12 : memref<80x128xf32, #tpu.memory_space<vmem>>) target(%dma_start3A_88 : memref<80x128xf32, #tpu.memory_space<vmem_shared>>) target_semaphore(%run_scoped3A : memref<!tpu.dma_semaphore, #tpu.memory_space<semaphore_mem>>)
      %dma_wait3A = arith.constant 0 : i32
      %dma_wait3A_89 = tpu.memref_slice %arg21[%add3A_12, %dma_wait3A] : memref<10240x128xf32, #tpu.memory_space<vmem_shared>> -> memref<80x128xf32, #tpu.memory_space<vmem_shared>>
      %dma_wait3A_90 = arith.constant 0 : i32
      %dma_wait3A_91 = tpu.memref_slice %arg21[%add3A_12, %dma_wait3A_90] : memref<10240x128xf32, #tpu.memory_space<vmem_shared>> -> memref<80x128xf32, #tpu.memory_space<vmem_shared>>
      tpu.wait_dma2 semaphore(%run_scoped3A : memref<!tpu.dma_semaphore, #tpu.memory_space<semaphore_mem>>) src(%arg12 : memref<80x128xf32, #tpu.memory_space<vmem>>) dst(%dma_wait3A_91 : memref<80x128xf32, #tpu.memory_space<vmem_shared>>)
      tpu.yield
    }) : () -> ()
    %add3A_13 = arith.constant 80 : i32
    %add3A_14 = arith.addi %mul3A_2, %add3A_13 : i32
    "tpu.region"() ({
      %run_scoped3A = tpu.sem_alloc : memref<!tpu.dma_semaphore, #tpu.memory_space<semaphore_mem>>
      %dma_start3A = arith.constant 0 : i32
      %dma_start3A_86 = tpu.memref_slice %arg21[%add3A_14, %dma_start3A] : memref<10240x128xf32, #tpu.memory_space<vmem_shared>> -> memref<80x128xf32, #tpu.memory_space<vmem_shared>>
      %dma_start3A_87 = arith.constant 0 : i32
      %dma_start3A_88 = tpu.memref_slice %arg21[%add3A_14, %dma_start3A_87] : memref<10240x128xf32, #tpu.memory_space<vmem_shared>> -> memref<80x128xf32, #tpu.memory_space<vmem_shared>>
      tpu.enqueue_dma source(%arg12 : memref<80x128xf32, #tpu.memory_space<vmem>>) target(%dma_start3A_88 : memref<80x128xf32, #tpu.memory_space<vmem_shared>>) target_semaphore(%run_scoped3A : memref<!tpu.dma_semaphore, #tpu.memory_space<semaphore_mem>>)
      %dma_wait3A = arith.constant 0 : i32
      %dma_wait3A_89 = tpu.memref_slice %arg21[%add3A_14, %dma_wait3A] : memref<10240x128xf32, #tpu.memory_space<vmem_shared>> -> memref<80x128xf32, #tpu.memory_space<vmem_shared>>
      %dma_wait3A_90 = arith.constant 0 : i32
      %dma_wait3A_91 = tpu.memref_slice %arg21[%add3A_14, %dma_wait3A_90] : memref<10240x128xf32, #tpu.memory_space<vmem_shared>> -> memref<80x128xf32, #tpu.memory_space<vmem_shared>>
      tpu.wait_dma2 semaphore(%run_scoped3A : memref<!tpu.dma_semaphore, #tpu.memory_space<semaphore_mem>>) src(%arg12 : memref<80x128xf32, #tpu.memory_space<vmem>>) dst(%dma_wait3A_91 : memref<80x128xf32, #tpu.memory_space<vmem_shared>>)
      tpu.yield
    }) : () -> ()
    %add3A_15 = arith.constant 160 : i32
    %add3A_16 = arith.addi %mul3A_2, %add3A_15 : i32
    "tpu.region"() ({
      %run_scoped3A = tpu.sem_alloc : memref<!tpu.dma_semaphore, #tpu.memory_space<semaphore_mem>>
      %dma_start3A = arith.constant 0 : i32
      %dma_start3A_86 = tpu.memref_slice %arg21[%add3A_16, %dma_start3A] : memref<10240x128xf32, #tpu.memory_space<vmem_shared>> -> memref<80x128xf32, #tpu.memory_space<vmem_shared>>
      %dma_start3A_87 = arith.constant 0 : i32
      %dma_start3A_88 = tpu.memref_slice %arg21[%add3A_16, %dma_start3A_87] : memref<10240x128xf32, #tpu.memory_space<vmem_shared>> -> memref<80x128xf32, #tpu.memory_space<vmem_shared>>
      tpu.enqueue_dma source(%arg12 : memref<80x128xf32, #tpu.memory_space<vmem>>) target(%dma_start3A_88 : memref<80x128xf32, #tpu.memory_space<vmem_shared>>) target_semaphore(%run_scoped3A : memref<!tpu.dma_semaphore, #tpu.memory_space<semaphore_mem>>)
      %dma_wait3A = arith.constant 0 : i32
      %dma_wait3A_89 = tpu.memref_slice %arg21[%add3A_16, %dma_wait3A] : memref<10240x128xf32, #tpu.memory_space<vmem_shared>> -> memref<80x128xf32, #tpu.memory_space<vmem_shared>>
      %dma_wait3A_90 = arith.constant 0 : i32
      %dma_wait3A_91 = tpu.memref_slice %arg21[%add3A_16, %dma_wait3A_90] : memref<10240x128xf32, #tpu.memory_space<vmem_shared>> -> memref<80x128xf32, #tpu.memory_space<vmem_shared>>
      tpu.wait_dma2 semaphore(%run_scoped3A : memref<!tpu.dma_semaphore, #tpu.memory_space<semaphore_mem>>) src(%arg12 : memref<80x128xf32, #tpu.memory_space<vmem>>) dst(%dma_wait3A_91 : memref<80x128xf32, #tpu.memory_space<vmem_shared>>)
      tpu.yield
    }) : () -> ()
    %add3A_17 = arith.constant 240 : i32
    %add3A_18 = arith.addi %mul3A_2, %add3A_17 : i32
    "tpu.region"() ({
      %run_scoped3A = tpu.sem_alloc : memref<!tpu.dma_semaphore, #tpu.memory_space<semaphore_mem>>
      %dma_start3A = arith.constant 0 : i32
      %dma_start3A_86 = tpu.memref_slice %arg21[%add3A_18, %dma_start3A] : memref<10240x128xf32, #tpu.memory_space<vmem_shared>> -> memref<80x128xf32, #tpu.memory_space<vmem_shared>>
      %dma_start3A_87 = arith.constant 0 : i32
      %dma_start3A_88 = tpu.memref_slice %arg21[%add3A_18, %dma_start3A_87] : memref<10240x128xf32, #tpu.memory_space<vmem_shared>> -> memref<80x128xf32, #tpu.memory_space<vmem_shared>>
      tpu.enqueue_dma source(%arg12 : memref<80x128xf32, #tpu.memory_space<vmem>>) target(%dma_start3A_88 : memref<80x128xf32, #tpu.memory_space<vmem_shared>>) target_semaphore(%run_scoped3A : memref<!tpu.dma_semaphore, #tpu.memory_space<semaphore_mem>>)
      %dma_wait3A = arith.constant 0 : i32
      %dma_wait3A_89 = tpu.memref_slice %arg21[%add3A_18, %dma_wait3A] : memref<10240x128xf32, #tpu.memory_space<vmem_shared>> -> memref<80x128xf32, #tpu.memory_space<vmem_shared>>
      %dma_wait3A_90 = arith.constant 0 : i32
      %dma_wait3A_91 = tpu.memref_slice %arg21[%add3A_18, %dma_wait3A_90] : memref<10240x128xf32, #tpu.memory_space<vmem_shared>> -> memref<80x128xf32, #tpu.memory_space<vmem_shared>>
      tpu.wait_dma2 semaphore(%run_scoped3A : memref<!tpu.dma_semaphore, #tpu.memory_space<semaphore_mem>>) src(%arg12 : memref<80x128xf32, #tpu.memory_space<vmem>>) dst(%dma_wait3A_91 : memref<80x128xf32, #tpu.memory_space<vmem_shared>>)
      tpu.yield
    }) : () -> ()
    %add3A_19 = arith.constant 320 : i32
    %add3A_20 = arith.addi %mul3A_2, %add3A_19 : i32
    "tpu.region"() ({
      %run_scoped3A = tpu.sem_alloc : memref<!tpu.dma_semaphore, #tpu.memory_space<semaphore_mem>>
      %dma_start3A = arith.constant 0 : i32
      %dma_start3A_86 = tpu.memref_slice %arg21[%add3A_20, %dma_start3A] : memref<10240x128xf32, #tpu.memory_space<vmem_shared>> -> memref<80x128xf32, #tpu.memory_space<vmem_shared>>
      %dma_start3A_87 = arith.constant 0 : i32
      %dma_start3A_88 = tpu.memref_slice %arg21[%add3A_20, %dma_start3A_87] : memref<10240x128xf32, #tpu.memory_space<vmem_shared>> -> memref<80x128xf32, #tpu.memory_space<vmem_shared>>
      tpu.enqueue_dma source(%arg12 : memref<80x128xf32, #tpu.memory_space<vmem>>) target(%dma_start3A_88 : memref<80x128xf32, #tpu.memory_space<vmem_shared>>) target_semaphore(%run_scoped3A : memref<!tpu.dma_semaphore, #tpu.memory_space<semaphore_mem>>)
      %dma_wait3A = arith.constant 0 : i32
      %dma_wait3A_89 = tpu.memref_slice %arg21[%add3A_20, %dma_wait3A] : memref<10240x128xf32, #tpu.memory_space<vmem_shared>> -> memref<80x128xf32, #tpu.memory_space<vmem_shared>>
      %dma_wait3A_90 = arith.constant 0 : i32
      %dma_wait3A_91 = tpu.memref_slice %arg21[%add3A_20, %dma_wait3A_90] : memref<10240x128xf32, #tpu.memory_space<vmem_shared>> -> memref<80x128xf32, #tpu.memory_space<vmem_shared>>
      tpu.wait_dma2 semaphore(%run_scoped3A : memref<!tpu.dma_semaphore, #tpu.memory_space<semaphore_mem>>) src(%arg12 : memref<80x128xf32, #tpu.memory_space<vmem>>) dst(%dma_wait3A_91 : memref<80x128xf32, #tpu.memory_space<vmem_shared>>)
      tpu.yield
    }) : () -> ()
    %add3A_21 = arith.constant 400 : i32
    %add3A_22 = arith.addi %mul3A_2, %add3A_21 : i32
    "tpu.region"() ({
      %run_scoped3A = tpu.sem_alloc : memref<!tpu.dma_semaphore, #tpu.memory_space<semaphore_mem>>
      %dma_start3A = arith.constant 0 : i32
      %dma_start3A_86 = tpu.memref_slice %arg21[%add3A_22, %dma_start3A] : memref<10240x128xf32, #tpu.memory_space<vmem_shared>> -> memref<80x128xf32, #tpu.memory_space<vmem_shared>>
      %dma_start3A_87 = arith.constant 0 : i32
      %dma_start3A_88 = tpu.memref_slice %arg21[%add3A_22, %dma_start3A_87] : memref<10240x128xf32, #tpu.memory_space<vmem_shared>> -> memref<80x128xf32, #tpu.memory_space<vmem_shared>>
      tpu.enqueue_dma source(%arg12 : memref<80x128xf32, #tpu.memory_space<vmem>>) target(%dma_start3A_88 : memref<80x128xf32, #tpu.memory_space<vmem_shared>>) target_semaphore(%run_scoped3A : memref<!tpu.dma_semaphore, #tpu.memory_space<semaphore_mem>>)
      %dma_wait3A = arith.constant 0 : i32
      %dma_wait3A_89 = tpu.memref_slice %arg21[%add3A_22, %dma_wait3A] : memref<10240x128xf32, #tpu.memory_space<vmem_shared>> -> memref<80x128xf32, #tpu.memory_space<vmem_shared>>
      %dma_wait3A_90 = arith.constant 0 : i32
      %dma_wait3A_91 = tpu.memref_slice %arg21[%add3A_22, %dma_wait3A_90] : memref<10240x128xf32, #tpu.memory_space<vmem_shared>> -> memref<80x128xf32, #tpu.memory_space<vmem_shared>>
      tpu.wait_dma2 semaphore(%run_scoped3A : memref<!tpu.dma_semaphore, #tpu.memory_space<semaphore_mem>>) src(%arg12 : memref<80x128xf32, #tpu.memory_space<vmem>>) dst(%dma_wait3A_91 : memref<80x128xf32, #tpu.memory_space<vmem_shared>>)
      tpu.yield
    }) : () -> ()
    %add3A_23 = arith.constant 480 : i32
    %add3A_24 = arith.addi %mul3A_2, %add3A_23 : i32
    "tpu.region"() ({
      %run_scoped3A = tpu.sem_alloc : memref<!tpu.dma_semaphore, #tpu.memory_space<semaphore_mem>>
      %dma_start3A = arith.constant 0 : i32
      %dma_start3A_86 = tpu.memref_slice %arg21[%add3A_24, %dma_start3A] : memref<10240x128xf32, #tpu.memory_space<vmem_shared>> -> memref<80x128xf32, #tpu.memory_space<vmem_shared>>
      %dma_start3A_87 = arith.constant 0 : i32
      %dma_start3A_88 = tpu.memref_slice %arg21[%add3A_24, %dma_start3A_87] : memref<10240x128xf32, #tpu.memory_space<vmem_shared>> -> memref<80x128xf32, #tpu.memory_space<vmem_shared>>
      tpu.enqueue_dma source(%arg12 : memref<80x128xf32, #tpu.memory_space<vmem>>) target(%dma_start3A_88 : memref<80x128xf32, #tpu.memory_space<vmem_shared>>) target_semaphore(%run_scoped3A : memref<!tpu.dma_semaphore, #tpu.memory_space<semaphore_mem>>)
      %dma_wait3A = arith.constant 0 : i32
      %dma_wait3A_89 = tpu.memref_slice %arg21[%add3A_24, %dma_wait3A] : memref<10240x128xf32, #tpu.memory_space<vmem_shared>> -> memref<80x128xf32, #tpu.memory_space<vmem_shared>>
      %dma_wait3A_90 = arith.constant 0 : i32
      %dma_wait3A_91 = tpu.memref_slice %arg21[%add3A_24, %dma_wait3A_90] : memref<10240x128xf32, #tpu.memory_space<vmem_shared>> -> memref<80x128xf32, #tpu.memory_space<vmem_shared>>
      tpu.wait_dma2 semaphore(%run_scoped3A : memref<!tpu.dma_semaphore, #tpu.memory_space<semaphore_mem>>) src(%arg12 : memref<80x128xf32, #tpu.memory_space<vmem>>) dst(%dma_wait3A_91 : memref<80x128xf32, #tpu.memory_space<vmem_shared>>)
      tpu.yield
    }) : () -> ()
    %add3A_25 = arith.constant 560 : i32
    %add3A_26 = arith.addi %mul3A_2, %add3A_25 : i32
    "tpu.region"() ({
      %run_scoped3A = tpu.sem_alloc : memref<!tpu.dma_semaphore, #tpu.memory_space<semaphore_mem>>
      %dma_start3A = arith.constant 0 : i32
      %dma_start3A_86 = tpu.memref_slice %arg21[%add3A_26, %dma_start3A] : memref<10240x128xf32, #tpu.memory_space<vmem_shared>> -> memref<80x128xf32, #tpu.memory_space<vmem_shared>>
      %dma_start3A_87 = arith.constant 0 : i32
      %dma_start3A_88 = tpu.memref_slice %arg21[%add3A_26, %dma_start3A_87] : memref<10240x128xf32, #tpu.memory_space<vmem_shared>> -> memref<80x128xf32, #tpu.memory_space<vmem_shared>>
      tpu.enqueue_dma source(%arg12 : memref<80x128xf32, #tpu.memory_space<vmem>>) target(%dma_start3A_88 : memref<80x128xf32, #tpu.memory_space<vmem_shared>>) target_semaphore(%run_scoped3A : memref<!tpu.dma_semaphore, #tpu.memory_space<semaphore_mem>>)
      %dma_wait3A = arith.constant 0 : i32
      %dma_wait3A_89 = tpu.memref_slice %arg21[%add3A_26, %dma_wait3A] : memref<10240x128xf32, #tpu.memory_space<vmem_shared>> -> memref<80x128xf32, #tpu.memory_space<vmem_shared>>
      %dma_wait3A_90 = arith.constant 0 : i32
      %dma_wait3A_91 = tpu.memref_slice %arg21[%add3A_26, %dma_wait3A_90] : memref<10240x128xf32, #tpu.memory_space<vmem_shared>> -> memref<80x128xf32, #tpu.memory_space<vmem_shared>>
      tpu.wait_dma2 semaphore(%run_scoped3A : memref<!tpu.dma_semaphore, #tpu.memory_space<semaphore_mem>>) src(%arg12 : memref<80x128xf32, #tpu.memory_space<vmem>>) dst(%dma_wait3A_91 : memref<80x128xf32, #tpu.memory_space<vmem_shared>>)
      tpu.yield
    }) : () -> ()
    %scan3A_27 = arith.constant 0 : i32
    %scan3A_28 = arith.constant 0 : i32
    %scan3A_29 = arith.constant 40 : i32
    %scan3A_30 = arith.addi %scan3A_28, %scan3A_29 : i32
    %scan3A_31 = arith.constant 1 : i32
    %scan3A_32 = scf.for %scan3A_86 = %scan3A_28 to %scan3A_30 step %scan3A_31 iter_args(%scan3A_87 = %scan3A_27) -> (i32)  : i32 {
      %mul3A_88 = arith.constant 16 : i32
      %mul3A_89 = arith.muli %mul3A_88, %scan3A_86 : i32
      %swap3A = arith.index_cast %mul3A_89 : i32 to index
      %swap3A_90 = tpu.vector_load %arg17[%swap3A] {strides = array<i32>} : memref<640xf32, #tpu.memory_space<vmem>>, vector<16xf32>,
      tpu.vector_store %arg17[%swap3A], %broadcast_in_dim3A_5 {strides = array<i32>} : memref<640xf32, #tpu.memory_space<vmem>>, vector<16xf32>,
      %scan3A_91 = arith.constant 0 : i32
      scf.yield %scan3A_91 : i32
    }
    %scan3A_33 = arith.constant 40 : i32
    %scan3A_34 = arith.constant 0 : i32
    %scan3A_35 = arith.constant 0 : i32
    %scan3A_36 = arith.constant 32 : i32
    %scan3A_37 = arith.addi %scan3A_35, %scan3A_36 : i32
    %scan3A_38 = arith.constant 1 : i32
    %scan3A_39 = scf.for %scan3A_86 = %scan3A_35 to %scan3A_37 step %scan3A_38 iter_args(%scan3A_87 = %scan3A_34) -> (i32)  : i32 {
      "tpu.region"() ({
        %run_scoped3A = tpu.sem_alloc : memref<!tpu.dma_semaphore, #tpu.memory_space<semaphore_mem>>
        %dma_start3A = tpu.memref_slice %arg6[%scan3A_86, %mul3A_2] : memref<32x10240xf32, #tpu.memory_space<hbm>> -> memref<1x640xf32, #tpu.memory_space<hbm>>
        %dma_start3A_96 = tpu.memref_squeeze %dma_start3A : memref<1x640xf32, #tpu.memory_space<hbm>> -> memref<640xf32, #tpu.memory_space<hbm>>
        %dma_start3A_97 = tpu.memref_slice %arg6[%scan3A_86, %mul3A_2] : memref<32x10240xf32, #tpu.memory_space<hbm>> -> memref<1x640xf32, #tpu.memory_space<hbm>>
        %dma_start3A_98 = tpu.memref_squeeze %dma_start3A_97 : memref<1x640xf32, #tpu.memory_space<hbm>> -> memref<640xf32, #tpu.memory_space<hbm>>
        tpu.enqueue_dma source(%dma_start3A_98 : memref<640xf32, #tpu.memory_space<hbm>>) target(%arg18 : memref<640xf32, #tpu.memory_space<vmem>>) target_semaphore(%run_scoped3A : memref<!tpu.dma_semaphore, #tpu.memory_space<semaphore_mem>>)
        %dma_wait3A = tpu.memref_slice %arg6[%scan3A_86, %mul3A_2] : memref<32x10240xf32, #tpu.memory_space<hbm>> -> memref<1x640xf32, #tpu.memory_space<hbm>>
        %dma_wait3A_99 = tpu.memref_squeeze %dma_wait3A : memref<1x640xf32, #tpu.memory_space<hbm>> -> memref<640xf32, #tpu.memory_space<hbm>>
        %dma_wait3A_100 = tpu.memref_slice %arg6[%scan3A_86, %mul3A_2] : memref<32x10240xf32, #tpu.memory_space<hbm>> -> memref<1x640xf32, #tpu.memory_space<hbm>>
        %dma_wait3A_101 = tpu.memref_squeeze %dma_wait3A_100 : memref<1x640xf32, #tpu.memory_space<hbm>> -> memref<640xf32, #tpu.memory_space<hbm>>
        tpu.wait_dma2 semaphore(%run_scoped3A : memref<!tpu.dma_semaphore, #tpu.memory_space<semaphore_mem>>) src(%dma_wait3A_101 : memref<640xf32, #tpu.memory_space<hbm>>) dst(%arg18 : memref<640xf32, #tpu.memory_space<vmem>>)
        tpu.yield
      }) : () -> ()
      %scan3A_88 = arith.constant 0 : i32
      %scan3A_89 = arith.constant 0 : i32
      %scan3A_90 = arith.constant 40 : i32
      %scan3A_91 = arith.addi %scan3A_89, %scan3A_90 : i32
      %scan3A_92 = arith.constant 1 : i32
      %scan3A_93 = scf.for %scan3A_96 = %scan3A_89 to %scan3A_91 step %scan3A_92 iter_args(%scan3A_97 = %scan3A_88) -> (i32)  : i32 {
        %mul3A_98 = arith.constant 16 : i32
        %mul3A_99 = arith.muli %scan3A_96, %mul3A_98 : i32
        %get3A = arith.index_cast %mul3A_99 : i32 to index
        %get3A_100 = tpu.vector_load %arg17[%get3A] {strides = array<i32>} : memref<640xf32, #tpu.memory_space<vmem>>, vector<16xf32>,
        %mul3A_101 = arith.constant 16 : i32
        %mul3A_102 = arith.muli %scan3A_96, %mul3A_101 : i32
        %get3A_103 = arith.index_cast %mul3A_102 : i32 to index
        %get3A_104 = tpu.vector_load %arg18[%get3A_103] {strides = array<i32>} : memref<640xf32, #tpu.memory_space<vmem>>, vector<16xf32>,
        %max3A = arith.maximumf %get3A_100, %get3A_104 : vector<16xf32>
        %mul3A_105 = arith.constant 16 : i32
        %mul3A_106 = arith.muli %scan3A_96, %mul3A_105 : i32
        %swap3A = arith.index_cast %mul3A_106 : i32 to index
        %swap3A_107 = tpu.vector_load %arg17[%swap3A] {strides = array<i32>} : memref<640xf32, #tpu.memory_space<vmem>>, vector<16xf32>,
        tpu.vector_store %arg17[%swap3A], %max3A {strides = array<i32>} : memref<640xf32, #tpu.memory_space<vmem>>, vector<16xf32>,
        %scan3A_108 = arith.constant 0 : i32
        scf.yield %scan3A_108 : i32
      }
      %scan3A_94 = arith.constant 40 : i32
      %scan3A_95 = arith.constant 0 : i32
      scf.yield %scan3A_95 : i32
    }
    %scan3A_40 = arith.constant 32 : i32
    "tpu.region"() ({
      %run_scoped3A = tpu.sem_alloc : memref<!tpu.dma_semaphore, #tpu.memory_space<semaphore_mem>>
      %dma_start3A = tpu.memref_slice %arg20[%mul3A_2] : memref<10240xf32, #tpu.memory_space<vmem_shared>> -> memref<640xf32, #tpu.memory_space<vmem_shared>>
      %dma_start3A_86 = tpu.memref_slice %arg20[%mul3A_2] : memref<10240xf32, #tpu.memory_space<vmem_shared>> -> memref<640xf32, #tpu.memory_space<vmem_shared>>
      tpu.enqueue_dma source(%arg17 : memref<640xf32, #tpu.memory_space<vmem>>) target(%dma_start3A_86 : memref<640xf32, #tpu.memory_space<vmem_shared>>) target_semaphore(%run_scoped3A : memref<!tpu.dma_semaphore, #tpu.memory_space<semaphore_mem>>)
      %dma_wait3A = tpu.memref_slice %arg20[%mul3A_2] : memref<10240xf32, #tpu.memory_space<vmem_shared>> -> memref<640xf32, #tpu.memory_space<vmem_shared>>
      %dma_wait3A_87 = tpu.memref_slice %arg20[%mul3A_2] : memref<10240xf32, #tpu.memory_space<vmem_shared>> -> memref<640xf32, #tpu.memory_space<vmem_shared>>
      tpu.wait_dma2 semaphore(%run_scoped3A : memref<!tpu.dma_semaphore, #tpu.memory_space<semaphore_mem>>) src(%arg17 : memref<640xf32, #tpu.memory_space<vmem>>) dst(%dma_wait3A_87 : memref<640xf32, #tpu.memory_space<vmem_shared>>)
      tpu.yield
    }) : () -> ()
    %barrier3A = arith.constant 0 : index
    tpu.barrier barrier_id(%barrier3A)
    "tpu.region"() ({
      %run_scoped3A = tpu.sem_alloc : memref<!tpu.dma_semaphore, #tpu.memory_space<semaphore_mem>>
      tpu.enqueue_dma source(%arg20 : memref<10240xf32, #tpu.memory_space<vmem_shared>>) target(%arg10 : memref<10240xf32, #tpu.memory_space<vmem>>) target_semaphore(%run_scoped3A : memref<!tpu.dma_semaphore, #tpu.memory_space<semaphore_mem>>)
      tpu.wait_dma2 semaphore(%run_scoped3A : memref<!tpu.dma_semaphore, #tpu.memory_space<semaphore_mem>>) src(%arg20 : memref<10240xf32, #tpu.memory_space<vmem_shared>>) dst(%arg10 : memref<10240xf32, #tpu.memory_space<vmem>>)
      tpu.yield
    }) : () -> ()
    %scan3A_41 = arith.constant 0 : i32
    %scan3A_42 = arith.constant 0 : i32
    %scan3A_43 = arith.constant 640 : i32
    %scan3A_44 = arith.addi %scan3A_42, %scan3A_43 : i32
    %scan3A_45 = arith.constant 1 : i32
    %scan3A_46 = scf.for %scan3A_86 = %scan3A_42 to %scan3A_44 step %scan3A_45 iter_args(%scan3A_87 = %scan3A_41) -> (i32)  : i32 {
      %mul3A_88 = arith.constant 16 : i32
      %mul3A_89 = arith.muli %scan3A_86, %mul3A_88 : i32
      %swap3A = arith.index_cast %mul3A_89 : i32 to index
      %swap3A_90 = tpu.vector_load %arg11[%swap3A] {strides = array<i32>} : memref<10240xf32, #tpu.memory_space<vmem>>, vector<16xf32>,
      tpu.vector_store %arg11[%swap3A], %broadcast_in_dim3A_3 {strides = array<i32>} : memref<10240xf32, #tpu.memory_space<vmem>>, vector<16xf32>,
      %scan3A_91 = arith.constant 0 : i32
      scf.yield %scan3A_91 : i32
    }
    %scan3A_47 = arith.constant 640 : i32
    %scan3A_48 = arith.constant 0 : i32
    %scan3A_49 = arith.constant 0 : i32
    %scan3A_50 = arith.constant 250 : i32
    %scan3A_51 = arith.addi %scan3A_49, %scan3A_50 : i32
    %scan3A_52 = arith.constant 1 : i32
    %scan3A_53 = scf.for %scan3A_86 = %scan3A_49 to %scan3A_51 step %scan3A_52 iter_args(%scan3A_87 = %scan3A_48) -> (i32)  : i32 {
      %mul3A_88 = arith.constant 80 : i32
      %mul3A_89 = arith.muli %scan3A_86, %mul3A_88 : i32
      %add3A_90 = arith.addi %mul3A_0, %mul3A_89 : i32
      "tpu.region"() ({
        %run_scoped3A = tpu.sem_alloc : memref<!tpu.dma_semaphore, #tpu.memory_space<semaphore_mem>>
        %dma_start3A = tpu.memref_slice %arg5[%add3A_90] : memref<320000xf32, #tpu.memory_space<hbm>> -> memref<80xf32, #tpu.memory_space<hbm>>
        %dma_start3A_627 = tpu.memref_slice %arg5[%add3A_90] : memref<320000xf32, #tpu.memory_space<hbm>> -> memref<80xf32, #tpu.memory_space<hbm>>
        tpu.enqueue_dma source(%dma_start3A_627 : memref<80xf32, #tpu.memory_space<hbm>>) target(%arg15 : memref<80xf32, #tpu.memory_space<vmem>>) target_semaphore(%run_scoped3A : memref<!tpu.dma_semaphore, #tpu.memory_space<semaphore_mem>>)
        %dma_wait3A = tpu.memref_slice %arg5[%add3A_90] : memref<320000xf32, #tpu.memory_space<hbm>> -> memref<80xf32, #tpu.memory_space<hbm>>
        %dma_wait3A_628 = tpu.memref_slice %arg5[%add3A_90] : memref<320000xf32, #tpu.memory_space<hbm>> -> memref<80xf32, #tpu.memory_space<hbm>>
        tpu.wait_dma2 semaphore(%run_scoped3A : memref<!tpu.dma_semaphore, #tpu.memory_space<semaphore_mem>>) src(%dma_wait3A_628 : memref<80xf32, #tpu.memory_space<hbm>>) dst(%arg15 : memref<80xf32, #tpu.memory_space<vmem>>)
        tpu.yield
      }) : () -> ()
      "tpu.region"() ({
        %run_scoped3A = tpu.sem_alloc : memref<!tpu.dma_semaphore, #tpu.memory_space<semaphore_mem>>
        %dma_start3A = tpu.memref_slice %arg4[%add3A_90] : memref<320000xi32, #tpu.memory_space<hbm>> -> memref<80xi32, #tpu.memory_space<hbm>>
        %dma_start3A_627 = tpu.memref_slice %arg4[%add3A_90] : memref<320000xi32, #tpu.memory_space<hbm>> -> memref<80xi32, #tpu.memory_space<hbm>>
        tpu.enqueue_dma source(%dma_start3A_627 : memref<80xi32, #tpu.memory_space<hbm>>) target(%arg13 : memref<80xi32, #tpu.memory_space<vmem>>) target_semaphore(%run_scoped3A : memref<!tpu.dma_semaphore, #tpu.memory_space<semaphore_mem>>)
        %dma_wait3A = tpu.memref_slice %arg4[%add3A_90] : memref<320000xi32, #tpu.memory_space<hbm>> -> memref<80xi32, #tpu.memory_space<hbm>>
        %dma_wait3A_628 = tpu.memref_slice %arg4[%add3A_90] : memref<320000xi32, #tpu.memory_space<hbm>> -> memref<80xi32, #tpu.memory_space<hbm>>
        tpu.wait_dma2 semaphore(%run_scoped3A : memref<!tpu.dma_semaphore, #tpu.memory_space<semaphore_mem>>) src(%dma_wait3A_628 : memref<80xi32, #tpu.memory_space<hbm>>) dst(%arg13 : memref<80xi32, #tpu.memory_space<vmem>>)
        tpu.yield
      }) : () -> ()
      %get3A = arith.constant 0 : index
      %get3A_91 = tpu.vector_load %arg13[%get3A] {strides = array<i32>} : memref<80xi32, #tpu.memory_space<vmem>>, vector<16xi32>,
      %gather3A = tpu.vector_load_idx %arg10[%get3A_91] : memref<10240xf32, #tpu.memory_space<vmem>>[vector<16xi32>], vector<16xf32>,
      %get3A_92 = arith.constant 0 : index
      %get3A_93 = tpu.vector_load %arg15[%get3A_92] {strides = array<i32>} : memref<80xf32, #tpu.memory_space<vmem>>, vector<16xf32>,
      %sub3A = arith.subf %get3A_93, %gather3A : vector<16xf32>
      %exp3A = math.exp %sub3A : vector<16xf32>
      %swap3A = arith.constant 0 : index
      %swap3A_94 = tpu.vector_load %arg15[%swap3A] {strides = array<i32>} : memref<80xf32, #tpu.memory_space<vmem>>, vector<16xf32>,
      tpu.vector_store %arg15[%swap3A], %exp3A {strides = array<i32>} : memref<80xf32, #tpu.memory_space<vmem>>, vector<16xf32>,
      %masked_sort3A = arith.constant dense<true> : vector<16xi1>
      %masked_sort3A_95 = arith.constant -2147483648 : i32
      %masked_sort3A_96 = vector.broadcast %masked_sort3A_95 : i32 to vector<16xi32>
      %masked_sort3A_97 = arith.xori %get3A_91, %masked_sort3A_96 : vector<16xi32>
      %masked_sort3A_98, %masked_sort3A_99, %masked_sort3A_100 = tpu.sort %masked_sort3A_97, %exp3A masked %masked_sort3A : (vector<16xi32>, vector<16xf32>, vector<16xi1>) -> (vector<16xi1>, vector<16xi32>, vector<16xf32>)
      %masked_sort3A_101 = arith.xori %masked_sort3A_99, %masked_sort3A_96 : vector<16xi32>
      %iota3A = tpu.iota {dimensions = array<i32: 0>} : vector<16xi32>
      %sub3A_102 = arith.constant 1 : i32
      %sub3A_103 = vector.broadcast %sub3A_102 : i32 to vector<16xi32>
      %sub3A_104 = arith.subi %iota3A, %sub3A_103 : vector<16xi32>
      %ge3A = arith.constant 0 : i32
      %ge3A_105 = vector.broadcast %ge3A : i32 to vector<16xi32>
      %ge3A_106 = arith.cmpi sge, %sub3A_104, %ge3A_105 : vector<16xi32>
      %max3A = arith.constant 0 : i32
      %max3A_107 = vector.broadcast %max3A : i32 to vector<16xi32>
      %max3A_108 = arith.maxsi %sub3A_104, %max3A_107 : vector<16xi32>
      %broadcast_in_dim3A_109 = vector.shape_cast %max3A_108 : vector<16xi32> to vector<16x1xi32>
      %gather3A_110 = vector.shape_cast %broadcast_in_dim3A_109 : vector<16x1xi32> to vector<16xi32>
      %gather3A_111 = tpu.dynamic_gather %masked_sort3A_101[%gather3A_110] in [0] : vector<16xi32>, vector<16xi32> -> vector<16xi32>
      %broadcast_in_dim3A_112 = vector.shape_cast %max3A_108 : vector<16xi32> to vector<16x1xi32>
      %gather3A_113 = vector.shape_cast %broadcast_in_dim3A_112 : vector<16x1xi32> to vector<16xi32>
      %gather3A_114 = tpu.dynamic_gather %masked_sort3A_100[%gather3A_113] in [0] : vector<16xf32>, vector<16xi32> -> vector<16xf32>
      %eq3A = arith.cmpi eq, %gather3A_111, %masked_sort3A_101 : vector<16xi32>
      %and3A = arith.andi %ge3A_106, %eq3A : vector<16xi1>
      %add3A_115 = arith.addf %masked_sort3A_100, %gather3A_114 : vector<16xf32>
      %select_n3A = arith.select %and3A, %add3A_115, %masked_sort3A_100 : vector<16xi1>, vector<16xf32>
      %sub3A_116 = arith.constant 2 : i32
      %sub3A_117 = vector.broadcast %sub3A_116 : i32 to vector<16xi32>
      %sub3A_118 = arith.subi %iota3A, %sub3A_117 : vector<16xi32>
      %ge3A_119 = arith.constant 0 : i32
      %ge3A_120 = vector.broadcast %ge3A_119 : i32 to vector<16xi32>
      %ge3A_121 = arith.cmpi sge, %sub3A_118, %ge3A_120 : vector<16xi32>
      %max3A_122 = arith.constant 0 : i32
      %max3A_123 = vector.broadcast %max3A_122 : i32 to vector<16xi32>
      %max3A_124 = arith.maxsi %sub3A_118, %max3A_123 : vector<16xi32>
      %broadcast_in_dim3A_125 = vector.shape_cast %max3A_124 : vector<16xi32> to vector<16x1xi32>
      %gather3A_126 = vector.shape_cast %broadcast_in_dim3A_125 : vector<16x1xi32> to vector<16xi32>
      %gather3A_127 = tpu.dynamic_gather %masked_sort3A_101[%gather3A_126] in [0] : vector<16xi32>, vector<16xi32> -> vector<16xi32>
      %broadcast_in_dim3A_128 = vector.shape_cast %max3A_124 : vector<16xi32> to vector<16x1xi32>
      %gather3A_129 = vector.shape_cast %broadcast_in_dim3A_128 : vector<16x1xi32> to vector<16xi32>
      %gather3A_130 = tpu.dynamic_gather %select_n3A[%gather3A_129] in [0] : vector<16xf32>, vector<16xi32> -> vector<16xf32>
      %eq3A_131 = arith.cmpi eq, %gather3A_127, %masked_sort3A_101 : vector<16xi32>
      %and3A_132 = arith.andi %ge3A_121, %eq3A_131 : vector<16xi1>
      %add3A_133 = arith.addf %select_n3A, %gather3A_130 : vector<16xf32>
      %select_n3A_134 = arith.select %and3A_132, %add3A_133, %select_n3A : vector<16xi1>, vector<16xf32>
      %sub3A_135 = arith.constant 4 : i32
      %sub3A_136 = vector.broadcast %sub3A_135 : i32 to vector<16xi32>
      %sub3A_137 = arith.subi %iota3A, %sub3A_136 : vector<16xi32>
      %ge3A_138 = arith.constant 0 : i32
      %ge3A_139 = vector.broadcast %ge3A_138 : i32 to vector<16xi32>
      %ge3A_140 = arith.cmpi sge, %sub3A_137, %ge3A_139 : vector<16xi32>
      %max3A_141 = arith.constant 0 : i32
      %max3A_142 = vector.broadcast %max3A_141 : i32 to vector<16xi32>
      %max3A_143 = arith.maxsi %sub3A_137, %max3A_142 : vector<16xi32>
      %broadcast_in_dim3A_144 = vector.shape_cast %max3A_143 : vector<16xi32> to vector<16x1xi32>
      %gather3A_145 = vector.shape_cast %broadcast_in_dim3A_144 : vector<16x1xi32> to vector<16xi32>
      %gather3A_146 = tpu.dynamic_gather %masked_sort3A_101[%gather3A_145] in [0] : vector<16xi32>, vector<16xi32> -> vector<16xi32>
      %broadcast_in_dim3A_147 = vector.shape_cast %max3A_143 : vector<16xi32> to vector<16x1xi32>
      %gather3A_148 = vector.shape_cast %broadcast_in_dim3A_147 : vector<16x1xi32> to vector<16xi32>
      %gather3A_149 = tpu.dynamic_gather %select_n3A_134[%gather3A_148] in [0] : vector<16xf32>, vector<16xi32> -> vector<16xf32>
      %eq3A_150 = arith.cmpi eq, %gather3A_146, %masked_sort3A_101 : vector<16xi32>
      %and3A_151 = arith.andi %ge3A_140, %eq3A_150 : vector<16xi1>
      %add3A_152 = arith.addf %select_n3A_134, %gather3A_149 : vector<16xf32>
      %select_n3A_153 = arith.select %and3A_151, %add3A_152, %select_n3A_134 : vector<16xi1>, vector<16xf32>
      %sub3A_154 = arith.constant 8 : i32
      %sub3A_155 = vector.broadcast %sub3A_154 : i32 to vector<16xi32>
      %sub3A_156 = arith.subi %iota3A, %sub3A_155 : vector<16xi32>
      %ge3A_157 = arith.constant 0 : i32
      %ge3A_158 = vector.broadcast %ge3A_157 : i32 to vector<16xi32>
      %ge3A_159 = arith.cmpi sge, %sub3A_156, %ge3A_158 : vector<16xi32>
      %max3A_160 = arith.constant 0 : i32
      %max3A_161 = vector.broadcast %max3A_160 : i32 to vector<16xi32>
      %max3A_162 = arith.maxsi %sub3A_156, %max3A_161 : vector<16xi32>
      %broadcast_in_dim3A_163 = vector.shape_cast %max3A_162 : vector<16xi32> to vector<16x1xi32>
      %gather3A_164 = vector.shape_cast %broadcast_in_dim3A_163 : vector<16x1xi32> to vector<16xi32>
      %gather3A_165 = tpu.dynamic_gather %masked_sort3A_101[%gather3A_164] in [0] : vector<16xi32>, vector<16xi32> -> vector<16xi32>
      %broadcast_in_dim3A_166 = vector.shape_cast %max3A_162 : vector<16xi32> to vector<16x1xi32>
      %gather3A_167 = vector.shape_cast %broadcast_in_dim3A_166 : vector<16x1xi32> to vector<16xi32>
      %gather3A_168 = tpu.dynamic_gather %select_n3A_153[%gather3A_167] in [0] : vector<16xf32>, vector<16xi32> -> vector<16xf32>
      %eq3A_169 = arith.cmpi eq, %gather3A_165, %masked_sort3A_101 : vector<16xi32>
      %and3A_170 = arith.andi %ge3A_159, %eq3A_169 : vector<16xi1>
      %add3A_171 = arith.addf %select_n3A_153, %gather3A_168 : vector<16xf32>
      %select_n3A_172 = arith.select %and3A_170, %add3A_171, %select_n3A_153 : vector<16xi1>, vector<16xf32>
      %add3A_173 = arith.constant 1 : i32
      %add3A_174 = vector.broadcast %add3A_173 : i32 to vector<16xi32>
      %add3A_175 = arith.addi %iota3A, %add3A_174 : vector<16xi32>
      %min3A = arith.constant 15 : i32
      %min3A_176 = vector.broadcast %min3A : i32 to vector<16xi32>
      %min3A_177 = arith.minsi %add3A_175, %min3A_176 : vector<16xi32>
      %broadcast_in_dim3A_178 = vector.shape_cast %min3A_177 : vector<16xi32> to vector<16x1xi32>
      %gather3A_179 = vector.shape_cast %broadcast_in_dim3A_178 : vector<16x1xi32> to vector<16xi32>
      %gather3A_180 = tpu.dynamic_gather %masked_sort3A_101[%gather3A_179] in [0] : vector<16xi32>, vector<16xi32> -> vector<16xi32>
      %eq3A_181 = arith.constant 15 : i32
      %eq3A_182 = vector.broadcast %eq3A_181 : i32 to vector<16xi32>
      %eq3A_183 = arith.cmpi eq, %iota3A, %eq3A_182 : vector<16xi32>
      %ne3A = arith.cmpi ne, %gather3A_180, %masked_sort3A_101 : vector<16xi32>
      %or3A = arith.ori %eq3A_183, %ne3A : vector<16xi1>
      %gather3A_184 = tpu.vector_load_idx %arg11[%masked_sort3A_101] : memref<10240xf32, #tpu.memory_space<vmem>>[vector<16xi32>], vector<16xf32>,
      %add3A_185 = arith.addf %gather3A_184, %select_n3A_172 : vector<16xf32>
      tpu.vector_store_idx %arg11[%masked_sort3A_101], %add3A_185 masked %or3A : memref<10240xf32, #tpu.memory_space<vmem>>[vector<16xi32>], vector<16xf32>, vector<16xi1>
      %get3A_186 = arith.constant 16 : index
      %get3A_187 = tpu.vector_load %arg13[%get3A_186] {strides = array<i32>} : memref<80xi32, #tpu.memory_space<vmem>>, vector<16xi32>,
      %gather3A_188 = tpu.vector_load_idx %arg10[%get3A_187] : memref<10240xf32, #tpu.memory_space<vmem>>[vector<16xi32>], vector<16xf32>,
      %get3A_189 = arith.constant 16 : index
      %get3A_190 = tpu.vector_load %arg15[%get3A_189] {strides = array<i32>} : memref<80xf32, #tpu.memory_space<vmem>>, vector<16xf32>,
      %sub3A_191 = arith.subf %get3A_190, %gather3A_188 : vector<16xf32>
      %exp3A_192 = math.exp %sub3A_191 : vector<16xf32>
      %swap3A_193 = arith.constant 16 : index
      %swap3A_194 = tpu.vector_load %arg15[%swap3A_193] {strides = array<i32>} : memref<80xf32, #tpu.memory_space<vmem>>, vector<16xf32>,
      tpu.vector_store %arg15[%swap3A_193], %exp3A_192 {strides = array<i32>} : memref<80xf32, #tpu.memory_space<vmem>>, vector<16xf32>,
      %masked_sort3A_195 = arith.constant dense<true> : vector<16xi1>
      %masked_sort3A_196 = arith.constant -2147483648 : i32
      %masked_sort3A_197 = vector.broadcast %masked_sort3A_196 : i32 to vector<16xi32>
      %masked_sort3A_198 = arith.xori %get3A_187, %masked_sort3A_197 : vector<16xi32>
      %masked_sort3A_199, %masked_sort3A_200, %masked_sort3A_201 = tpu.sort %masked_sort3A_198, %exp3A_192 masked %masked_sort3A_195 : (vector<16xi32>, vector<16xf32>, vector<16xi1>) -> (vector<16xi1>, vector<16xi32>, vector<16xf32>)
      %masked_sort3A_202 = arith.xori %masked_sort3A_200, %masked_sort3A_197 : vector<16xi32>
      %iota3A_203 = tpu.iota {dimensions = array<i32: 0>} : vector<16xi32>
      %sub3A_204 = arith.constant 1 : i32
      %sub3A_205 = vector.broadcast %sub3A_204 : i32 to vector<16xi32>
      %sub3A_206 = arith.subi %iota3A_203, %sub3A_205 : vector<16xi32>
      %ge3A_207 = arith.constant 0 : i32
      %ge3A_208 = vector.broadcast %ge3A_207 : i32 to vector<16xi32>
      %ge3A_209 = arith.cmpi sge, %sub3A_206, %ge3A_208 : vector<16xi32>
      %max3A_210 = arith.constant 0 : i32
      %max3A_211 = vector.broadcast %max3A_210 : i32 to vector<16xi32>
      %max3A_212 = arith.maxsi %sub3A_206, %max3A_211 : vector<16xi32>
      %broadcast_in_dim3A_213 = vector.shape_cast %max3A_212 : vector<16xi32> to vector<16x1xi32>
      %gather3A_214 = vector.shape_cast %broadcast_in_dim3A_213 : vector<16x1xi32> to vector<16xi32>
      %gather3A_215 = tpu.dynamic_gather %masked_sort3A_202[%gather3A_214] in [0] : vector<16xi32>, vector<16xi32> -> vector<16xi32>
      %broadcast_in_dim3A_216 = vector.shape_cast %max3A_212 : vector<16xi32> to vector<16x1xi32>
      %gather3A_217 = vector.shape_cast %broadcast_in_dim3A_216 : vector<16x1xi32> to vector<16xi32>
      %gather3A_218 = tpu.dynamic_gather %masked_sort3A_201[%gather3A_217] in [0] : vector<16xf32>, vector<16xi32> -> vector<16xf32>
      %eq3A_219 = arith.cmpi eq, %gather3A_215, %masked_sort3A_202 : vector<16xi32>
      %and3A_220 = arith.andi %ge3A_209, %eq3A_219 : vector<16xi1>
      %add3A_221 = arith.addf %masked_sort3A_201, %gather3A_218 : vector<16xf32>
      %select_n3A_222 = arith.select %and3A_220, %add3A_221, %masked_sort3A_201 : vector<16xi1>, vector<16xf32>
      %sub3A_223 = arith.constant 2 : i32
      %sub3A_224 = vector.broadcast %sub3A_223 : i32 to vector<16xi32>
      %sub3A_225 = arith.subi %iota3A_203, %sub3A_224 : vector<16xi32>
      %ge3A_226 = arith.constant 0 : i32
      %ge3A_227 = vector.broadcast %ge3A_226 : i32 to vector<16xi32>
      %ge3A_228 = arith.cmpi sge, %sub3A_225, %ge3A_227 : vector<16xi32>
      %max3A_229 = arith.constant 0 : i32
      %max3A_230 = vector.broadcast %max3A_229 : i32 to vector<16xi32>
      %max3A_231 = arith.maxsi %sub3A_225, %max3A_230 : vector<16xi32>
      %broadcast_in_dim3A_232 = vector.shape_cast %max3A_231 : vector<16xi32> to vector<16x1xi32>
      %gather3A_233 = vector.shape_cast %broadcast_in_dim3A_232 : vector<16x1xi32> to vector<16xi32>
      %gather3A_234 = tpu.dynamic_gather %masked_sort3A_202[%gather3A_233] in [0] : vector<16xi32>, vector<16xi32> -> vector<16xi32>
      %broadcast_in_dim3A_235 = vector.shape_cast %max3A_231 : vector<16xi32> to vector<16x1xi32>
      %gather3A_236 = vector.shape_cast %broadcast_in_dim3A_235 : vector<16x1xi32> to vector<16xi32>
      %gather3A_237 = tpu.dynamic_gather %select_n3A_222[%gather3A_236] in [0] : vector<16xf32>, vector<16xi32> -> vector<16xf32>
      %eq3A_238 = arith.cmpi eq, %gather3A_234, %masked_sort3A_202 : vector<16xi32>
      %and3A_239 = arith.andi %ge3A_228, %eq3A_238 : vector<16xi1>
      %add3A_240 = arith.addf %select_n3A_222, %gather3A_237 : vector<16xf32>
      %select_n3A_241 = arith.select %and3A_239, %add3A_240, %select_n3A_222 : vector<16xi1>, vector<16xf32>
      %sub3A_242 = arith.constant 4 : i32
      %sub3A_243 = vector.broadcast %sub3A_242 : i32 to vector<16xi32>
      %sub3A_244 = arith.subi %iota3A_203, %sub3A_243 : vector<16xi32>
      %ge3A_245 = arith.constant 0 : i32
      %ge3A_246 = vector.broadcast %ge3A_245 : i32 to vector<16xi32>
      %ge3A_247 = arith.cmpi sge, %sub3A_244, %ge3A_246 : vector<16xi32>
      %max3A_248 = arith.constant 0 : i32
      %max3A_249 = vector.broadcast %max3A_248 : i32 to vector<16xi32>
      %max3A_250 = arith.maxsi %sub3A_244, %max3A_249 : vector<16xi32>
      %broadcast_in_dim3A_251 = vector.shape_cast %max3A_250 : vector<16xi32> to vector<16x1xi32>
      %gather3A_252 = vector.shape_cast %broadcast_in_dim3A_251 : vector<16x1xi32> to vector<16xi32>
      %gather3A_253 = tpu.dynamic_gather %masked_sort3A_202[%gather3A_252] in [0] : vector<16xi32>, vector<16xi32> -> vector<16xi32>
      %broadcast_in_dim3A_254 = vector.shape_cast %max3A_250 : vector<16xi32> to vector<16x1xi32>
      %gather3A_255 = vector.shape_cast %broadcast_in_dim3A_254 : vector<16x1xi32> to vector<16xi32>
      %gather3A_256 = tpu.dynamic_gather %select_n3A_241[%gather3A_255] in [0] : vector<16xf32>, vector<16xi32> -> vector<16xf32>
      %eq3A_257 = arith.cmpi eq, %gather3A_253, %masked_sort3A_202 : vector<16xi32>
      %and3A_258 = arith.andi %ge3A_247, %eq3A_257 : vector<16xi1>
      %add3A_259 = arith.addf %select_n3A_241, %gather3A_256 : vector<16xf32>
      %select_n3A_260 = arith.select %and3A_258, %add3A_259, %select_n3A_241 : vector<16xi1>, vector<16xf32>
      %sub3A_261 = arith.constant 8 : i32
      %sub3A_262 = vector.broadcast %sub3A_261 : i32 to vector<16xi32>
      %sub3A_263 = arith.subi %iota3A_203, %sub3A_262 : vector<16xi32>
      %ge3A_264 = arith.constant 0 : i32
      %ge3A_265 = vector.broadcast %ge3A_264 : i32 to vector<16xi32>
      %ge3A_266 = arith.cmpi sge, %sub3A_263, %ge3A_265 : vector<16xi32>
      %max3A_267 = arith.constant 0 : i32
      %max3A_268 = vector.broadcast %max3A_267 : i32 to vector<16xi32>
      %max3A_269 = arith.maxsi %sub3A_263, %max3A_268 : vector<16xi32>
      %broadcast_in_dim3A_270 = vector.shape_cast %max3A_269 : vector<16xi32> to vector<16x1xi32>
      %gather3A_271 = vector.shape_cast %broadcast_in_dim3A_270 : vector<16x1xi32> to vector<16xi32>
      %gather3A_272 = tpu.dynamic_gather %masked_sort3A_202[%gather3A_271] in [0] : vector<16xi32>, vector<16xi32> -> vector<16xi32>
      %broadcast_in_dim3A_273 = vector.shape_cast %max3A_269 : vector<16xi32> to vector<16x1xi32>
      %gather3A_274 = vector.shape_cast %broadcast_in_dim3A_273 : vector<16x1xi32> to vector<16xi32>
      %gather3A_275 = tpu.dynamic_gather %select_n3A_260[%gather3A_274] in [0] : vector<16xf32>, vector<16xi32> -> vector<16xf32>
      %eq3A_276 = arith.cmpi eq, %gather3A_272, %masked_sort3A_202 : vector<16xi32>
      %and3A_277 = arith.andi %ge3A_266, %eq3A_276 : vector<16xi1>
      %add3A_278 = arith.addf %select_n3A_260, %gather3A_275 : vector<16xf32>
      %select_n3A_279 = arith.select %and3A_277, %add3A_278, %select_n3A_260 : vector<16xi1>, vector<16xf32>
      %add3A_280 = arith.constant 1 : i32
      %add3A_281 = vector.broadcast %add3A_280 : i32 to vector<16xi32>
      %add3A_282 = arith.addi %iota3A_203, %add3A_281 : vector<16xi32>
      %min3A_283 = arith.constant 15 : i32
      %min3A_284 = vector.broadcast %min3A_283 : i32 to vector<16xi32>
      %min3A_285 = arith.minsi %add3A_282, %min3A_284 : vector<16xi32>
      %broadcast_in_dim3A_286 = vector.shape_cast %min3A_285 : vector<16xi32> to vector<16x1xi32>
      %gather3A_287 = vector.shape_cast %broadcast_in_dim3A_286 : vector<16x1xi32> to vector<16xi32>
      %gather3A_288 = tpu.dynamic_gather %masked_sort3A_202[%gather3A_287] in [0] : vector<16xi32>, vector<16xi32> -> vector<16xi32>
      %eq3A_289 = arith.constant 15 : i32
      %eq3A_290 = vector.broadcast %eq3A_289 : i32 to vector<16xi32>
      %eq3A_291 = arith.cmpi eq, %iota3A_203, %eq3A_290 : vector<16xi32>
      %ne3A_292 = arith.cmpi ne, %gather3A_288, %masked_sort3A_202 : vector<16xi32>
      %or3A_293 = arith.ori %eq3A_291, %ne3A_292 : vector<16xi1>
      %gather3A_294 = tpu.vector_load_idx %arg11[%masked_sort3A_202] : memref<10240xf32, #tpu.memory_space<vmem>>[vector<16xi32>], vector<16xf32>,
      %add3A_295 = arith.addf %gather3A_294, %select_n3A_279 : vector<16xf32>
      tpu.vector_store_idx %arg11[%masked_sort3A_202], %add3A_295 masked %or3A_293 : memref<10240xf32, #tpu.memory_space<vmem>>[vector<16xi32>], vector<16xf32>, vector<16xi1>
      %get3A_296 = arith.constant 32 : index
      %get3A_297 = tpu.vector_load %arg13[%get3A_296] {strides = array<i32>} : memref<80xi32, #tpu.memory_space<vmem>>, vector<16xi32>,
      %gather3A_298 = tpu.vector_load_idx %arg10[%get3A_297] : memref<10240xf32, #tpu.memory_space<vmem>>[vector<16xi32>], vector<16xf32>,
      %get3A_299 = arith.constant 32 : index
      %get3A_300 = tpu.vector_load %arg15[%get3A_299] {strides = array<i32>} : memref<80xf32, #tpu.memory_space<vmem>>, vector<16xf32>,
      %sub3A_301 = arith.subf %get3A_300, %gather3A_298 : vector<16xf32>
      %exp3A_302 = math.exp %sub3A_301 : vector<16xf32>
      %swap3A_303 = arith.constant 32 : index
      %swap3A_304 = tpu.vector_load %arg15[%swap3A_303] {strides = array<i32>} : memref<80xf32, #tpu.memory_space<vmem>>, vector<16xf32>,
      tpu.vector_store %arg15[%swap3A_303], %exp3A_302 {strides = array<i32>} : memref<80xf32, #tpu.memory_space<vmem>>, vector<16xf32>,
      %masked_sort3A_305 = arith.constant dense<true> : vector<16xi1>
      %masked_sort3A_306 = arith.constant -2147483648 : i32
      %masked_sort3A_307 = vector.broadcast %masked_sort3A_306 : i32 to vector<16xi32>
      %masked_sort3A_308 = arith.xori %get3A_297, %masked_sort3A_307 : vector<16xi32>
      %masked_sort3A_309, %masked_sort3A_310, %masked_sort3A_311 = tpu.sort %masked_sort3A_308, %exp3A_302 masked %masked_sort3A_305 : (vector<16xi32>, vector<16xf32>, vector<16xi1>) -> (vector<16xi1>, vector<16xi32>, vector<16xf32>)
      %masked_sort3A_312 = arith.xori %masked_sort3A_310, %masked_sort3A_307 : vector<16xi32>
      %iota3A_313 = tpu.iota {dimensions = array<i32: 0>} : vector<16xi32>
      %sub3A_314 = arith.constant 1 : i32
      %sub3A_315 = vector.broadcast %sub3A_314 : i32 to vector<16xi32>
      %sub3A_316 = arith.subi %iota3A_313, %sub3A_315 : vector<16xi32>
      %ge3A_317 = arith.constant 0 : i32
      %ge3A_318 = vector.broadcast %ge3A_317 : i32 to vector<16xi32>
      %ge3A_319 = arith.cmpi sge, %sub3A_316, %ge3A_318 : vector<16xi32>
      %max3A_320 = arith.constant 0 : i32
      %max3A_321 = vector.broadcast %max3A_320 : i32 to vector<16xi32>
      %max3A_322 = arith.maxsi %sub3A_316, %max3A_321 : vector<16xi32>
      %broadcast_in_dim3A_323 = vector.shape_cast %max3A_322 : vector<16xi32> to vector<16x1xi32>
      %gather3A_324 = vector.shape_cast %broadcast_in_dim3A_323 : vector<16x1xi32> to vector<16xi32>
      %gather3A_325 = tpu.dynamic_gather %masked_sort3A_312[%gather3A_324] in [0] : vector<16xi32>, vector<16xi32> -> vector<16xi32>
      %broadcast_in_dim3A_326 = vector.shape_cast %max3A_322 : vector<16xi32> to vector<16x1xi32>
      %gather3A_327 = vector.shape_cast %broadcast_in_dim3A_326 : vector<16x1xi32> to vector<16xi32>
      %gather3A_328 = tpu.dynamic_gather %masked_sort3A_311[%gather3A_327] in [0] : vector<16xf32>, vector<16xi32> -> vector<16xf32>
      %eq3A_329 = arith.cmpi eq, %gather3A_325, %masked_sort3A_312 : vector<16xi32>
      %and3A_330 = arith.andi %ge3A_319, %eq3A_329 : vector<16xi1>
      %add3A_331 = arith.addf %masked_sort3A_311, %gather3A_328 : vector<16xf32>
      %select_n3A_332 = arith.select %and3A_330, %add3A_331, %masked_sort3A_311 : vector<16xi1>, vector<16xf32>
      %sub3A_333 = arith.constant 2 : i32
      %sub3A_334 = vector.broadcast %sub3A_333 : i32 to vector<16xi32>
      %sub3A_335 = arith.subi %iota3A_313, %sub3A_334 : vector<16xi32>
      %ge3A_336 = arith.constant 0 : i32
      %ge3A_337 = vector.broadcast %ge3A_336 : i32 to vector<16xi32>
      %ge3A_338 = arith.cmpi sge, %sub3A_335, %ge3A_337 : vector<16xi32>
      %max3A_339 = arith.constant 0 : i32
      %max3A_340 = vector.broadcast %max3A_339 : i32 to vector<16xi32>
      %max3A_341 = arith.maxsi %sub3A_335, %max3A_340 : vector<16xi32>
      %broadcast_in_dim3A_342 = vector.shape_cast %max3A_341 : vector<16xi32> to vector<16x1xi32>
      %gather3A_343 = vector.shape_cast %broadcast_in_dim3A_342 : vector<16x1xi32> to vector<16xi32>
      %gather3A_344 = tpu.dynamic_gather %masked_sort3A_312[%gather3A_343] in [0] : vector<16xi32>, vector<16xi32> -> vector<16xi32>
      %broadcast_in_dim3A_345 = vector.shape_cast %max3A_341 : vector<16xi32> to vector<16x1xi32>
      %gather3A_346 = vector.shape_cast %broadcast_in_dim3A_345 : vector<16x1xi32> to vector<16xi32>
      %gather3A_347 = tpu.dynamic_gather %select_n3A_332[%gather3A_346] in [0] : vector<16xf32>, vector<16xi32> -> vector<16xf32>
      %eq3A_348 = arith.cmpi eq, %gather3A_344, %masked_sort3A_312 : vector<16xi32>
      %and3A_349 = arith.andi %ge3A_338, %eq3A_348 : vector<16xi1>
      %add3A_350 = arith.addf %select_n3A_332, %gather3A_347 : vector<16xf32>
      %select_n3A_351 = arith.select %and3A_349, %add3A_350, %select_n3A_332 : vector<16xi1>, vector<16xf32>
      %sub3A_352 = arith.constant 4 : i32
      %sub3A_353 = vector.broadcast %sub3A_352 : i32 to vector<16xi32>
      %sub3A_354 = arith.subi %iota3A_313, %sub3A_353 : vector<16xi32>
      %ge3A_355 = arith.constant 0 : i32
      %ge3A_356 = vector.broadcast %ge3A_355 : i32 to vector<16xi32>
      %ge3A_357 = arith.cmpi sge, %sub3A_354, %ge3A_356 : vector<16xi32>
      %max3A_358 = arith.constant 0 : i32
      %max3A_359 = vector.broadcast %max3A_358 : i32 to vector<16xi32>
      %max3A_360 = arith.maxsi %sub3A_354, %max3A_359 : vector<16xi32>
      %broadcast_in_dim3A_361 = vector.shape_cast %max3A_360 : vector<16xi32> to vector<16x1xi32>
      %gather3A_362 = vector.shape_cast %broadcast_in_dim3A_361 : vector<16x1xi32> to vector<16xi32>
      %gather3A_363 = tpu.dynamic_gather %masked_sort3A_312[%gather3A_362] in [0] : vector<16xi32>, vector<16xi32> -> vector<16xi32>
      %broadcast_in_dim3A_364 = vector.shape_cast %max3A_360 : vector<16xi32> to vector<16x1xi32>
      %gather3A_365 = vector.shape_cast %broadcast_in_dim3A_364 : vector<16x1xi32> to vector<16xi32>
      %gather3A_366 = tpu.dynamic_gather %select_n3A_351[%gather3A_365] in [0] : vector<16xf32>, vector<16xi32> -> vector<16xf32>
      %eq3A_367 = arith.cmpi eq, %gather3A_363, %masked_sort3A_312 : vector<16xi32>
      %and3A_368 = arith.andi %ge3A_357, %eq3A_367 : vector<16xi1>
      %add3A_369 = arith.addf %select_n3A_351, %gather3A_366 : vector<16xf32>
      %select_n3A_370 = arith.select %and3A_368, %add3A_369, %select_n3A_351 : vector<16xi1>, vector<16xf32>
      %sub3A_371 = arith.constant 8 : i32
      %sub3A_372 = vector.broadcast %sub3A_371 : i32 to vector<16xi32>
      %sub3A_373 = arith.subi %iota3A_313, %sub3A_372 : vector<16xi32>
      %ge3A_374 = arith.constant 0 : i32
      %ge3A_375 = vector.broadcast %ge3A_374 : i32 to vector<16xi32>
      %ge3A_376 = arith.cmpi sge, %sub3A_373, %ge3A_375 : vector<16xi32>
      %max3A_377 = arith.constant 0 : i32
      %max3A_378 = vector.broadcast %max3A_377 : i32 to vector<16xi32>
      %max3A_379 = arith.maxsi %sub3A_373, %max3A_378 : vector<16xi32>
      %broadcast_in_dim3A_380 = vector.shape_cast %max3A_379 : vector<16xi32> to vector<16x1xi32>
      %gather3A_381 = vector.shape_cast %broadcast_in_dim3A_380 : vector<16x1xi32> to vector<16xi32>
      %gather3A_382 = tpu.dynamic_gather %masked_sort3A_312[%gather3A_381] in [0] : vector<16xi32>, vector<16xi32> -> vector<16xi32>
      %broadcast_in_dim3A_383 = vector.shape_cast %max3A_379 : vector<16xi32> to vector<16x1xi32>
      %gather3A_384 = vector.shape_cast %broadcast_in_dim3A_383 : vector<16x1xi32> to vector<16xi32>
      %gather3A_385 = tpu.dynamic_gather %select_n3A_370[%gather3A_384] in [0] : vector<16xf32>, vector<16xi32> -> vector<16xf32>
      %eq3A_386 = arith.cmpi eq, %gather3A_382, %masked_sort3A_312 : vector<16xi32>
      %and3A_387 = arith.andi %ge3A_376, %eq3A_386 : vector<16xi1>
      %add3A_388 = arith.addf %select_n3A_370, %gather3A_385 : vector<16xf32>
      %select_n3A_389 = arith.select %and3A_387, %add3A_388, %select_n3A_370 : vector<16xi1>, vector<16xf32>
      %add3A_390 = arith.constant 1 : i32
      %add3A_391 = vector.broadcast %add3A_390 : i32 to vector<16xi32>
      %add3A_392 = arith.addi %iota3A_313, %add3A_391 : vector<16xi32>
      %min3A_393 = arith.constant 15 : i32
      %min3A_394 = vector.broadcast %min3A_393 : i32 to vector<16xi32>
      %min3A_395 = arith.minsi %add3A_392, %min3A_394 : vector<16xi32>
      %broadcast_in_dim3A_396 = vector.shape_cast %min3A_395 : vector<16xi32> to vector<16x1xi32>
      %gather3A_397 = vector.shape_cast %broadcast_in_dim3A_396 : vector<16x1xi32> to vector<16xi32>
      %gather3A_398 = tpu.dynamic_gather %masked_sort3A_312[%gather3A_397] in [0] : vector<16xi32>, vector<16xi32> -> vector<16xi32>
      %eq3A_399 = arith.constant 15 : i32
      %eq3A_400 = vector.broadcast %eq3A_399 : i32 to vector<16xi32>
      %eq3A_401 = arith.cmpi eq, %iota3A_313, %eq3A_400 : vector<16xi32>
      %ne3A_402 = arith.cmpi ne, %gather3A_398, %masked_sort3A_312 : vector<16xi32>
      %or3A_403 = arith.ori %eq3A_401, %ne3A_402 : vector<16xi1>
      %gather3A_404 = tpu.vector_load_idx %arg11[%masked_sort3A_312] : memref<10240xf32, #tpu.memory_space<vmem>>[vector<16xi32>], vector<16xf32>,
      %add3A_405 = arith.addf %gather3A_404, %select_n3A_389 : vector<16xf32>
      tpu.vector_store_idx %arg11[%masked_sort3A_312], %add3A_405 masked %or3A_403 : memref<10240xf32, #tpu.memory_space<vmem>>[vector<16xi32>], vector<16xf32>, vector<16xi1>
      %get3A_406 = arith.constant 48 : index
      %get3A_407 = tpu.vector_load %arg13[%get3A_406] {strides = array<i32>} : memref<80xi32, #tpu.memory_space<vmem>>, vector<16xi32>,
      %gather3A_408 = tpu.vector_load_idx %arg10[%get3A_407] : memref<10240xf32, #tpu.memory_space<vmem>>[vector<16xi32>], vector<16xf32>,
      %get3A_409 = arith.constant 48 : index
      %get3A_410 = tpu.vector_load %arg15[%get3A_409] {strides = array<i32>} : memref<80xf32, #tpu.memory_space<vmem>>, vector<16xf32>,
      %sub3A_411 = arith.subf %get3A_410, %gather3A_408 : vector<16xf32>
      %exp3A_412 = math.exp %sub3A_411 : vector<16xf32>
      %swap3A_413 = arith.constant 48 : index
      %swap3A_414 = tpu.vector_load %arg15[%swap3A_413] {strides = array<i32>} : memref<80xf32, #tpu.memory_space<vmem>>, vector<16xf32>,
      tpu.vector_store %arg15[%swap3A_413], %exp3A_412 {strides = array<i32>} : memref<80xf32, #tpu.memory_space<vmem>>, vector<16xf32>,
      %masked_sort3A_415 = arith.constant dense<true> : vector<16xi1>
      %masked_sort3A_416 = arith.constant -2147483648 : i32
      %masked_sort3A_417 = vector.broadcast %masked_sort3A_416 : i32 to vector<16xi32>
      %masked_sort3A_418 = arith.xori %get3A_407, %masked_sort3A_417 : vector<16xi32>
      %masked_sort3A_419, %masked_sort3A_420, %masked_sort3A_421 = tpu.sort %masked_sort3A_418, %exp3A_412 masked %masked_sort3A_415 : (vector<16xi32>, vector<16xf32>, vector<16xi1>) -> (vector<16xi1>, vector<16xi32>, vector<16xf32>)
      %masked_sort3A_422 = arith.xori %masked_sort3A_420, %masked_sort3A_417 : vector<16xi32>
      %iota3A_423 = tpu.iota {dimensions = array<i32: 0>} : vector<16xi32>
      %sub3A_424 = arith.constant 1 : i32
      %sub3A_425 = vector.broadcast %sub3A_424 : i32 to vector<16xi32>
      %sub3A_426 = arith.subi %iota3A_423, %sub3A_425 : vector<16xi32>
      %ge3A_427 = arith.constant 0 : i32
      %ge3A_428 = vector.broadcast %ge3A_427 : i32 to vector<16xi32>
      %ge3A_429 = arith.cmpi sge, %sub3A_426, %ge3A_428 : vector<16xi32>
      %max3A_430 = arith.constant 0 : i32
      %max3A_431 = vector.broadcast %max3A_430 : i32 to vector<16xi32>
      %max3A_432 = arith.maxsi %sub3A_426, %max3A_431 : vector<16xi32>
      %broadcast_in_dim3A_433 = vector.shape_cast %max3A_432 : vector<16xi32> to vector<16x1xi32>
      %gather3A_434 = vector.shape_cast %broadcast_in_dim3A_433 : vector<16x1xi32> to vector<16xi32>
      %gather3A_435 = tpu.dynamic_gather %masked_sort3A_422[%gather3A_434] in [0] : vector<16xi32>, vector<16xi32> -> vector<16xi32>
      %broadcast_in_dim3A_436 = vector.shape_cast %max3A_432 : vector<16xi32> to vector<16x1xi32>
      %gather3A_437 = vector.shape_cast %broadcast_in_dim3A_436 : vector<16x1xi32> to vector<16xi32>
      %gather3A_438 = tpu.dynamic_gather %masked_sort3A_421[%gather3A_437] in [0] : vector<16xf32>, vector<16xi32> -> vector<16xf32>
      %eq3A_439 = arith.cmpi eq, %gather3A_435, %masked_sort3A_422 : vector<16xi32>
      %and3A_440 = arith.andi %ge3A_429, %eq3A_439 : vector<16xi1>
      %add3A_441 = arith.addf %masked_sort3A_421, %gather3A_438 : vector<16xf32>
      %select_n3A_442 = arith.select %and3A_440, %add3A_441, %masked_sort3A_421 : vector<16xi1>, vector<16xf32>
      %sub3A_443 = arith.constant 2 : i32
      %sub3A_444 = vector.broadcast %sub3A_443 : i32 to vector<16xi32>
      %sub3A_445 = arith.subi %iota3A_423, %sub3A_444 : vector<16xi32>
      %ge3A_446 = arith.constant 0 : i32
      %ge3A_447 = vector.broadcast %ge3A_446 : i32 to vector<16xi32>
      %ge3A_448 = arith.cmpi sge, %sub3A_445, %ge3A_447 : vector<16xi32>
      %max3A_449 = arith.constant 0 : i32
      %max3A_450 = vector.broadcast %max3A_449 : i32 to vector<16xi32>
      %max3A_451 = arith.maxsi %sub3A_445, %max3A_450 : vector<16xi32>
      %broadcast_in_dim3A_452 = vector.shape_cast %max3A_451 : vector<16xi32> to vector<16x1xi32>
      %gather3A_453 = vector.shape_cast %broadcast_in_dim3A_452 : vector<16x1xi32> to vector<16xi32>
      %gather3A_454 = tpu.dynamic_gather %masked_sort3A_422[%gather3A_453] in [0] : vector<16xi32>, vector<16xi32> -> vector<16xi32>
      %broadcast_in_dim3A_455 = vector.shape_cast %max3A_451 : vector<16xi32> to vector<16x1xi32>
      %gather3A_456 = vector.shape_cast %broadcast_in_dim3A_455 : vector<16x1xi32> to vector<16xi32>
      %gather3A_457 = tpu.dynamic_gather %select_n3A_442[%gather3A_456] in [0] : vector<16xf32>, vector<16xi32> -> vector<16xf32>
      %eq3A_458 = arith.cmpi eq, %gather3A_454, %masked_sort3A_422 : vector<16xi32>
      %and3A_459 = arith.andi %ge3A_448, %eq3A_458 : vector<16xi1>
      %add3A_460 = arith.addf %select_n3A_442, %gather3A_457 : vector<16xf32>
      %select_n3A_461 = arith.select %and3A_459, %add3A_460, %select_n3A_442 : vector<16xi1>, vector<16xf32>
      %sub3A_462 = arith.constant 4 : i32
      %sub3A_463 = vector.broadcast %sub3A_462 : i32 to vector<16xi32>
      %sub3A_464 = arith.subi %iota3A_423, %sub3A_463 : vector<16xi32>
      %ge3A_465 = arith.constant 0 : i32
      %ge3A_466 = vector.broadcast %ge3A_465 : i32 to vector<16xi32>
      %ge3A_467 = arith.cmpi sge, %sub3A_464, %ge3A_466 : vector<16xi32>
      %max3A_468 = arith.constant 0 : i32
      %max3A_469 = vector.broadcast %max3A_468 : i32 to vector<16xi32>
      %max3A_470 = arith.maxsi %sub3A_464, %max3A_469 : vector<16xi32>
      %broadcast_in_dim3A_471 = vector.shape_cast %max3A_470 : vector<16xi32> to vector<16x1xi32>
      %gather3A_472 = vector.shape_cast %broadcast_in_dim3A_471 : vector<16x1xi32> to vector<16xi32>
      %gather3A_473 = tpu.dynamic_gather %masked_sort3A_422[%gather3A_472] in [0] : vector<16xi32>, vector<16xi32> -> vector<16xi32>
      %broadcast_in_dim3A_474 = vector.shape_cast %max3A_470 : vector<16xi32> to vector<16x1xi32>
      %gather3A_475 = vector.shape_cast %broadcast_in_dim3A_474 : vector<16x1xi32> to vector<16xi32>
      %gather3A_476 = tpu.dynamic_gather %select_n3A_461[%gather3A_475] in [0] : vector<16xf32>, vector<16xi32> -> vector<16xf32>
      %eq3A_477 = arith.cmpi eq, %gather3A_473, %masked_sort3A_422 : vector<16xi32>
      %and3A_478 = arith.andi %ge3A_467, %eq3A_477 : vector<16xi1>
      %add3A_479 = arith.addf %select_n3A_461, %gather3A_476 : vector<16xf32>
      %select_n3A_480 = arith.select %and3A_478, %add3A_479, %select_n3A_461 : vector<16xi1>, vector<16xf32>
      %sub3A_481 = arith.constant 8 : i32
      %sub3A_482 = vector.broadcast %sub3A_481 : i32 to vector<16xi32>
      %sub3A_483 = arith.subi %iota3A_423, %sub3A_482 : vector<16xi32>
      %ge3A_484 = arith.constant 0 : i32
      %ge3A_485 = vector.broadcast %ge3A_484 : i32 to vector<16xi32>
      %ge3A_486 = arith.cmpi sge, %sub3A_483, %ge3A_485 : vector<16xi32>
      %max3A_487 = arith.constant 0 : i32
      %max3A_488 = vector.broadcast %max3A_487 : i32 to vector<16xi32>
      %max3A_489 = arith.maxsi %sub3A_483, %max3A_488 : vector<16xi32>
      %broadcast_in_dim3A_490 = vector.shape_cast %max3A_489 : vector<16xi32> to vector<16x1xi32>
      %gather3A_491 = vector.shape_cast %broadcast_in_dim3A_490 : vector<16x1xi32> to vector<16xi32>
      %gather3A_492 = tpu.dynamic_gather %masked_sort3A_422[%gather3A_491] in [0] : vector<16xi32>, vector<16xi32> -> vector<16xi32>
      %broadcast_in_dim3A_493 = vector.shape_cast %max3A_489 : vector<16xi32> to vector<16x1xi32>
      %gather3A_494 = vector.shape_cast %broadcast_in_dim3A_493 : vector<16x1xi32> to vector<16xi32>
      %gather3A_495 = tpu.dynamic_gather %select_n3A_480[%gather3A_494] in [0] : vector<16xf32>, vector<16xi32> -> vector<16xf32>
      %eq3A_496 = arith.cmpi eq, %gather3A_492, %masked_sort3A_422 : vector<16xi32>
      %and3A_497 = arith.andi %ge3A_486, %eq3A_496 : vector<16xi1>
      %add3A_498 = arith.addf %select_n3A_480, %gather3A_495 : vector<16xf32>
      %select_n3A_499 = arith.select %and3A_497, %add3A_498, %select_n3A_480 : vector<16xi1>, vector<16xf32>
      %add3A_500 = arith.constant 1 : i32
      %add3A_501 = vector.broadcast %add3A_500 : i32 to vector<16xi32>
      %add3A_502 = arith.addi %iota3A_423, %add3A_501 : vector<16xi32>
      %min3A_503 = arith.constant 15 : i32
      %min3A_504 = vector.broadcast %min3A_503 : i32 to vector<16xi32>
      %min3A_505 = arith.minsi %add3A_502, %min3A_504 : vector<16xi32>
      %broadcast_in_dim3A_506 = vector.shape_cast %min3A_505 : vector<16xi32> to vector<16x1xi32>
      %gather3A_507 = vector.shape_cast %broadcast_in_dim3A_506 : vector<16x1xi32> to vector<16xi32>
      %gather3A_508 = tpu.dynamic_gather %masked_sort3A_422[%gather3A_507] in [0] : vector<16xi32>, vector<16xi32> -> vector<16xi32>
      %eq3A_509 = arith.constant 15 : i32
      %eq3A_510 = vector.broadcast %eq3A_509 : i32 to vector<16xi32>
      %eq3A_511 = arith.cmpi eq, %iota3A_423, %eq3A_510 : vector<16xi32>
      %ne3A_512 = arith.cmpi ne, %gather3A_508, %masked_sort3A_422 : vector<16xi32>
      %or3A_513 = arith.ori %eq3A_511, %ne3A_512 : vector<16xi1>
      %gather3A_514 = tpu.vector_load_idx %arg11[%masked_sort3A_422] : memref<10240xf32, #tpu.memory_space<vmem>>[vector<16xi32>], vector<16xf32>,
      %add3A_515 = arith.addf %gather3A_514, %select_n3A_499 : vector<16xf32>
      tpu.vector_store_idx %arg11[%masked_sort3A_422], %add3A_515 masked %or3A_513 : memref<10240xf32, #tpu.memory_space<vmem>>[vector<16xi32>], vector<16xf32>, vector<16xi1>
      %get3A_516 = arith.constant 64 : index
      %get3A_517 = tpu.vector_load %arg13[%get3A_516] {strides = array<i32>} : memref<80xi32, #tpu.memory_space<vmem>>, vector<16xi32>,
      %gather3A_518 = tpu.vector_load_idx %arg10[%get3A_517] : memref<10240xf32, #tpu.memory_space<vmem>>[vector<16xi32>], vector<16xf32>,
      %get3A_519 = arith.constant 64 : index
      %get3A_520 = tpu.vector_load %arg15[%get3A_519] {strides = array<i32>} : memref<80xf32, #tpu.memory_space<vmem>>, vector<16xf32>,
      %sub3A_521 = arith.subf %get3A_520, %gather3A_518 : vector<16xf32>
      %exp3A_522 = math.exp %sub3A_521 : vector<16xf32>
      %swap3A_523 = arith.constant 64 : index
      %swap3A_524 = tpu.vector_load %arg15[%swap3A_523] {strides = array<i32>} : memref<80xf32, #tpu.memory_space<vmem>>, vector<16xf32>,
      tpu.vector_store %arg15[%swap3A_523], %exp3A_522 {strides = array<i32>} : memref<80xf32, #tpu.memory_space<vmem>>, vector<16xf32>,
      %masked_sort3A_525 = arith.constant dense<true> : vector<16xi1>
      %masked_sort3A_526 = arith.constant -2147483648 : i32
      %masked_sort3A_527 = vector.broadcast %masked_sort3A_526 : i32 to vector<16xi32>
      %masked_sort3A_528 = arith.xori %get3A_517, %masked_sort3A_527 : vector<16xi32>
      %masked_sort3A_529, %masked_sort3A_530, %masked_sort3A_531 = tpu.sort %masked_sort3A_528, %exp3A_522 masked %masked_sort3A_525 : (vector<16xi32>, vector<16xf32>, vector<16xi1>) -> (vector<16xi1>, vector<16xi32>, vector<16xf32>)
      %masked_sort3A_532 = arith.xori %masked_sort3A_530, %masked_sort3A_527 : vector<16xi32>
      %iota3A_533 = tpu.iota {dimensions = array<i32: 0>} : vector<16xi32>
      %sub3A_534 = arith.constant 1 : i32
      %sub3A_535 = vector.broadcast %sub3A_534 : i32 to vector<16xi32>
      %sub3A_536 = arith.subi %iota3A_533, %sub3A_535 : vector<16xi32>
      %ge3A_537 = arith.constant 0 : i32
      %ge3A_538 = vector.broadcast %ge3A_537 : i32 to vector<16xi32>
      %ge3A_539 = arith.cmpi sge, %sub3A_536, %ge3A_538 : vector<16xi32>
      %max3A_540 = arith.constant 0 : i32
      %max3A_541 = vector.broadcast %max3A_540 : i32 to vector<16xi32>
      %max3A_542 = arith.maxsi %sub3A_536, %max3A_541 : vector<16xi32>
      %broadcast_in_dim3A_543 = vector.shape_cast %max3A_542 : vector<16xi32> to vector<16x1xi32>
      %gather3A_544 = vector.shape_cast %broadcast_in_dim3A_543 : vector<16x1xi32> to vector<16xi32>
      %gather3A_545 = tpu.dynamic_gather %masked_sort3A_532[%gather3A_544] in [0] : vector<16xi32>, vector<16xi32> -> vector<16xi32>
      %broadcast_in_dim3A_546 = vector.shape_cast %max3A_542 : vector<16xi32> to vector<16x1xi32>
      %gather3A_547 = vector.shape_cast %broadcast_in_dim3A_546 : vector<16x1xi32> to vector<16xi32>
      %gather3A_548 = tpu.dynamic_gather %masked_sort3A_531[%gather3A_547] in [0] : vector<16xf32>, vector<16xi32> -> vector<16xf32>
      %eq3A_549 = arith.cmpi eq, %gather3A_545, %masked_sort3A_532 : vector<16xi32>
      %and3A_550 = arith.andi %ge3A_539, %eq3A_549 : vector<16xi1>
      %add3A_551 = arith.addf %masked_sort3A_531, %gather3A_548 : vector<16xf32>
      %select_n3A_552 = arith.select %and3A_550, %add3A_551, %masked_sort3A_531 : vector<16xi1>, vector<16xf32>
      %sub3A_553 = arith.constant 2 : i32
      %sub3A_554 = vector.broadcast %sub3A_553 : i32 to vector<16xi32>
      %sub3A_555 = arith.subi %iota3A_533, %sub3A_554 : vector<16xi32>
      %ge3A_556 = arith.constant 0 : i32
      %ge3A_557 = vector.broadcast %ge3A_556 : i32 to vector<16xi32>
      %ge3A_558 = arith.cmpi sge, %sub3A_555, %ge3A_557 : vector<16xi32>
      %max3A_559 = arith.constant 0 : i32
      %max3A_560 = vector.broadcast %max3A_559 : i32 to vector<16xi32>
      %max3A_561 = arith.maxsi %sub3A_555, %max3A_560 : vector<16xi32>
      %broadcast_in_dim3A_562 = vector.shape_cast %max3A_561 : vector<16xi32> to vector<16x1xi32>
      %gather3A_563 = vector.shape_cast %broadcast_in_dim3A_562 : vector<16x1xi32> to vector<16xi32>
      %gather3A_564 = tpu.dynamic_gather %masked_sort3A_532[%gather3A_563] in [0] : vector<16xi32>, vector<16xi32> -> vector<16xi32>
      %broadcast_in_dim3A_565 = vector.shape_cast %max3A_561 : vector<16xi32> to vector<16x1xi32>
      %gather3A_566 = vector.shape_cast %broadcast_in_dim3A_565 : vector<16x1xi32> to vector<16xi32>
      %gather3A_567 = tpu.dynamic_gather %select_n3A_552[%gather3A_566] in [0] : vector<16xf32>, vector<16xi32> -> vector<16xf32>
      %eq3A_568 = arith.cmpi eq, %gather3A_564, %masked_sort3A_532 : vector<16xi32>
      %and3A_569 = arith.andi %ge3A_558, %eq3A_568 : vector<16xi1>
      %add3A_570 = arith.addf %select_n3A_552, %gather3A_567 : vector<16xf32>
      %select_n3A_571 = arith.select %and3A_569, %add3A_570, %select_n3A_552 : vector<16xi1>, vector<16xf32>
      %sub3A_572 = arith.constant 4 : i32
      %sub3A_573 = vector.broadcast %sub3A_572 : i32 to vector<16xi32>
      %sub3A_574 = arith.subi %iota3A_533, %sub3A_573 : vector<16xi32>
      %ge3A_575 = arith.constant 0 : i32
      %ge3A_576 = vector.broadcast %ge3A_575 : i32 to vector<16xi32>
      %ge3A_577 = arith.cmpi sge, %sub3A_574, %ge3A_576 : vector<16xi32>
      %max3A_578 = arith.constant 0 : i32
      %max3A_579 = vector.broadcast %max3A_578 : i32 to vector<16xi32>
      %max3A_580 = arith.maxsi %sub3A_574, %max3A_579 : vector<16xi32>
      %broadcast_in_dim3A_581 = vector.shape_cast %max3A_580 : vector<16xi32> to vector<16x1xi32>
      %gather3A_582 = vector.shape_cast %broadcast_in_dim3A_581 : vector<16x1xi32> to vector<16xi32>
      %gather3A_583 = tpu.dynamic_gather %masked_sort3A_532[%gather3A_582] in [0] : vector<16xi32>, vector<16xi32> -> vector<16xi32>
      %broadcast_in_dim3A_584 = vector.shape_cast %max3A_580 : vector<16xi32> to vector<16x1xi32>
      %gather3A_585 = vector.shape_cast %broadcast_in_dim3A_584 : vector<16x1xi32> to vector<16xi32>
      %gather3A_586 = tpu.dynamic_gather %select_n3A_571[%gather3A_585] in [0] : vector<16xf32>, vector<16xi32> -> vector<16xf32>
      %eq3A_587 = arith.cmpi eq, %gather3A_583, %masked_sort3A_532 : vector<16xi32>
      %and3A_588 = arith.andi %ge3A_577, %eq3A_587 : vector<16xi1>
      %add3A_589 = arith.addf %select_n3A_571, %gather3A_586 : vector<16xf32>
      %select_n3A_590 = arith.select %and3A_588, %add3A_589, %select_n3A_571 : vector<16xi1>, vector<16xf32>
      %sub3A_591 = arith.constant 8 : i32
      %sub3A_592 = vector.broadcast %sub3A_591 : i32 to vector<16xi32>
      %sub3A_593 = arith.subi %iota3A_533, %sub3A_592 : vector<16xi32>
      %ge3A_594 = arith.constant 0 : i32
      %ge3A_595 = vector.broadcast %ge3A_594 : i32 to vector<16xi32>
      %ge3A_596 = arith.cmpi sge, %sub3A_593, %ge3A_595 : vector<16xi32>
      %max3A_597 = arith.constant 0 : i32
      %max3A_598 = vector.broadcast %max3A_597 : i32 to vector<16xi32>
      %max3A_599 = arith.maxsi %sub3A_593, %max3A_598 : vector<16xi32>
      %broadcast_in_dim3A_600 = vector.shape_cast %max3A_599 : vector<16xi32> to vector<16x1xi32>
      %gather3A_601 = vector.shape_cast %broadcast_in_dim3A_600 : vector<16x1xi32> to vector<16xi32>
      %gather3A_602 = tpu.dynamic_gather %masked_sort3A_532[%gather3A_601] in [0] : vector<16xi32>, vector<16xi32> -> vector<16xi32>
      %broadcast_in_dim3A_603 = vector.shape_cast %max3A_599 : vector<16xi32> to vector<16x1xi32>
      %gather3A_604 = vector.shape_cast %broadcast_in_dim3A_603 : vector<16x1xi32> to vector<16xi32>
      %gather3A_605 = tpu.dynamic_gather %select_n3A_590[%gather3A_604] in [0] : vector<16xf32>, vector<16xi32> -> vector<16xf32>
      %eq3A_606 = arith.cmpi eq, %gather3A_602, %masked_sort3A_532 : vector<16xi32>
      %and3A_607 = arith.andi %ge3A_596, %eq3A_606 : vector<16xi1>
      %add3A_608 = arith.addf %select_n3A_590, %gather3A_605 : vector<16xf32>
      %select_n3A_609 = arith.select %and3A_607, %add3A_608, %select_n3A_590 : vector<16xi1>, vector<16xf32>
      %add3A_610 = arith.constant 1 : i32
      %add3A_611 = vector.broadcast %add3A_610 : i32 to vector<16xi32>
      %add3A_612 = arith.addi %iota3A_533, %add3A_611 : vector<16xi32>
      %min3A_613 = arith.constant 15 : i32
      %min3A_614 = vector.broadcast %min3A_613 : i32 to vector<16xi32>
      %min3A_615 = arith.minsi %add3A_612, %min3A_614 : vector<16xi32>
      %broadcast_in_dim3A_616 = vector.shape_cast %min3A_615 : vector<16xi32> to vector<16x1xi32>
      %gather3A_617 = vector.shape_cast %broadcast_in_dim3A_616 : vector<16x1xi32> to vector<16xi32>
      %gather3A_618 = tpu.dynamic_gather %masked_sort3A_532[%gather3A_617] in [0] : vector<16xi32>, vector<16xi32> -> vector<16xi32>
      %eq3A_619 = arith.constant 15 : i32
      %eq3A_620 = vector.broadcast %eq3A_619 : i32 to vector<16xi32>
      %eq3A_621 = arith.cmpi eq, %iota3A_533, %eq3A_620 : vector<16xi32>
      %ne3A_622 = arith.cmpi ne, %gather3A_618, %masked_sort3A_532 : vector<16xi32>
      %or3A_623 = arith.ori %eq3A_621, %ne3A_622 : vector<16xi1>
      %gather3A_624 = tpu.vector_load_idx %arg11[%masked_sort3A_532] : memref<10240xf32, #tpu.memory_space<vmem>>[vector<16xi32>], vector<16xf32>,
      %add3A_625 = arith.addf %gather3A_624, %select_n3A_609 : vector<16xf32>
      tpu.vector_store_idx %arg11[%masked_sort3A_532], %add3A_625 masked %or3A_623 : memref<10240xf32, #tpu.memory_space<vmem>>[vector<16xi32>], vector<16xf32>, vector<16xi1>
      "tpu.region"() ({
        %run_scoped3A = tpu.sem_alloc : memref<!tpu.dma_semaphore, #tpu.memory_space<semaphore_mem>>
        %dma_start3A = tpu.memref_slice %arg8[%arg0, %add3A_90] : memref<2x320000xf32, #tpu.memory_space<hbm>> -> memref<1x80xf32, #tpu.memory_space<hbm>>
        %dma_start3A_627 = tpu.memref_squeeze %dma_start3A : memref<1x80xf32, #tpu.memory_space<hbm>> -> memref<80xf32, #tpu.memory_space<hbm>>
        %dma_start3A_628 = tpu.memref_slice %arg8[%arg0, %add3A_90] : memref<2x320000xf32, #tpu.memory_space<hbm>> -> memref<1x80xf32, #tpu.memory_space<hbm>>
        %dma_start3A_629 = tpu.memref_squeeze %dma_start3A_628 : memref<1x80xf32, #tpu.memory_space<hbm>> -> memref<80xf32, #tpu.memory_space<hbm>>
        tpu.enqueue_dma source(%arg15 : memref<80xf32, #tpu.memory_space<vmem>>) target(%dma_start3A_629 : memref<80xf32, #tpu.memory_space<hbm>>) target_semaphore(%run_scoped3A : memref<!tpu.dma_semaphore, #tpu.memory_space<semaphore_mem>>)
        %dma_wait3A = tpu.memref_slice %arg8[%arg0, %add3A_90] : memref<2x320000xf32, #tpu.memory_space<hbm>> -> memref<1x80xf32, #tpu.memory_space<hbm>>
        %dma_wait3A_630 = tpu.memref_squeeze %dma_wait3A : memref<1x80xf32, #tpu.memory_space<hbm>> -> memref<80xf32, #tpu.memory_space<hbm>>
        %dma_wait3A_631 = tpu.memref_slice %arg8[%arg0, %add3A_90] : memref<2x320000xf32, #tpu.memory_space<hbm>> -> memref<1x80xf32, #tpu.memory_space<hbm>>
        %dma_wait3A_632 = tpu.memref_squeeze %dma_wait3A_631 : memref<1x80xf32, #tpu.memory_space<hbm>> -> memref<80xf32, #tpu.memory_space<hbm>>
        tpu.wait_dma2 semaphore(%run_scoped3A : memref<!tpu.dma_semaphore, #tpu.memory_space<semaphore_mem>>) src(%arg15 : memref<80xf32, #tpu.memory_space<vmem>>) dst(%dma_wait3A_632 : memref<80xf32, #tpu.memory_space<hbm>>)
        tpu.yield
      }) : () -> ()
      %scan3A_626 = arith.constant 0 : i32
      scf.yield %scan3A_626 : i32
    }
    %scan3A_54 = arith.constant 250 : i32
    "tpu.region"() ({
      %run_scoped3A = tpu.sem_alloc : memref<!tpu.dma_semaphore, #tpu.memory_space<semaphore_mem>>
      %dma_start3A = arith.constant 0 : i32
      %dma_start3A_86 = tpu.memref_slice %arg9[%arg0, %arg1, %dma_start3A] : memref<2x16x10240xf32, #tpu.memory_space<hbm>> -> memref<1x1x10240xf32, #tpu.memory_space<hbm>>
      %dma_start3A_87 = tpu.memref_squeeze %dma_start3A_86 : memref<1x1x10240xf32, #tpu.memory_space<hbm>> -> memref<10240xf32, #tpu.memory_space<hbm>>
      %dma_start3A_88 = arith.constant 0 : i32
      %dma_start3A_89 = tpu.memref_slice %arg9[%arg0, %arg1, %dma_start3A_88] : memref<2x16x10240xf32, #tpu.memory_space<hbm>> -> memref<1x1x10240xf32, #tpu.memory_space<hbm>>
      %dma_start3A_90 = tpu.memref_squeeze %dma_start3A_89 : memref<1x1x10240xf32, #tpu.memory_space<hbm>> -> memref<10240xf32, #tpu.memory_space<hbm>>
      tpu.enqueue_dma source(%arg11 : memref<10240xf32, #tpu.memory_space<vmem>>) target(%dma_start3A_90 : memref<10240xf32, #tpu.memory_space<hbm>>) target_semaphore(%run_scoped3A : memref<!tpu.dma_semaphore, #tpu.memory_space<semaphore_mem>>)
      %dma_wait3A = arith.constant 0 : i32
      %dma_wait3A_91 = tpu.memref_slice %arg9[%arg0, %arg1, %dma_wait3A] : memref<2x16x10240xf32, #tpu.memory_space<hbm>> -> memref<1x1x10240xf32, #tpu.memory_space<hbm>>
      %dma_wait3A_92 = tpu.memref_squeeze %dma_wait3A_91 : memref<1x1x10240xf32, #tpu.memory_space<hbm>> -> memref<10240xf32, #tpu.memory_space<hbm>>
      %dma_wait3A_93 = arith.constant 0 : i32
      %dma_wait3A_94 = tpu.memref_slice %arg9[%arg0, %arg1, %dma_wait3A_93] : memref<2x16x10240xf32, #tpu.memory_space<hbm>> -> memref<1x1x10240xf32, #tpu.memory_space<hbm>>
      %dma_wait3A_95 = tpu.memref_squeeze %dma_wait3A_94 : memref<1x1x10240xf32, #tpu.memory_space<hbm>> -> memref<10240xf32, #tpu.memory_space<hbm>>
      tpu.wait_dma2 semaphore(%run_scoped3A : memref<!tpu.dma_semaphore, #tpu.memory_space<semaphore_mem>>) src(%arg11 : memref<10240xf32, #tpu.memory_space<vmem>>) dst(%dma_wait3A_95 : memref<10240xf32, #tpu.memory_space<hbm>>)
      tpu.yield
    }) : () -> ()
    %barrier3A_55 = arith.constant 0 : index
    tpu.barrier barrier_id(%barrier3A_55)
    %scan3A_56 = arith.constant 0 : i32
    %scan3A_57 = arith.constant 0 : i32
    %scan3A_58 = arith.constant 40 : i32
    %scan3A_59 = arith.addi %scan3A_57, %scan3A_58 : i32
    %scan3A_60 = arith.constant 1 : i32
    %scan3A_61 = scf.for %scan3A_86 = %scan3A_57 to %scan3A_59 step %scan3A_60 iter_args(%scan3A_87 = %scan3A_56) -> (i32)  : i32 {
      %mul3A_88 = arith.constant 16 : i32
      %mul3A_89 = arith.muli %mul3A_88, %scan3A_86 : i32
      %swap3A = arith.index_cast %mul3A_89 : i32 to index
      %swap3A_90 = tpu.vector_load %arg17[%swap3A] {strides = array<i32>} : memref<640xf32, #tpu.memory_space<vmem>>, vector<16xf32>,
      tpu.vector_store %arg17[%swap3A], %broadcast_in_dim3A_3 {strides = array<i32>} : memref<640xf32, #tpu.memory_space<vmem>>, vector<16xf32>,
      %scan3A_91 = arith.constant 0 : i32
      scf.yield %scan3A_91 : i32
    }
    %scan3A_62 = arith.constant 40 : i32
    %scan3A_63 = arith.constant 0 : i32
    %scan3A_64 = arith.constant 0 : i32
    %scan3A_65 = arith.constant 16 : i32
    %scan3A_66 = arith.addi %scan3A_64, %scan3A_65 : i32
    %scan3A_67 = arith.constant 1 : i32
    %scan3A_68 = scf.for %scan3A_86 = %scan3A_64 to %scan3A_66 step %scan3A_67 iter_args(%scan3A_87 = %scan3A_63) -> (i32)  : i32 {
      "tpu.region"() ({
        %run_scoped3A = tpu.sem_alloc : memref<!tpu.dma_semaphore, #tpu.memory_space<semaphore_mem>>
        %dma_start3A = tpu.memref_slice %arg9[%arg0, %scan3A_86, %mul3A_2] : memref<2x16x10240xf32, #tpu.memory_space<hbm>> -> memref<1x1x640xf32, #tpu.memory_space<hbm>>
        %dma_start3A_96 = tpu.memref_squeeze %dma_start3A : memref<1x1x640xf32, #tpu.memory_space<hbm>> -> memref<640xf32, #tpu.memory_space<hbm>>
        %dma_start3A_97 = tpu.memref_slice %arg9[%arg0, %scan3A_86, %mul3A_2] : memref<2x16x10240xf32, #tpu.memory_space<hbm>> -> memref<1x1x640xf32, #tpu.memory_space<hbm>>
        %dma_start3A_98 = tpu.memref_squeeze %dma_start3A_97 : memref<1x1x640xf32, #tpu.memory_space<hbm>> -> memref<640xf32, #tpu.memory_space<hbm>>
        tpu.enqueue_dma source(%dma_start3A_98 : memref<640xf32, #tpu.memory_space<hbm>>) target(%arg18 : memref<640xf32, #tpu.memory_space<vmem>>) target_semaphore(%run_scoped3A : memref<!tpu.dma_semaphore, #tpu.memory_space<semaphore_mem>>)
        %dma_wait3A = tpu.memref_slice %arg9[%arg0, %scan3A_86, %mul3A_2] : memref<2x16x10240xf32, #tpu.memory_space<hbm>> -> memref<1x1x640xf32, #tpu.memory_space<hbm>>
        %dma_wait3A_99 = tpu.memref_squeeze %dma_wait3A : memref<1x1x640xf32, #tpu.memory_space<hbm>> -> memref<640xf32, #tpu.memory_space<hbm>>
        %dma_wait3A_100 = tpu.memref_slice %arg9[%arg0, %scan3A_86, %mul3A_2] : memref<2x16x10240xf32, #tpu.memory_space<hbm>> -> memref<1x1x640xf32, #tpu.memory_space<hbm>>
        %dma_wait3A_101 = tpu.memref_squeeze %dma_wait3A_100 : memref<1x1x640xf32, #tpu.memory_space<hbm>> -> memref<640xf32, #tpu.memory_space<hbm>>
        tpu.wait_dma2 semaphore(%run_scoped3A : memref<!tpu.dma_semaphore, #tpu.memory_space<semaphore_mem>>) src(%dma_wait3A_101 : memref<640xf32, #tpu.memory_space<hbm>>) dst(%arg18 : memref<640xf32, #tpu.memory_space<vmem>>)
        tpu.yield
      }) : () -> ()
      %scan3A_88 = arith.constant 0 : i32
      %scan3A_89 = arith.constant 0 : i32
      %scan3A_90 = arith.constant 40 : i32
      %scan3A_91 = arith.addi %scan3A_89, %scan3A_90 : i32
      %scan3A_92 = arith.constant 1 : i32
      %scan3A_93 = scf.for %scan3A_96 = %scan3A_89 to %scan3A_91 step %scan3A_92 iter_args(%scan3A_97 = %scan3A_88) -> (i32)  : i32 {
        %mul3A_98 = arith.constant 16 : i32
        %mul3A_99 = arith.muli %scan3A_96, %mul3A_98 : i32
        %get3A = arith.index_cast %mul3A_99 : i32 to index
        %get3A_100 = tpu.vector_load %arg17[%get3A] {strides = array<i32>} : memref<640xf32, #tpu.memory_space<vmem>>, vector<16xf32>,
        %mul3A_101 = arith.constant 16 : i32
        %mul3A_102 = arith.muli %scan3A_96, %mul3A_101 : i32
        %get3A_103 = arith.index_cast %mul3A_102 : i32 to index
        %get3A_104 = tpu.vector_load %arg18[%get3A_103] {strides = array<i32>} : memref<640xf32, #tpu.memory_space<vmem>>, vector<16xf32>,
        %add3A_105 = arith.addf %get3A_100, %get3A_104 : vector<16xf32>
        %mul3A_106 = arith.constant 16 : i32
        %mul3A_107 = arith.muli %scan3A_96, %mul3A_106 : i32
        %swap3A = arith.index_cast %mul3A_107 : i32 to index
        %swap3A_108 = tpu.vector_load %arg17[%swap3A] {strides = array<i32>} : memref<640xf32, #tpu.memory_space<vmem>>, vector<16xf32>,
        tpu.vector_store %arg17[%swap3A], %add3A_105 {strides = array<i32>} : memref<640xf32, #tpu.memory_space<vmem>>, vector<16xf32>,
        %scan3A_109 = arith.constant 0 : i32
        scf.yield %scan3A_109 : i32
      }
      %scan3A_94 = arith.constant 40 : i32
      %scan3A_95 = arith.constant 0 : i32
      scf.yield %scan3A_95 : i32
    }
    %scan3A_69 = arith.constant 16 : i32
    %scan3A_70 = arith.constant 0 : i32
    %scan3A_71 = arith.constant 0 : i32
    %scan3A_72 = arith.constant 40 : i32
    %scan3A_73 = arith.addi %scan3A_71, %scan3A_72 : i32
    %scan3A_74 = arith.constant 1 : i32
    %scan3A_75 = scf.for %scan3A_86 = %scan3A_71 to %scan3A_73 step %scan3A_74 iter_args(%scan3A_87 = %scan3A_70) -> (i32)  : i32 {
      %mul3A_88 = arith.constant 16 : i32
      %mul3A_89 = arith.muli %scan3A_86, %mul3A_88 : i32
      %get3A = arith.index_cast %mul3A_89 : i32 to index
      %get3A_90 = tpu.vector_load %arg17[%get3A] {strides = array<i32>} : memref<640xf32, #tpu.memory_space<vmem>>, vector<16xf32>,
      %add3A_91 = arith.constant 9.99999971E-10 : f32
      %add3A_92 = vector.broadcast %add3A_91 : f32 to vector<16xf32>
      %add3A_93 = arith.addf %get3A_90, %add3A_92 : vector<16xf32>
      %div3A = arith.constant 1.000000e+00 : f32
      %div3A_94 = vector.broadcast %div3A : f32 to vector<16xf32>
      %div3A_95 = arith.divf %div3A_94, %add3A_93 : vector<16xf32>
      %mul3A_96 = arith.constant 16 : i32
      %mul3A_97 = arith.muli %scan3A_86, %mul3A_96 : i32
      %swap3A = arith.index_cast %mul3A_97 : i32 to index
      %swap3A_98 = tpu.vector_load %arg17[%swap3A] {strides = array<i32>} : memref<640xf32, #tpu.memory_space<vmem>>, vector<16xf32>,
      tpu.vector_store %arg17[%swap3A], %div3A_95 {strides = array<i32>} : memref<640xf32, #tpu.memory_space<vmem>>, vector<16xf32>,
      %scan3A_99 = arith.constant 0 : i32
      scf.yield %scan3A_99 : i32
    }
    %scan3A_76 = arith.constant 40 : i32
    "tpu.region"() ({
      %run_scoped3A = tpu.sem_alloc : memref<!tpu.dma_semaphore, #tpu.memory_space<semaphore_mem>>
      %dma_start3A = tpu.memref_slice %arg20[%mul3A_2] : memref<10240xf32, #tpu.memory_space<vmem_shared>> -> memref<640xf32, #tpu.memory_space<vmem_shared>>
      %dma_start3A_86 = tpu.memref_slice %arg20[%mul3A_2] : memref<10240xf32, #tpu.memory_space<vmem_shared>> -> memref<640xf32, #tpu.memory_space<vmem_shared>>
      tpu.enqueue_dma source(%arg17 : memref<640xf32, #tpu.memory_space<vmem>>) target(%dma_start3A_86 : memref<640xf32, #tpu.memory_space<vmem_shared>>) target_semaphore(%run_scoped3A : memref<!tpu.dma_semaphore, #tpu.memory_space<semaphore_mem>>)
      %dma_wait3A = tpu.memref_slice %arg20[%mul3A_2] : memref<10240xf32, #tpu.memory_space<vmem_shared>> -> memref<640xf32, #tpu.memory_space<vmem_shared>>
      %dma_wait3A_87 = tpu.memref_slice %arg20[%mul3A_2] : memref<10240xf32, #tpu.memory_space<vmem_shared>> -> memref<640xf32, #tpu.memory_space<vmem_shared>>
      tpu.wait_dma2 semaphore(%run_scoped3A : memref<!tpu.dma_semaphore, #tpu.memory_space<semaphore_mem>>) src(%arg17 : memref<640xf32, #tpu.memory_space<vmem>>) dst(%dma_wait3A_87 : memref<640xf32, #tpu.memory_space<vmem_shared>>)
      tpu.yield
    }) : () -> ()
    %barrier3A_77 = arith.constant 0 : index
    tpu.barrier barrier_id(%barrier3A_77)
    "tpu.region"() ({
      %run_scoped3A = tpu.sem_alloc : memref<!tpu.dma_semaphore, #tpu.memory_space<semaphore_mem>>
      tpu.enqueue_dma source(%arg20 : memref<10240xf32, #tpu.memory_space<vmem_shared>>) target(%arg10 : memref<10240xf32, #tpu.memory_space<vmem>>) target_semaphore(%run_scoped3A : memref<!tpu.dma_semaphore, #tpu.memory_space<semaphore_mem>>)
      tpu.wait_dma2 semaphore(%run_scoped3A : memref<!tpu.dma_semaphore, #tpu.memory_space<semaphore_mem>>) src(%arg20 : memref<10240xf32, #tpu.memory_space<vmem_shared>>) dst(%arg10 : memref<10240xf32, #tpu.memory_space<vmem>>)
      tpu.yield
    }) : () -> ()
    %scan3A_78 = arith.constant 0 : i32
    %scan3A_79 = arith.constant 0 : i32
    %scan3A_80 = arith.constant 250 : i32
    %scan3A_81 = arith.addi %scan3A_79, %scan3A_80 : i32
    %scan3A_82 = arith.constant 1 : i32
    %scan3A_83 = scf.for %scan3A_86 = %scan3A_79 to %scan3A_81 step %scan3A_82 iter_args(%scan3A_87 = %scan3A_78) -> (i32)  : i32 {
      %mul3A_88 = arith.constant 80 : i32
      %mul3A_89 = arith.muli %scan3A_86, %mul3A_88 : i32
      %add3A_90 = arith.addi %mul3A_0, %mul3A_89 : i32
      "tpu.region"() ({
        %run_scoped3A = tpu.sem_alloc : memref<!tpu.dma_semaphore, #tpu.memory_space<semaphore_mem>>
        %dma_start3A_185 = tpu.memref_slice %arg3[%add3A_90] : memref<320000xi32, #tpu.memory_space<hbm>> -> memref<80xi32, #tpu.memory_space<hbm>>
        %dma_start3A_186 = tpu.memref_slice %arg3[%add3A_90] : memref<320000xi32, #tpu.memory_space<hbm>> -> memref<80xi32, #tpu.memory_space<hbm>>
        tpu.enqueue_dma source(%dma_start3A_186 : memref<80xi32, #tpu.memory_space<hbm>>) target(%arg14 : memref<80xi32, #tpu.memory_space<vmem>>) target_semaphore(%run_scoped3A : memref<!tpu.dma_semaphore, #tpu.memory_space<semaphore_mem>>)
        %dma_wait3A_187 = tpu.memref_slice %arg3[%add3A_90] : memref<320000xi32, #tpu.memory_space<hbm>> -> memref<80xi32, #tpu.memory_space<hbm>>
        %dma_wait3A_188 = tpu.memref_slice %arg3[%add3A_90] : memref<320000xi32, #tpu.memory_space<hbm>> -> memref<80xi32, #tpu.memory_space<hbm>>
        tpu.wait_dma2 semaphore(%run_scoped3A : memref<!tpu.dma_semaphore, #tpu.memory_space<semaphore_mem>>) src(%dma_wait3A_188 : memref<80xi32, #tpu.memory_space<hbm>>) dst(%arg14 : memref<80xi32, #tpu.memory_space<vmem>>)
        tpu.yield
      }) : () -> ()
      "tpu.region"() ({
        %run_scoped3A = tpu.sem_alloc : memref<!tpu.dma_semaphore, #tpu.memory_space<semaphore_mem>>
        %dma_start3A_185 = tpu.memref_slice %arg4[%add3A_90] : memref<320000xi32, #tpu.memory_space<hbm>> -> memref<80xi32, #tpu.memory_space<hbm>>
        %dma_start3A_186 = tpu.memref_slice %arg4[%add3A_90] : memref<320000xi32, #tpu.memory_space<hbm>> -> memref<80xi32, #tpu.memory_space<hbm>>
        tpu.enqueue_dma source(%dma_start3A_186 : memref<80xi32, #tpu.memory_space<hbm>>) target(%arg13 : memref<80xi32, #tpu.memory_space<vmem>>) target_semaphore(%run_scoped3A : memref<!tpu.dma_semaphore, #tpu.memory_space<semaphore_mem>>)
        %dma_wait3A_187 = tpu.memref_slice %arg4[%add3A_90] : memref<320000xi32, #tpu.memory_space<hbm>> -> memref<80xi32, #tpu.memory_space<hbm>>
        %dma_wait3A_188 = tpu.memref_slice %arg4[%add3A_90] : memref<320000xi32, #tpu.memory_space<hbm>> -> memref<80xi32, #tpu.memory_space<hbm>>
        tpu.wait_dma2 semaphore(%run_scoped3A : memref<!tpu.dma_semaphore, #tpu.memory_space<semaphore_mem>>) src(%dma_wait3A_188 : memref<80xi32, #tpu.memory_space<hbm>>) dst(%arg13 : memref<80xi32, #tpu.memory_space<vmem>>)
        tpu.yield
      }) : () -> ()
      "tpu.region"() ({
        %run_scoped3A = tpu.sem_alloc : memref<!tpu.dma_semaphore, #tpu.memory_space<semaphore_mem>>
        %dma_start3A_185 = tpu.memref_slice %arg8[%arg0, %add3A_90] : memref<2x320000xf32, #tpu.memory_space<hbm>> -> memref<1x80xf32, #tpu.memory_space<hbm>>
        %dma_start3A_186 = tpu.memref_squeeze %dma_start3A_185 : memref<1x80xf32, #tpu.memory_space<hbm>> -> memref<80xf32, #tpu.memory_space<hbm>>
        %dma_start3A_187 = tpu.memref_slice %arg8[%arg0, %add3A_90] : memref<2x320000xf32, #tpu.memory_space<hbm>> -> memref<1x80xf32, #tpu.memory_space<hbm>>
        %dma_start3A_188 = tpu.memref_squeeze %dma_start3A_187 : memref<1x80xf32, #tpu.memory_space<hbm>> -> memref<80xf32, #tpu.memory_space<hbm>>
        tpu.enqueue_dma source(%dma_start3A_188 : memref<80xf32, #tpu.memory_space<hbm>>) target(%arg15 : memref<80xf32, #tpu.memory_space<vmem>>) target_semaphore(%run_scoped3A : memref<!tpu.dma_semaphore, #tpu.memory_space<semaphore_mem>>)
        %dma_wait3A_189 = tpu.memref_slice %arg8[%arg0, %add3A_90] : memref<2x320000xf32, #tpu.memory_space<hbm>> -> memref<1x80xf32, #tpu.memory_space<hbm>>
        %dma_wait3A_190 = tpu.memref_squeeze %dma_wait3A_189 : memref<1x80xf32, #tpu.memory_space<hbm>> -> memref<80xf32, #tpu.memory_space<hbm>>
        %dma_wait3A_191 = tpu.memref_slice %arg8[%arg0, %add3A_90] : memref<2x320000xf32, #tpu.memory_space<hbm>> -> memref<1x80xf32, #tpu.memory_space<hbm>>
        %dma_wait3A_192 = tpu.memref_squeeze %dma_wait3A_191 : memref<1x80xf32, #tpu.memory_space<hbm>> -> memref<80xf32, #tpu.memory_space<hbm>>
        tpu.wait_dma2 semaphore(%run_scoped3A : memref<!tpu.dma_semaphore, #tpu.memory_space<semaphore_mem>>) src(%dma_wait3A_192 : memref<80xf32, #tpu.memory_space<hbm>>) dst(%arg15 : memref<80xf32, #tpu.memory_space<vmem>>)
        tpu.yield
      }) : () -> ()
      %get3A = arith.constant 0 : index
      %get3A_91 = tpu.vector_load %arg14[%get3A] {strides = array<i32>} : memref<80xi32, #tpu.memory_space<vmem>>, vector<16xi32>,
      %mul3A_92 = arith.constant 2 : i32
      %mul3A_93 = vector.broadcast %mul3A_92 : i32 to vector<16xi32>
      %mul3A_94 = arith.muli %get3A_91, %mul3A_93 : vector<16xi32>
      %add3A_95 = vector.broadcast %arg0 : i32 to vector<16xi32>
      %add3A_96 = arith.addi %mul3A_94, %add3A_95 : vector<16xi32>
      %swap3A = arith.constant 0 : index
      %swap3A_97 = tpu.vector_load %arg14[%swap3A] {strides = array<i32>} : memref<80xi32, #tpu.memory_space<vmem>>, vector<16xi32>,
      tpu.vector_store %arg14[%swap3A], %add3A_96 {strides = array<i32>} : memref<80xi32, #tpu.memory_space<vmem>>, vector<16xi32>,
      %get3A_98 = arith.constant 16 : index
      %get3A_99 = tpu.vector_load %arg14[%get3A_98] {strides = array<i32>} : memref<80xi32, #tpu.memory_space<vmem>>, vector<16xi32>,
      %mul3A_100 = arith.constant 2 : i32
      %mul3A_101 = vector.broadcast %mul3A_100 : i32 to vector<16xi32>
      %mul3A_102 = arith.muli %get3A_99, %mul3A_101 : vector<16xi32>
      %add3A_103 = vector.broadcast %arg0 : i32 to vector<16xi32>
      %add3A_104 = arith.addi %mul3A_102, %add3A_103 : vector<16xi32>
      %swap3A_105 = arith.constant 16 : index
      %swap3A_106 = tpu.vector_load %arg14[%swap3A_105] {strides = array<i32>} : memref<80xi32, #tpu.memory_space<vmem>>, vector<16xi32>,
      tpu.vector_store %arg14[%swap3A_105], %add3A_104 {strides = array<i32>} : memref<80xi32, #tpu.memory_space<vmem>>, vector<16xi32>,
      %get3A_107 = arith.constant 32 : index
      %get3A_108 = tpu.vector_load %arg14[%get3A_107] {strides = array<i32>} : memref<80xi32, #tpu.memory_space<vmem>>, vector<16xi32>,
      %mul3A_109 = arith.constant 2 : i32
      %mul3A_110 = vector.broadcast %mul3A_109 : i32 to vector<16xi32>
      %mul3A_111 = arith.muli %get3A_108, %mul3A_110 : vector<16xi32>
      %add3A_112 = vector.broadcast %arg0 : i32 to vector<16xi32>
      %add3A_113 = arith.addi %mul3A_111, %add3A_112 : vector<16xi32>
      %swap3A_114 = arith.constant 32 : index
      %swap3A_115 = tpu.vector_load %arg14[%swap3A_114] {strides = array<i32>} : memref<80xi32, #tpu.memory_space<vmem>>, vector<16xi32>,
      tpu.vector_store %arg14[%swap3A_114], %add3A_113 {strides = array<i32>} : memref<80xi32, #tpu.memory_space<vmem>>, vector<16xi32>,
      %get3A_116 = arith.constant 48 : index
      %get3A_117 = tpu.vector_load %arg14[%get3A_116] {strides = array<i32>} : memref<80xi32, #tpu.memory_space<vmem>>, vector<16xi32>,
      %mul3A_118 = arith.constant 2 : i32
      %mul3A_119 = vector.broadcast %mul3A_118 : i32 to vector<16xi32>
      %mul3A_120 = arith.muli %get3A_117, %mul3A_119 : vector<16xi32>
      %add3A_121 = vector.broadcast %arg0 : i32 to vector<16xi32>
      %add3A_122 = arith.addi %mul3A_120, %add3A_121 : vector<16xi32>
      %swap3A_123 = arith.constant 48 : index
      %swap3A_124 = tpu.vector_load %arg14[%swap3A_123] {strides = array<i32>} : memref<80xi32, #tpu.memory_space<vmem>>, vector<16xi32>,
      tpu.vector_store %arg14[%swap3A_123], %add3A_122 {strides = array<i32>} : memref<80xi32, #tpu.memory_space<vmem>>, vector<16xi32>,
      %get3A_125 = arith.constant 64 : index
      %get3A_126 = tpu.vector_load %arg14[%get3A_125] {strides = array<i32>} : memref<80xi32, #tpu.memory_space<vmem>>, vector<16xi32>,
      %mul3A_127 = arith.constant 2 : i32
      %mul3A_128 = vector.broadcast %mul3A_127 : i32 to vector<16xi32>
      %mul3A_129 = arith.muli %get3A_126, %mul3A_128 : vector<16xi32>
      %add3A_130 = vector.broadcast %arg0 : i32 to vector<16xi32>
      %add3A_131 = arith.addi %mul3A_129, %add3A_130 : vector<16xi32>
      %swap3A_132 = arith.constant 64 : index
      %swap3A_133 = tpu.vector_load %arg14[%swap3A_132] {strides = array<i32>} : memref<80xi32, #tpu.memory_space<vmem>>, vector<16xi32>,
      tpu.vector_store %arg14[%swap3A_132], %add3A_131 {strides = array<i32>} : memref<80xi32, #tpu.memory_space<vmem>>, vector<16xi32>,
      %dma_start3A = arith.constant 0 : i32
      %dma_start3A_134 = arith.constant 0 : i32
      %dma_start3A_135 = tpu.memref_slice %arg2[%dma_start3A, %dma_start3A_134] : memref<20480x128xf32, #tpu.memory_space<hbm>> -> memref<20480x128xf32, #tpu.memory_space<hbm>>
      tpu.enqueue_indirect_dma source(%dma_start3A_135 : memref<20480x128xf32, #tpu.memory_space<hbm>>) target(%arg12 : memref<80x128xf32, #tpu.memory_space<vmem>>) offsets(%arg14 : memref<80xi32, #tpu.memory_space<vmem>>) semaphore(%arg19 : memref<!tpu.dma_semaphore, #tpu.memory_space<semaphore_mem>>)
      %dma_wait3A = arith.constant 0 : i32
      %dma_wait3A_136 = arith.constant 0 : i32
      %dma_wait3A_137 = tpu.memref_slice %arg2[%dma_wait3A, %dma_wait3A_136] : memref<20480x128xf32, #tpu.memory_space<hbm>> -> memref<20480x128xf32, #tpu.memory_space<hbm>>
      tpu.wait_indirect_dma semaphore(%arg19 : memref<!tpu.dma_semaphore, #tpu.memory_space<semaphore_mem>>) src(%dma_wait3A_137 : memref<20480x128xf32, #tpu.memory_space<hbm>>) dst(%arg12 : memref<80x128xf32, #tpu.memory_space<vmem>>)
      %get3A_138 = arith.constant 0 : index
      %get3A_139 = tpu.vector_load %arg13[%get3A_138] {strides = array<i32>} : memref<80xi32, #tpu.memory_space<vmem>>, vector<16xi32>,
      %gather3A = tpu.vector_load_idx %arg10[%get3A_139] : memref<10240xf32, #tpu.memory_space<vmem>>[vector<16xi32>], vector<16xf32>,
      %get3A_140 = arith.constant 0 : index
      %get3A_141 = tpu.vector_load %arg15[%get3A_140] {strides = array<i32>} : memref<80xf32, #tpu.memory_space<vmem>>, vector<16xf32>,
      %mul3A_142 = arith.mulf %get3A_141, %gather3A : vector<16xf32>
      %swap3A_143 = arith.constant 0 : index
      %swap3A_144 = tpu.vector_load %arg16[%swap3A_143] {strides = array<i32>} : memref<80xf32, #tpu.memory_space<vmem>>, vector<16xf32>,
      tpu.vector_store %arg16[%swap3A_143], %mul3A_142 {strides = array<i32>} : memref<80xf32, #tpu.memory_space<vmem>>, vector<16xf32>,
      %get3A_145 = arith.constant 16 : index
      %get3A_146 = tpu.vector_load %arg13[%get3A_145] {strides = array<i32>} : memref<80xi32, #tpu.memory_space<vmem>>, vector<16xi32>,
      %gather3A_147 = tpu.vector_load_idx %arg10[%get3A_146] : memref<10240xf32, #tpu.memory_space<vmem>>[vector<16xi32>], vector<16xf32>,
      %get3A_148 = arith.constant 16 : index
      %get3A_149 = tpu.vector_load %arg15[%get3A_148] {strides = array<i32>} : memref<80xf32, #tpu.memory_space<vmem>>, vector<16xf32>,
      %mul3A_150 = arith.mulf %get3A_149, %gather3A_147 : vector<16xf32>
      %swap3A_151 = arith.constant 16 : index
      %swap3A_152 = tpu.vector_load %arg16[%swap3A_151] {strides = array<i32>} : memref<80xf32, #tpu.memory_space<vmem>>, vector<16xf32>,
      tpu.vector_store %arg16[%swap3A_151], %mul3A_150 {strides = array<i32>} : memref<80xf32, #tpu.memory_space<vmem>>, vector<16xf32>,
      %get3A_153 = arith.constant 32 : index
      %get3A_154 = tpu.vector_load %arg13[%get3A_153] {strides = array<i32>} : memref<80xi32, #tpu.memory_space<vmem>>, vector<16xi32>,
      %gather3A_155 = tpu.vector_load_idx %arg10[%get3A_154] : memref<10240xf32, #tpu.memory_space<vmem>>[vector<16xi32>], vector<16xf32>,
      %get3A_156 = arith.constant 32 : index
      %get3A_157 = tpu.vector_load %arg15[%get3A_156] {strides = array<i32>} : memref<80xf32, #tpu.memory_space<vmem>>, vector<16xf32>,
      %mul3A_158 = arith.mulf %get3A_157, %gather3A_155 : vector<16xf32>
      %swap3A_159 = arith.constant 32 : index
      %swap3A_160 = tpu.vector_load %arg16[%swap3A_159] {strides = array<i32>} : memref<80xf32, #tpu.memory_space<vmem>>, vector<16xf32>,
      tpu.vector_store %arg16[%swap3A_159], %mul3A_158 {strides = array<i32>} : memref<80xf32, #tpu.memory_space<vmem>>, vector<16xf32>,
      %get3A_161 = arith.constant 48 : index
      %get3A_162 = tpu.vector_load %arg13[%get3A_161] {strides = array<i32>} : memref<80xi32, #tpu.memory_space<vmem>>, vector<16xi32>,
      %gather3A_163 = tpu.vector_load_idx %arg10[%get3A_162] : memref<10240xf32, #tpu.memory_space<vmem>>[vector<16xi32>], vector<16xf32>,
      %get3A_164 = arith.constant 48 : index
      %get3A_165 = tpu.vector_load %arg15[%get3A_164] {strides = array<i32>} : memref<80xf32, #tpu.memory_space<vmem>>, vector<16xf32>,
      %mul3A_166 = arith.mulf %get3A_165, %gather3A_163 : vector<16xf32>
      %swap3A_167 = arith.constant 48 : index
      %swap3A_168 = tpu.vector_load %arg16[%swap3A_167] {strides = array<i32>} : memref<80xf32, #tpu.memory_space<vmem>>, vector<16xf32>,
      tpu.vector_store %arg16[%swap3A_167], %mul3A_166 {strides = array<i32>} : memref<80xf32, #tpu.memory_space<vmem>>, vector<16xf32>,
      %get3A_169 = arith.constant 64 : index
      %get3A_170 = tpu.vector_load %arg13[%get3A_169] {strides = array<i32>} : memref<80xi32, #tpu.memory_space<vmem>>, vector<16xi32>,
      %gather3A_171 = tpu.vector_load_idx %arg10[%get3A_170] : memref<10240xf32, #tpu.memory_space<vmem>>[vector<16xi32>], vector<16xf32>,
      %get3A_172 = arith.constant 64 : index
      %get3A_173 = tpu.vector_load %arg15[%get3A_172] {strides = array<i32>} : memref<80xf32, #tpu.memory_space<vmem>>, vector<16xf32>,
      %mul3A_174 = arith.mulf %get3A_173, %gather3A_171 : vector<16xf32>
      %swap3A_175 = arith.constant 64 : index
      %swap3A_176 = tpu.vector_load %arg16[%swap3A_175] {strides = array<i32>} : memref<80xf32, #tpu.memory_space<vmem>>, vector<16xf32>,
      tpu.vector_store %arg16[%swap3A_175], %mul3A_174 {strides = array<i32>} : memref<80xf32, #tpu.memory_space<vmem>>, vector<16xf32>,
      %scan3A_177 = arith.constant 0 : i32
      %scan3A_178 = arith.constant 0 : i32
      %scan3A_179 = arith.constant 80 : i32
      %scan3A_180 = arith.addi %scan3A_178, %scan3A_179 : i32
      %scan3A_181 = arith.constant 1 : i32
      %scan3A_182 = scf.for %scan3A_185 = %scan3A_178 to %scan3A_180 step %scan3A_181 iter_args(%scan3A_186 = %scan3A_177) -> (i32)  : i32 {
        %broadcast_in_dim3A_187 = vector.broadcast %scan3A_185 : i32 to vector<16xi32>
        %gather3A_188 = tpu.vector_load_idx %arg16[%broadcast_in_dim3A_187] : memref<80xf32, #tpu.memory_space<vmem>>[vector<16xi32>], vector<16xf32>,
        %get3A_189 = arith.index_cast %scan3A_185 : i32 to index
        %get3A_190 = arith.constant 0 : index
        %get3A_191 = tpu.vector_load %arg12[%get3A_189, %get3A_190] {strides = array<i32>} : memref<80x128xf32, #tpu.memory_space<vmem>>, vector<16xf32>,
        %mul3A_192 = arith.mulf %get3A_191, %gather3A_188 : vector<16xf32>
        %swap3A_193 = arith.index_cast %scan3A_185 : i32 to index
        %swap3A_194 = arith.constant 0 : index
        %swap3A_195 = tpu.vector_load %arg12[%swap3A_193, %swap3A_194] {strides = array<i32>} : memref<80x128xf32, #tpu.memory_space<vmem>>, vector<16xf32>,
        tpu.vector_store %arg12[%swap3A_193, %swap3A_194], %mul3A_192 {strides = array<i32>} : memref<80x128xf32, #tpu.memory_space<vmem>>, vector<16xf32>,
        %get3A_196 = arith.index_cast %scan3A_185 : i32 to index
        %get3A_197 = arith.constant 16 : index
        %get3A_198 = tpu.vector_load %arg12[%get3A_196, %get3A_197] {strides = array<i32>} : memref<80x128xf32, #tpu.memory_space<vmem>>, vector<16xf32>,
        %mul3A_199 = arith.mulf %get3A_198, %gather3A_188 : vector<16xf32>
        %swap3A_200 = arith.index_cast %scan3A_185 : i32 to index
        %swap3A_201 = arith.constant 16 : index
        %swap3A_202 = tpu.vector_load %arg12[%swap3A_200, %swap3A_201] {strides = array<i32>} : memref<80x128xf32, #tpu.memory_space<vmem>>, vector<16xf32>,
        tpu.vector_store %arg12[%swap3A_200, %swap3A_201], %mul3A_199 {strides = array<i32>} : memref<80x128xf32, #tpu.memory_space<vmem>>, vector<16xf32>,
        %get3A_203 = arith.index_cast %scan3A_185 : i32 to index
        %get3A_204 = arith.constant 32 : index
        %get3A_205 = tpu.vector_load %arg12[%get3A_203, %get3A_204] {strides = array<i32>} : memref<80x128xf32, #tpu.memory_space<vmem>>, vector<16xf32>,
        %mul3A_206 = arith.mulf %get3A_205, %gather3A_188 : vector<16xf32>
        %swap3A_207 = arith.index_cast %scan3A_185 : i32 to index
        %swap3A_208 = arith.constant 32 : index
        %swap3A_209 = tpu.vector_load %arg12[%swap3A_207, %swap3A_208] {strides = array<i32>} : memref<80x128xf32, #tpu.memory_space<vmem>>, vector<16xf32>,
        tpu.vector_store %arg12[%swap3A_207, %swap3A_208], %mul3A_206 {strides = array<i32>} : memref<80x128xf32, #tpu.memory_space<vmem>>, vector<16xf32>,
        %get3A_210 = arith.index_cast %scan3A_185 : i32 to index
        %get3A_211 = arith.constant 48 : index
        %get3A_212 = tpu.vector_load %arg12[%get3A_210, %get3A_211] {strides = array<i32>} : memref<80x128xf32, #tpu.memory_space<vmem>>, vector<16xf32>,
        %mul3A_213 = arith.mulf %get3A_212, %gather3A_188 : vector<16xf32>
        %swap3A_214 = arith.index_cast %scan3A_185 : i32 to index
        %swap3A_215 = arith.constant 48 : index
        %swap3A_216 = tpu.vector_load %arg12[%swap3A_214, %swap3A_215] {strides = array<i32>} : memref<80x128xf32, #tpu.memory_space<vmem>>, vector<16xf32>,
        tpu.vector_store %arg12[%swap3A_214, %swap3A_215], %mul3A_213 {strides = array<i32>} : memref<80x128xf32, #tpu.memory_space<vmem>>, vector<16xf32>,
        %get3A_217 = arith.index_cast %scan3A_185 : i32 to index
        %get3A_218 = arith.constant 64 : index
        %get3A_219 = tpu.vector_load %arg12[%get3A_217, %get3A_218] {strides = array<i32>} : memref<80x128xf32, #tpu.memory_space<vmem>>, vector<16xf32>,
        %mul3A_220 = arith.mulf %get3A_219, %gather3A_188 : vector<16xf32>
        %swap3A_221 = arith.index_cast %scan3A_185 : i32 to index
        %swap3A_222 = arith.constant 64 : index
        %swap3A_223 = tpu.vector_load %arg12[%swap3A_221, %swap3A_222] {strides = array<i32>} : memref<80x128xf32, #tpu.memory_space<vmem>>, vector<16xf32>,
        tpu.vector_store %arg12[%swap3A_221, %swap3A_222], %mul3A_220 {strides = array<i32>} : memref<80x128xf32, #tpu.memory_space<vmem>>, vector<16xf32>,
        %get3A_224 = arith.index_cast %scan3A_185 : i32 to index
        %get3A_225 = arith.constant 80 : index
        %get3A_226 = tpu.vector_load %arg12[%get3A_224, %get3A_225] {strides = array<i32>} : memref<80x128xf32, #tpu.memory_space<vmem>>, vector<16xf32>,
        %mul3A_227 = arith.mulf %get3A_226, %gather3A_188 : vector<16xf32>
        %swap3A_228 = arith.index_cast %scan3A_185 : i32 to index
        %swap3A_229 = arith.constant 80 : index
        %swap3A_230 = tpu.vector_load %arg12[%swap3A_228, %swap3A_229] {strides = array<i32>} : memref<80x128xf32, #tpu.memory_space<vmem>>, vector<16xf32>,
        tpu.vector_store %arg12[%swap3A_228, %swap3A_229], %mul3A_227 {strides = array<i32>} : memref<80x128xf32, #tpu.memory_space<vmem>>, vector<16xf32>,
        %get3A_231 = arith.index_cast %scan3A_185 : i32 to index
        %get3A_232 = arith.constant 96 : index
        %get3A_233 = tpu.vector_load %arg12[%get3A_231, %get3A_232] {strides = array<i32>} : memref<80x128xf32, #tpu.memory_space<vmem>>, vector<16xf32>,
        %mul3A_234 = arith.mulf %get3A_233, %gather3A_188 : vector<16xf32>
        %swap3A_235 = arith.index_cast %scan3A_185 : i32 to index
        %swap3A_236 = arith.constant 96 : index
        %swap3A_237 = tpu.vector_load %arg12[%swap3A_235, %swap3A_236] {strides = array<i32>} : memref<80x128xf32, #tpu.memory_space<vmem>>, vector<16xf32>,
        tpu.vector_store %arg12[%swap3A_235, %swap3A_236], %mul3A_234 {strides = array<i32>} : memref<80x128xf32, #tpu.memory_space<vmem>>, vector<16xf32>,
        %get3A_238 = arith.index_cast %scan3A_185 : i32 to index
        %get3A_239 = arith.constant 112 : index
        %get3A_240 = tpu.vector_load %arg12[%get3A_238, %get3A_239] {strides = array<i32>} : memref<80x128xf32, #tpu.memory_space<vmem>>, vector<16xf32>,
        %mul3A_241 = arith.mulf %get3A_240, %gather3A_188 : vector<16xf32>
        %swap3A_242 = arith.index_cast %scan3A_185 : i32 to index
        %swap3A_243 = arith.constant 112 : index
        %swap3A_244 = tpu.vector_load %arg12[%swap3A_242, %swap3A_243] {strides = array<i32>} : memref<80x128xf32, #tpu.memory_space<vmem>>, vector<16xf32>,
        tpu.vector_store %arg12[%swap3A_242, %swap3A_243], %mul3A_241 {strides = array<i32>} : memref<80x128xf32, #tpu.memory_space<vmem>>, vector<16xf32>,
        %scan3A_245 = arith.constant 0 : i32
        scf.yield %scan3A_245 : i32
      }
      %scan3A_183 = arith.constant 80 : i32
      "tpu.region"() ({
        %run_scoped3A = tpu.sem_alloc : memref<!tpu.dma_semaphore, #tpu.memory_space<semaphore_mem>>
        %dma_start3A_185 = arith.constant 0 : i32
        %dma_start3A_186 = arith.constant 0 : i32
        %dma_start3A_187 = tpu.memref_slice %arg21[%dma_start3A_185, %dma_start3A_186] : memref<10240x128xf32, #tpu.memory_space<vmem_shared>> -> memref<10240x128xf32, #tpu.memory_space<vmem_shared>>
        tpu.enqueue_indirect_dma source(%arg12 : memref<80x128xf32, #tpu.memory_space<vmem>>) target(%dma_start3A_187 : memref<10240x128xf32, #tpu.memory_space<vmem_shared>>) offsets(%arg13 : memref<80xi32, #tpu.memory_space<vmem>>) semaphore(%run_scoped3A : memref<!tpu.dma_semaphore, #tpu.memory_space<semaphore_mem>>) {add = true}
        %dma_wait3A_188 = arith.constant 0 : i32
        %dma_wait3A_189 = arith.constant 0 : i32
        %dma_wait3A_190 = tpu.memref_slice %arg21[%dma_wait3A_188, %dma_wait3A_189] : memref<10240x128xf32, #tpu.memory_space<vmem_shared>> -> memref<10240x128xf32, #tpu.memory_space<vmem_shared>>
        tpu.wait_indirect_dma semaphore(%run_scoped3A : memref<!tpu.dma_semaphore, #tpu.memory_space<semaphore_mem>>) src(%arg12 : memref<80x128xf32, #tpu.memory_space<vmem>>) dst(%dma_wait3A_190 : memref<10240x128xf32, #tpu.memory_space<vmem_shared>>)
        tpu.yield
      }) : () -> ()
      %scan3A_184 = arith.constant 0 : i32
      scf.yield %scan3A_184 : i32
    }
    %scan3A_84 = arith.constant 250 : i32
    %barrier3A_85 = arith.constant 0 : index
    tpu.barrier barrier_id(%barrier3A_85)
    "tpu.region"() ({
      %run_scoped3A = tpu.sem_alloc : memref<!tpu.dma_semaphore, #tpu.memory_space<semaphore_mem>>
      %dma_start3A = arith.constant 0 : i32
      %dma_start3A_86 = tpu.memref_slice %arg7[%arg0, %mul3A_2, %dma_start3A] : memref<2x10240x128xf32, #tpu.memory_space<hbm>> -> memref<1x640x128xf32, #tpu.memory_space<hbm>>
      %dma_start3A_87 = tpu.memref_squeeze %dma_start3A_86 : memref<1x640x128xf32, #tpu.memory_space<hbm>> -> memref<640x128xf32, #tpu.memory_space<hbm>>
      %dma_start3A_88 = arith.constant 0 : i32
      %dma_start3A_89 = tpu.memref_slice %arg21[%mul3A_2, %dma_start3A_88] : memref<10240x128xf32, #tpu.memory_space<vmem_shared>> -> memref<640x128xf32, #tpu.memory_space<vmem_shared>>
      tpu.enqueue_dma source(%dma_start3A_89 : memref<640x128xf32, #tpu.memory_space<vmem_shared>>) target(%dma_start3A_87 : memref<640x128xf32, #tpu.memory_space<hbm>>) target_semaphore(%run_scoped3A : memref<!tpu.dma_semaphore, #tpu.memory_space<semaphore_mem>>)
      %dma_wait3A = arith.constant 0 : i32
      %dma_wait3A_90 = tpu.memref_slice %arg7[%arg0, %mul3A_2, %dma_wait3A] : memref<2x10240x128xf32, #tpu.memory_space<hbm>> -> memref<1x640x128xf32, #tpu.memory_space<hbm>>
      %dma_wait3A_91 = tpu.memref_squeeze %dma_wait3A_90 : memref<1x640x128xf32, #tpu.memory_space<hbm>> -> memref<640x128xf32, #tpu.memory_space<hbm>>
      %dma_wait3A_92 = arith.constant 0 : i32
      %dma_wait3A_93 = tpu.memref_slice %arg21[%mul3A_2, %dma_wait3A_92] : memref<10240x128xf32, #tpu.memory_space<vmem_shared>> -> memref<640x128xf32, #tpu.memory_space<vmem_shared>>
      tpu.wait_dma2 semaphore(%run_scoped3A : memref<!tpu.dma_semaphore, #tpu.memory_space<semaphore_mem>>) src(%dma_wait3A_93 : memref<640x128xf32, #tpu.memory_space<vmem_shared>>) dst(%dma_wait3A_91 : memref<640x128xf32, #tpu.memory_space<hbm>>)
      tpu.yield
    }) : () -> ()
    return
  }
}

module attributes {stable_mosaic.version = 14 : i64} {
  func.func @_k1_body(%arg0: i32, %arg1: memref<256x128xf32, #tpu.memory_space<vmem>>, %arg2: memref<128x256xf32, #tpu.memory_space<vmem>>, %arg3: memref<1x256xf32, #tpu.memory_space<vmem>>, %arg4: memref<1x256xf32, #tpu.memory_space<vmem>>, %arg5: memref<256x256xf32, #tpu.memory_space<vmem>>, %arg6: memref<256x256xf32, #tpu.memory_space<vmem>>) attributes {dimension_semantics = [#tpu.dimension_semantics<arbitrary>], iteration_bounds = array<i64: 40>, scalar_prefetch = 0 : i64, scratch_operands = 0 : i64, tpu.core_type = #tpu.core_type<tc>, window_params = [{transform_indices = @transform_0, window_bounds = array<i64: 256, 128>}, {pipeline_mode = #tpu.pipeline_mode<synchronous>, transform_indices = @transform_1, window_bounds = array<i64: 128, 256>}, {pipeline_mode = #tpu.pipeline_mode<synchronous>, transform_indices = @transform_2, window_bounds = array<i64: 1, 256>}, {pipeline_mode = #tpu.pipeline_mode<synchronous>, transform_indices = @transform_3, window_bounds = array<i64: 1, 256>}, {transform_indices = @transform_4, window_bounds = array<i64: 256, 256>}, {transform_indices = @transform_5, window_bounds = array<i64: 256, 256>}]} {
    %get3A = arith.constant 0 : index
    %get3A_0 = arith.constant 0 : index
    %get3A_1 = vector.load %arg1[%get3A, %get3A_0] : memref<256x128xf32, #tpu.memory_space<vmem>>, vector<256x128xf32>
    %get3A_2 = arith.constant 0 : index
    %get3A_3 = arith.constant 0 : index
    %get3A_4 = vector.load %arg2[%get3A_2, %get3A_3] : memref<128x256xf32, #tpu.memory_space<vmem>>, vector<128x256xf32>
    %dot_general3A = arith.constant dense<0.000000e+00> : vector<256x256xf32>
    %dot_general3A_5 = tpu.matmul %get3A_1, %get3A_4, %dot_general3A {dimension_numbers = #tpu.dot_dimension_numbers<[1], [0], [0], [1], [0, 0, 1, 1], [], []>, transpose_lhs_hint = false} : vector<256x128xf32>, vector<128x256xf32>, vector<256x256xf32> -> vector<256x256xf32>
    %get3A_6 = arith.constant 0 : index
    %get3A_7 = arith.constant 0 : index
    %get3A_8 = vector.load %arg3[%get3A_6, %get3A_7] : memref<1x256xf32, #tpu.memory_space<vmem>>, vector<1x256xf32>
    %add3A = vector.broadcast %get3A_8 : vector<1x256xf32> to vector<256x256xf32>
    %add3A_9 = arith.addf %dot_general3A_5, %add3A : vector<256x256xf32>
    %swap3A = arith.constant 0 : index
    %swap3A_10 = arith.constant 0 : index
    %swap3A_11 = vector.load %arg5[%swap3A, %swap3A_10] : memref<256x256xf32, #tpu.memory_space<vmem>>, vector<256x256xf32>
    tpu.vector_store %arg5[%swap3A, %swap3A_10], %add3A_9 {strides = array<i32>} : memref<256x256xf32, #tpu.memory_space<vmem>>, vector<256x256xf32>,
    %get3A_12 = arith.constant 0 : index
    %get3A_13 = arith.constant 0 : index
    %get3A_14 = vector.load %arg4[%get3A_12, %get3A_13] : memref<1x256xf32, #tpu.memory_space<vmem>>, vector<1x256xf32>
    %mul3A = vector.broadcast %get3A_14 : vector<1x256xf32> to vector<256x256xf32>
    %mul3A_15 = arith.mulf %add3A_9, %mul3A : vector<256x256xf32>
    %swap3A_16 = arith.constant 0 : index
    %swap3A_17 = arith.constant 0 : index
    %swap3A_18 = vector.load %arg6[%swap3A_16, %swap3A_17] : memref<256x256xf32, #tpu.memory_space<vmem>>, vector<256x256xf32>
    tpu.vector_store %arg6[%swap3A_16, %swap3A_17], %mul3A_15 {strides = array<i32>} : memref<256x256xf32, #tpu.memory_space<vmem>>, vector<256x256xf32>,
    return
  }
  func.func @transform_0(%arg0: i32) -> (i32, i32) {
    %c0_i32 = arith.constant 0 : i32
    %c0_i32_0 = arith.constant 0 : i32
    return %arg0, %c0_i32 : i32, i32
  }
  func.func @transform_1(%arg0: i32) -> (i32, i32) {
    %c0_i32 = arith.constant 0 : i32
    %c0_i32_0 = arith.constant 0 : i32
    %c0_i32_1 = arith.constant 0 : i32
    return %c0_i32, %c0_i32_0 : i32, i32
  }
  func.func @transform_2(%arg0: i32) -> (i32, i32) {
    %c0_i32 = arith.constant 0 : i32
    %c0_i32_0 = arith.constant 0 : i32
    %c0_i32_1 = arith.constant 0 : i32
    return %c0_i32, %c0_i32_0 : i32, i32
  }
  func.func @transform_3(%arg0: i32) -> (i32, i32) {
    %c0_i32 = arith.constant 0 : i32
    %c0_i32_0 = arith.constant 0 : i32
    %c0_i32_1 = arith.constant 0 : i32
    return %c0_i32, %c0_i32_0 : i32, i32
  }
  func.func @transform_4(%arg0: i32) -> (i32, i32) {
    %c0_i32 = arith.constant 0 : i32
    %c0_i32_0 = arith.constant 0 : i32
    return %arg0, %c0_i32 : i32, i32
  }
  func.func @transform_5(%arg0: i32) -> (i32, i32) {
    %c0_i32 = arith.constant 0 : i32
    %c0_i32_0 = arith.constant 0 : i32
    return %arg0, %c0_i32 : i32, i32
  }
}

module attributes {stable_mosaic.version = 14 : i64} {
  func.func @_k4_body(%arg0: i32, %arg1: memref<2x400x128xf32, #tpu.memory_space<vmem>>, %arg2: memref<400x128xf32, #tpu.memory_space<vmem>>) attributes {dimension_semantics = [#tpu.dimension_semantics<arbitrary>], iteration_bounds = array<i64: 25>, scalar_prefetch = 0 : i64, scratch_operands = 0 : i64, tpu.core_type = #tpu.core_type<tc>, window_params = [{transform_indices = @transform_0, window_bounds = array<i64: 2, 400, 128>}, {transform_indices = @transform_1, window_bounds = array<i64: 400, 128>}]} {
    %get3A = arith.constant 0 : index
    %get3A_0 = arith.constant 0 : index
    %get3A_1 = arith.constant 0 : index
    %get3A_2 = vector.load %arg1[%get3A, %get3A_0, %get3A_1] : memref<2x400x128xf32, #tpu.memory_space<vmem>>, vector<2x400x128xf32>
    %reduce_max3A = arith.constant dense<0xFF800000> : vector<400x128xf32>
    %reduce_max3A_3 = vector.multi_reduction <maximumf>, %get3A_2, %reduce_max3A [0] : vector<2x400x128xf32> to vector<400x128xf32>
    %swap3A = arith.constant 0 : index
    %swap3A_4 = arith.constant 0 : index
    %swap3A_5 = vector.load %arg2[%swap3A, %swap3A_4] : memref<400x128xf32, #tpu.memory_space<vmem>>, vector<400x128xf32>
    tpu.vector_store %arg2[%swap3A, %swap3A_4], %reduce_max3A_3 {strides = array<i32>} : memref<400x128xf32, #tpu.memory_space<vmem>>, vector<400x128xf32>,
    return
  }
  func.func @transform_0(%arg0: i32) -> (i32, i32, i32) {
    %c0_i32 = arith.constant 0 : i32
    %c0_i32_0 = arith.constant 0 : i32
    %c0_i32_1 = arith.constant 0 : i32
    return %c0_i32, %arg0, %c0_i32_0 : i32, i32, i32
  }
  func.func @transform_1(%arg0: i32) -> (i32, i32) {
    %c0_i32 = arith.constant 0 : i32
    %c0_i32_0 = arith.constant 0 : i32
    return %arg0, %c0_i32 : i32, i32
  }
}

</mosaic_0001>

<sc_bundles>
// kernel: kernel.6.cloned.1.call-start
scs
__scs_entry_jumppad:
0x0: {  	(pc) =	sbr.rel $0x88, $3  }
0x1: {  	(tag) =	ssettag $0x0;
	lr =	simm.s32 $0x1  }
0x2: {  	[smem:$0x3F9C] =	sst lr;
	_ =	strace $0xD0000000  }
0x3: {  	_ = 	snop  }
0x4: {  	_ = 	snop  }
0x5: {  	_ = 	snop  }
0x6: {  	_ = 	snop  }
0x7: {  	_ = 	snop  }
__scs_overlays_trampoline_lowered:
0x8: {  	[smem:$0x3FAB] =	sst s0  }
0x9: {  	[smem:$0x3FAC] =	sst s1  }
0xa: {  	[smem:$0x3FAD] =	sst s2  }
0xb: {  	[smem:$0x3FAE] =	sst s3  }
0xc: {  	[smem:$0x3FAF] =	sst s4  }
0xd: {  	[smem:$0x3FB0] =	sst s5  }
0xe: {  	[smem:$0x3FB1] =	sst s6  }
0xf: {  	[smem:$0x3FB2] =	sst s7  }
0x10: {  	[smem:$0x3FB3] =	sst s8  }
0x11: {  	[smem:$0x3FB4] =	sst s9;
	s0 =	simm.s32 @!p0 $0x0  }
0x12: {  	s1 =	sld [smem:$0x3F9A];
	s0 =	simm.s32 @p0 $0x1  }
0x13: {  	[smem:$0x3FB5] =	sst s0;
	s0 =	simm.s32 @!p1 $0x0  }
0x14: {  	s2 =	sld [smem:$0x3F99];
	s0 =	simm.s32 @p1 $0x1  }
0x15: {  	[smem:$0x3FB6] =	sst s0;
	s0 =	simm.s32 @!p2 $0x0  }
0x16: {  	s3 =	sld [smem:$0x3FDB];
	s0 =	simm.s32 @p2 $0x1  }
0x17: {  	s4 =	simm.s32 $0x1BF5;
	[smem:$0x3FB8] =	sst s0  }
0x18: {  	s0 =	sld [smem:$0x3F9B];
	_ =	swait.ge [sflag:s4], $0x0  }
0x19: {  	s7 =	sld [smem:$0x3F9C]  }
0x1a: {  	s8 =	sadd.s32 $0xFFFFE003, lr  }
0x1b: {  	s9 =	sadd.s32 $0xFFFFFEF7, lr;
	s5 =	simm.s32 $0xFFFFFFFF;
	p2 =	slt.u32 s8, $0xFFFFF086  }
0x1c: {  	p1 =	slt.u32 s9, $0xF7A;
	s5 =	simm.s32 @!p2 $0x0  }
0x1d: {  	s5 =	simm.s32 @p1 $0x1;
	p0 =	seq.s32 s7, s2  }
0x1e: {  	s7 =	smul.u32 @!p0 $0xF7A, s2;
	p2 =	seq.s32 @!p0 s5, $0x0  }
0x1f: {  	s9 =	smul.u32 $0xF7A, s1;
	s8 =	simm.s32 @!p0 $0x1BF5;
	p2 =	por !p2, p0  }
0x20: {  	[sflag:s8] =	ssyncset.s32 @!p0 $0xFFFFF086;
	s6 =	sadd.s32 @!p0 s3, s7;
	s7 =	simm.s32 @!p0 $0x108  }
0x21: {  	s3 =	sadd.s32 s3, s9;
	s6 =	sadd.s32 @!p0 $0x88, s6;
	s7 =	simm.s32 @p2 $0x1082  }
0x22: {  	[simem:s7], [sflag:s8] =	dma.local @!p0 [hbm:s6], $0xF7A  }
0x23: {  	s9 =	sor.u32 $0xD0000000, s2;
	s6 =	simm.s32 $0x108;
	_ =	swait.ge @!p0 [sflag:s8], $0x0  }
0x24: {  	s3 =	sadd.s32 $0x88, s3;
	s6 =	simm.s32 @!p1 $0x1082;
	[sflag:s4] =	ssyncset.s32 $0xFFFFF086  }
0x25: {  	[simem:s6], [sflag:s4] =	dma.local [hbm:s3], $0xF7A  }
0x26: {  	[smem:$0x3F9C] =	sst s1;
	(tag) =	ssettag s2;
	_ =	strace s9  }
0x27: {  	s1 =	sld [smem:$0x3FAC]  }
0x28: {  	s2 =	sld [smem:$0x3FAD]  }
0x29: {  	s4 =	sld [smem:$0x3FAF]  }
0x2a: {  	p0 =	seq.s32 s5, $0x0;
	s5 =	sld [smem:$0x3FB0]  }
0x2b: {  	s6 =	sld [smem:$0x3FB1]  }
0x2c: {  	s7 =	sld [smem:$0x3FB2]  }
0x2d: {  	s3 =	simm.s32 $0x108;
	s8 =	sld [smem:$0x3FB3]  }
0x2e: {  	s3 =	simm.s32 @!p0 $0x1082;
	s9 =	sld [smem:$0x3FB4]  }
0x2f: {  	lr =	sadd.s32 s0, s3;
	s0 =	sld [smem:$0x3FAB]  }
0x30: {  	s3 =	sld [smem:$0x3FAE]  }
0x31: {  	[smem:$0x3FB7] =	sst s10  }
0x32: {  	s10 =	sld [smem:$0x3FB5];
	_ =	sdelay $0x3  }
0x33: {  	p0 =	seq.s32 s10, $0x1;
	s10 =	sld [smem:$0x3FB7];
	_ =	sdelay $0x3  }
0x34: {  	[smem:$0x3FB7] =	sst s10  }
0x35: {  	s10 =	sld [smem:$0x3FB6];
	_ =	sdelay $0x3  }
0x36: {  	p1 =	seq.s32 s10, $0x1;
	s10 =	sld [smem:$0x3FB7];
	_ =	sdelay $0x3  }
0x37: {  	[smem:$0x3FB7] =	sst s10  }
0x38: {  	s10 =	sld [smem:$0x3FB8]  }
0x39: {  	_ = 	snop;
	(pc) =	sbr.ind lr, $3  }
0x3a: {  	_ = 	snop  }
0x3b: {  	_ = 	snop  }
0x3c: {  	p2 =	seq.s32 s10, $0x1;
	s10 =	sld [smem:$0x3FB7]  }
0x3d: {  	_ =	shalt  }
0x3e: {  	_ =	shalt  }
0x3f: {  	_ =	shalt  }
0x40: {  	_ =	shalt  }
0x41: {  	_ =	shalt  }
0x42: {  	_ =	shalt  }
0x43: {  	_ =	shalt  }
0x44: {  	_ =	shalt  }
0x45: {  	_ =	shalt  }
0x46: {  	_ =	shalt  }
0x47: {  	_ =	shalt  }
0x48: {  	_ =	shalt  }
0x49: {  	_ =	shalt  }
0x4a: {  	_ =	shalt  }
0x4b: {  	_ =	shalt  }
0x4c: {  	_ =	shalt  }
0x4d: {  	_ =	shalt  }
0x4e: {  	_ =	shalt  }
0x4f: {  	_ =	shalt  }
0x50: {  	_ =	shalt  }
0x51: {  	_ =	shalt  }
0x52: {  	_ =	shalt  }
0x53: {  	_ =	shalt  }
0x54: {  	_ =	shalt  }
0x55: {  	_ =	shalt  }
0x56: {  	_ =	shalt  }
0x57: {  	_ =	shalt  }
0x58: {  	_ =	shalt  }
0x59: {  	_ =	shalt  }
0x5a: {  	_ =	shalt  }
0x5b: {  	_ =	shalt  }
0x5c: {  	_ =	shalt  }
0x5d: {  	_ =	shalt  }
0x5e: {  	_ =	shalt  }
0x5f: {  	_ =	shalt  }
0x60: {  	_ =	shalt  }
0x61: {  	_ =	shalt  }
0x62: {  	_ =	shalt  }
0x63: {  	_ =	shalt  }
0x64: {  	_ =	shalt  }
0x65: {  	_ =	shalt  }
0x66: {  	_ =	shalt  }
0x67: {  	_ =	shalt  }
0x68: {  	_ =	shalt  }
0x69: {  	_ =	shalt  }
0x6a: {  	_ =	shalt  }
0x6b: {  	_ =	shalt  }
0x6c: {  	_ =	shalt  }
0x6d: {  	_ =	shalt  }
0x6e: {  	_ =	shalt  }
0x6f: {  	_ =	shalt  }
0x70: {  	_ =	shalt  }
0x71: {  	_ =	shalt  }
0x72: {  	_ =	shalt  }
0x73: {  	_ =	shalt  }
0x74: {  	_ =	shalt  }
0x75: {  	_ =	shalt  }
0x76: {  	_ =	shalt  }
0x77: {  	_ =	shalt  }
0x78: {  	_ =	shalt  }
0x79: {  	_ =	shalt  }
0x7a: {  	_ =	shalt  }
0x7b: {  	_ =	shalt  }
0x7c: {  	_ =	shalt  }
0x7d: {  	_ =	shalt  }
0x7e: {  	_ =	shalt  }
0x7f: {  	_ =	shalt  }
0x80: {  	_ =	shalt  }
0x81: {  	_ =	shalt  }
0x82: {  	_ =	shalt  }
0x83: {  	_ =	shalt  }
0x84: {  	_ =	shalt  }
0x85: {  	_ =	shalt  }
0x86: {  	_ =	shalt  }
0x87: {  	_ =	shalt  }
.Lfunc_end0:
.L_simem_size_0:
called_computation_lowered:
.L_overlay_start_0:
0x88: {  	s2 =	sld [smem:$0x3FD9]  }
0x89: {  	s3 =	sld [smem:$0x3FFE];
	_ =	sdelay $0x1  }
0x8a: {  	s1 =	srdreg.scid  }
0x8b: {  	s0 =	sand.u32 $0x1, s1  }
0x8c: {  	s16 =	sshll.u32 s0, $0xA;
	s2 =	sadd.s32 s3, s2  }
0x8d: {  	s2 =	sadd.s32 s2, s16  }
0x8e: {  	[smem:$0x3FC3] =	sst s2  }
0x8f: {  	_ = 	snop  }
0x90: {  	(tm) =	ssettm $0x1  }
0x91: {  	s17 =	sld [smem:$0x3FFB];
	_ =	sdelay $0x3  }
0x92: {  	_ =	strace s17  }
0x93: {  	s2 =	sld [smem:$0x3FFC];
	_ =	sdelay $0x3  }
0x94: {  	_ =	strace s2  }
0x95: {  	s2 =	sld [smem:$0x3FFD];
	_ =	sdelay $0x3  }
0x96: {  	_ =	strace s2  }
0x97: {  	_ =	strace $0x8FFFFFFF  }
0x98: {  	s18 =	sld [smem:$0x3FDB];
	_ =	sdelay $0x1  }
0x99: {  	s19 =	simm.s32 $_scs_section_size  }
0x9a: {  	s4 =	simm.s32 $_size__tile_overlayer_lowered;
	s5 =	simm.s32 $_tile_overlayer_lowered  }
0x9b: {  	s22 =	simm.s32 $0x1BFF;
	s21 =	sshll.u32 s5, $0x1;
	s2 =	sadd.s32 s19, s18  }
0x9c: {  	s6 =	simm.s32 $0x0;
	s20 =	sshll.u32 s4, $0x1;
	s4 =	sadd.s32 s21, s2  }
0x9d: {  	[timem:s6], [sflag:s22] =	dma.local [hbm:s4], s20  }
0x9e: {  	_ =	swait.ge [sflag:s22], s20  }
0x9f: {  	s3 =	ssub.s32 $0x0, s20;
	[sflag:s22] =	ssyncset.done $0x0  }
0xa0: {  	[sflag:s22] =	ssyncadd.s32 s3;
	_ =	sdelay $0x1  }
0xa1: {  	s23 =	simm.s32 $0x1B8B  }
0xa2: {  	_ =	swait.ge [sflag:s23], $0x1  }
0xa3: {  	[sflag:s23] =	ssyncset.done $0x0  }
0xa4: {  	s25 =	simm.s32 $0x1B8E;
	s24 =	sld [smem:$0x3FFE];
	[sflag:s23] =	ssyncadd.s32 $0xFFFFFFFF  }
0xa5: {  	s26 =	simm.s32 $execute0_lowered;
	[smem:$0x3FD2] =	sst s25  }
0xa6: {  	s4 =	sshll.u32 s26, $0x1;
	_ =	strace $0x80000046;
	[dreg:$0x1] =	wrdreg $0xFFFFFFFF  }
0xa7: {  	s28 =	simm.s32 $_size_execute0_lowered;
	s2 =	sadd.s32 s2, s4;
	[dreg:$0x0] =	wrdreg $0x0  }
0xa8: {  	s4 =	sshll.u32 s28, $0x1;
	[dreg:$0x2] =	wrdreg s2  }
0xa9: {  	[dreg:$0x3] =	wrdreg s4  }
0xaa: {  	[dreg:$0x4] =	wrdreg $0xC0  }
0xab: {  	_ =	task [dreg:s6], $0x5FFFF  }
0xac: {  	[dreg:$0x1] =	wrdreg $0xFFFFFFFF  }
0xad: {  	[dreg:$0x0] =	wrdreg $0x60  }
0xae: {  	[dreg:$0x2] =	wrdreg s24  }
0xaf: {  	[dreg:$0x3] =	wrdreg $0x9  }
0xb0: {  	_ =	task.clear_ibuf [dreg:s6], $0x4FFFF;
	_ =	strace $0x90000046  }
0xb1: {  	s29 =	simm.s32 $0x9;
	_ =	strace $0x80000048  }
0xb2: {  	_ =	swait.ge [sflag:s29], $0x1  }
0xb3: {  	[sflag:s29] =	ssyncadd.s32 $0xFFFFFFFF  }
0xb4: {  	_ =	strace $0x90000048  }
0xb5: {  	_ =	sfence  }
0xb6: {  	s30 =	sld [smem:$0x0];
	_ =	sdelay $0x2  }
0xb7: {  	s31 =	sshll.u32 s1, $0xD;
	s1 =	sshrl.u32 s1, $0x2  }
0xb8: {  	s3 =	sand.u32 $0x4000, s31;
	s1 =	sadd.s32 s1, s30  }
0xb9: {  	s0 =	sor.u32 s3, s0;
	s1 =	sshll.u32 s1, $0x11  }
0xba: {  	s0 =	sor.u32 s1, s0  }
0xbb: {  	s0 =	sadd.s32 $0x8F2B, s0  }
0xbc: {  	[sflag:s0] =	ssyncadd.remote.s32 $0x1  }
0xbd: {  	_ =	sfence.sel $0xFFFF  }
0xbe: {  	[dreg:$0x0] =	wrdreg $0xFFFFFFFF;
	(pc) =	sbr.abs _section_cstart, $3  }
0xbf: {  	[dreg:$0x1] =	wrdreg $0xFFFFFFFF  }
0xc0: {  	_ =	task.clear_ibuf [dreg:s6], $0x2FFFF;
	_ =	strace $0x9FFFFFFF  }
0xc1: {  	(tm) =	ssettm $0x7FFFFFFF  }
tec
execute0_lowered:
.L_overlay_start_1:
0x0: {  	(tag) =	ssettag $0x1  }
0x1: {  	v0 =	vimm.s32 $0xEDCBA987;
	v1 =	vimm.s32 $0x65432100;
	v3 =	vimm.s32 $0xDCBA9876  }
0x2: {  	v4 =	vlaneseq.u32;
	vm0 =	vcmask $0x3F04;
	v6 =	vimm.s32 $0x32100000  }
0x3: {  	v7 =	vimm.s32 $0xE40000;
	v2 =	vunpack.c.l.s4.s8 v0;
	v1 =	vunpack.c.l.s4.s8 v1  }
0x4: {  	v8 =	vimm.s32 $0x87654321;
	v3 =	vunpack.c.l.s4.s8 v3;
	v10 =	vmul.u32 $0x10, v4  }
0x5: {  	v2 =	vunpack.c.0.s8.s32 v2;
	v4 =	vunpack.c.0.s8.s32 v1;
	v1 =	vimm.s32 $0x54321000  }
0x6: {  	v9 =	vimm.s32 $0x7060504;
	vm1 =	vcmask $0x3F08;
	v5 =	vunpack.c.l.s4.s8 v1  }
0x7: {  	s8 =	rddreg [dreg:$0x0];
	vm3 =	vcmask $0x3F30;
	v3 =	vunpack.c.0.s8.s32 v3;
	v2 =	vand.u32 $0xF, v2  }
0x8: {  	s0 =	rddreg [dreg:$0x1];
	s1 =	simm.s32 $0x0;
	v2 =	vcombine.low v4, v2;
	v4 =	vunpack.c.0.s8.s32 v5;
	v5 =	vimm.s32 $0xBA987654  }
0x9: {  	s2 =	srdreg.scid;
	s13 =	simm.s32 $0xA0;
	s14 =	simm.s32 $0x50A0;
	vm2 =	vcmask $0x3F10;
	v3 =	vand.u32 $0xF, v3;
	v5 =	vunpack.c.l.s4.s8 v5  }
0xa: {  	s15 =	simm.s32 $0x1;
	s16 =	simm.s32 $0x2;
	s17 =	simm.s32 $0xC8F0;
	v3 =	vcombine.low v4, v3;
	v4 =	vunpack.c.l.s4.s8 v6;
	v6 =	vunpack.c.l.s2.s4 v7  }
0xb: {  	vm4 =	vcmask $0x3F3C;
	s18 =	simm.s32 $0xA0F0;
	s19 =	simm.s32 $0xA0A0;
	s20 =	simm.s32 $0x0;
	v8 =	vunpack.c.l.s4.s8 v8;
	v7 =	vimm.s32 $0xFFEDCBA9  }
0xc: {  	[smem:$0x7FF] =	sst s1;
	s6 =	sand.u32 $0x1, s2;
	s2 =	stileid.u32;
	v5 =	vunpack.c.0.s8.s32 v5;
	v7 =	vunpack.c.l.s4.s8 v7;
	v6 =	vunpack.c.l.s4.s8 v6  }
0xd: {  	v0 =	vimm.f32 $-Inf;
	s3 =	sadd.s32 $0x15C00, s8;
	s4 =	sadd.s32 $0x65C00, s8;
	s5 =	sshll.u32 s6, $0x4;
	v8 =	vunpack.c.0.s8.s32 v8;
	v4 =	vunpack.c.0.s8.s32 v4  }
0xe: {  	s7 =	sadd.s32 $0xB5C00, s8;
	s11 =	ssub.s32 $0x2, s6;
	s9 =	sor.u32 s2, s5;
	v5 =	vand.u32 $0xF, v5;
	v7 =	vunpack.c.0.s8.s32 v7;
	v6 =	vunpack.c.0.s8.s32 v6  }
0xf: {  	_ =	strace $0x80000047;
	s12 =	sshrl.u32 s11, $0x1;
	v1 =	vor.u32 $0xF, v10;
	s10 =	smul.u32 $0x500, s9;
	v4 =	vcombine.low v4, v5;
	v5 =	vunpack.c.0.s8.s32 v9  }
0x10: {  	s6 =	sadd.s32 $0x2000, s8;
	s5 =	sadd.s32 $0xBE00, s8;
	s11 =	ssub.s32 s11, s12;
	v9 =	vor.u32 $0x30F, v10;
	v7 =	vcombine.low v8, v7;
	v6 =	vand.u32 $0x3, v6  }
0x11: {  	s12 =	simm.s32 $0x50;
	s10 =	sadd.s32 s10, s8;
	s8 =	smul.u32 $0x2710, s9;
	v8 =	vor.u32 $0x20F, v10;
	v5 =	vsel vm3, v5, v6;
	vm3 =	vcmask $0x3F20  }
0x12: {  	s9 =	sadd.s32 $0xBFA00, s10;
	s10 =	smax.u32 s11, $0x1;
	s11 =	simm.s32 $0x3;
	v6 =	vand.u32 $0xF, v7;
	v7 =	vor.u32 $0x10F, v10;
	v10 =	vor.u32 $0x40F, v10  }
.LBB2_1:
0x13: {  	s21 =	simm.s32 $0x40;
	s22 =	simm.s32 $0x0  }
.LBB2_2:
0x14: {  	p0 =	sne.s32 s21, $0x9FC0;
	[tilespmem:s22+$0xA0F0] =	vst v0;
	s22 =	smov.u32 s21;
	s21 =	sadd.s32 $0x40, s21  }
.Ltmp0:
0x15: {  	(pc) =	sbr.rel @p0 .LBB2_2-.Ltmp0, $2  }
0x16: {  	_ =	sdelay $0x2  }
0x17: {  	s22 =	sshra.s32 s22, $0x2  }
0x18: {  	[tilespmem:s22+$0xA0F0] =	vst v0;
	s21 =	simm.s32 $0x0;
	s22 =	simm.s32 $0x0  }
.LBB2_4:
0x19: {  	s23 =	smul.u32 $0x50, s22;
	_ =	sdelay $0x1  }
0x1a: {  	s23 =	sadd.s32 s8, s23  }
0x1b: {  	s23 =	sshrl.u32 s23, $0x3  }
0x1c: {  	s24 =	sadd.s32 s5, s23  }
0x1d: {  	[tilespmem:s21], [sflag:$0x3] =	stream.linear.gather [hbm4b:s24+s21], $0x50, $0x38;
	[tilespmem:$0xCDF0] =	vst v63  }
0x1e: {  	_ =	swait.ge [sflag:s11], $0x50  }
0x1f: {  	[sflag:s11] =	ssyncset.done $0x0  }
0x20: {  	s30 =	sadd.s32 s6, s23;
	[sflag:s11] =	ssyncadd.s32 $0xFFFFFFB0  }
0x21: {  	[tilespmem:s12], [sflag:$0x3] =	stream.linear.gather [hbm4b:s30+s21], $0x50, $0x38;
	[tilespmem:$0xCDF0] =	vst v63  }
0x22: {  	_ =	swait.ge [sflag:s11], $0x50  }
0x23: {  	[sflag:s11] =	ssyncset.done $0x0  }
0x24: {  	[sflag:s11] =	ssyncadd.s32 $0xFFFFFFB0  }
0x25: {  	[tilespmem:s13], [sflag:$0x1] =	stream.indirect.gather [hbm4b:s3+s12], $0x100, s21, s12, $0xb8;
	[tilespmem:$0xCDF0] =	vst v63  }
0x26: {  	_ = 	snop  }
0x27: {  	[tilespmem:s14], [sflag:$0x2] =	stream.indirect.gather [hbm4b:s4+s12], $0x100, s12, s12, $0xb8;
	[tilespmem:$0xCDF0] =	vst v63  }
0x28: {  	_ =	swait.ge [sflag:s15], $0x5000  }
0x29: {  	[sflag:s15] =	ssyncset.done $0x0  }
0x2a: {  	[sflag:s15] =	ssyncadd.s32 $0xFFFFB000  }
0x2b: {  	_ =	swait.ge [sflag:s16], $0x5000  }
0x2c: {  	[sflag:s16] =	ssyncset.done $0x0  }
0x2d: {  	s31 =	simm.s32 $0x0;
	[sflag:s16] =	ssyncadd.s32 $0xFFFFB000  }
0x2e: {  	v11 =	vld [tilespmem:s31+$0x50A0]  }
0x2f: {  	v12 =	vld [tilespmem:s31+$0xA0]  }
0x30: {  	v13 =	vld [tilespmem:s31+$0xB0]  }
0x31: {  	v14 =	vld [tilespmem:s31+$0x50B0]  }
0x32: {  	v15 =	vld [tilespmem:s31+$0xC0]  }
0x33: {  	v16 =	vld [tilespmem:s31+$0x50C0]  }
0x34: {  	v27 =	vld [tilespmem:s31+$0xD0];
	v11 =	vmul.f32 v11, v12  }
0x35: {  	v17 =	vld [tilespmem:s31+$0x50D0]  }
0x36: {  	v28 =	vld [tilespmem:s31+$0xE0];
	v13 =	vmul.f32 v14, v13;
	v11 =	vadd.f32 $0.0e+00, v11  }
0x37: {  	v18 =	vld [tilespmem:s31+$0x50E0]  }
0x38: {  	v30 =	vld [tilespmem:s31+$0xF0];
	v29 =	vmul.f32 v16, v15;
	v11 =	vadd.f32 v13, v11  }
0x39: {  	v31 =	vld [tilespmem:s31+$0x50F0]  }
0x3a: {  	v32 =	vld [tilespmem:s31+$0x100];
	v12 =	vmul.f32 v17, v27;
	v11 =	vadd.f32 v29, v11  }
0x3b: {  	v33 =	vld [tilespmem:s31+$0x5100]  }
0x3c: {  	v35 =	vld [tilespmem:s31+$0x110];
	v34 =	vmul.f32 v18, v28;
	v11 =	vadd.f32 v12, v11  }
0x3d: {  	v36 =	vld [tilespmem:s31+$0x5110]  }
0x3e: {  	v38 =	vld [tilespmem:s31+$0x120];
	v37 =	vmul.f32 v31, v30;
	v11 =	vadd.f32 v34, v11  }
0x3f: {  	v39 =	vld [tilespmem:s31+$0x5120]  }
0x40: {  	v41 =	vld [tilespmem:s31+$0x130];
	v40 =	vmul.f32 v33, v32;
	v11 =	vadd.f32 v37, v11  }
0x41: {  	v42 =	vld [tilespmem:s31+$0x5130]  }
0x42: {  	v44 =	vld [tilespmem:s31+$0x140];
	v43 =	vmul.f32 v36, v35;
	v11 =	vadd.f32 v40, v11  }
0x43: {  	v45 =	vld [tilespmem:s31+$0x5140]  }
0x44: {  	v47 =	vld [tilespmem:s31+$0x150];
	v46 =	vmul.f32 v39, v38;
	v11 =	vadd.f32 v43, v11  }
0x45: {  	v48 =	vld [tilespmem:s31+$0x5150]  }
0x46: {  	v50 =	vld [tilespmem:s31+$0x160];
	v49 =	vmul.f32 v42, v41;
	v11 =	vadd.f32 v46, v11  }
0x47: {  	v51 =	vld [tilespmem:s31+$0x5160]  }
0x48: {  	v53 =	vld [tilespmem:s31+$0x170];
	v52 =	vmul.f32 v45, v44;
	v11 =	vadd.f32 v49, v11  }
0x49: {  	v54 =	vld [tilespmem:s31+$0x5170]  }
0x4a: {  	v56 =	vld [tilespmem:s31+$0x180];
	v55 =	vmul.f32 v48, v47;
	v11 =	vadd.f32 v52, v11  }
0x4b: {  	v57 =	vld [tilespmem:s31+$0x5180]  }
0x4c: {  	v59 =	vld [tilespmem:s31+$0x190];
	v58 =	vmul.f32 v51, v50;
	v11 =	vadd.f32 v55, v11  }
0x4d: {  	v60 =	vld [tilespmem:s31+$0x5190]  }
0x4e: {  	v61 =	vmul.f32 v54, v53;
	v11 =	vadd.f32 v58, v11;
	_ =	sdelay $0x1  }
0x4f: {  	v62 =	vmul.f32 v57, v56;
	v11 =	vadd.f32 v61, v11;
	_ =	sdelay $0x1  }
0x50: {  	v63 =	vmul.f32 v60, v59;
	v11 =	vadd.f32 v62, v11;
	_ =	sdelay $0x1  }
0x51: {  	v11 =	vadd.f32 v63, v11;
	_ =	sdelay $0x1  }
0x52: {  	(xrf2) =	vadd.scan.msk.f32 $0xffff, v11;
	_ =	sdelay $0x9  }
0x53: {  	s24 =	simm.s32 $0xC8F0;
	v11, _, _ =	vpop (xrf2)  }
0x54: {  	s25 =	simm.s32 $0x100;
	[tilespmem:s24+$0x0] =	vst v11  }
0x55: {  	s26 =	simm.s32 $0x800;
	v11 =	vld [tilespmem:s25+$0x50A0]  }
.LBB2_5:
0x56: {  	p0 =	sne.s32 s26, $0x13C00;
	v12 =	vld [tilespmem:s25+$0xA0]  }
0x57: {  	v13 =	vld [tilespmem:s25+$0xB0]  }
0x58: {  	v14 =	vld [tilespmem:s25+$0x50B0]  }
0x59: {  	v15 =	vld [tilespmem:s25+$0xC0]  }
0x5a: {  	v16 =	vld [tilespmem:s25+$0x50C0]  }
0x5b: {  	v11 =	vmul.f32 v11, v12;
	v12 =	vld [tilespmem:s25+$0xD0]  }
0x5c: {  	v17 =	vld [tilespmem:s25+$0x50D0]  }
0x5d: {  	v11 =	vadd.f32 $0.0e+00, v11;
	v13 =	vmul.f32 v14, v13;
	v14 =	vld [tilespmem:s25+$0xE0]  }
0x5e: {  	v18 =	vld [tilespmem:s25+$0x50E0]  }
0x5f: {  	v11 =	vadd.f32 v13, v11;
	v13 =	vmul.f32 v16, v15;
	v15 =	vld [tilespmem:s25+$0xF0]  }
0x60: {  	v16 =	vld [tilespmem:s25+$0x50F0]  }
0x61: {  	v11 =	vadd.f32 v13, v11;
	v12 =	vmul.f32 v17, v12;
	v13 =	vld [tilespmem:s25+$0x100]  }
0x62: {  	v17 =	vld [tilespmem:s25+$0x5100]  }
0x63: {  	v11 =	vadd.f32 v12, v11;
	v12 =	vmul.f32 v18, v14;
	v14 =	vld [tilespmem:s25+$0x110]  }
0x64: {  	v18 =	vld [tilespmem:s25+$0x5110]  }
0x65: {  	v11 =	vadd.f32 v12, v11;
	v12 =	vmul.f32 v16, v15;
	v15 =	vld [tilespmem:s25+$0x120]  }
0x66: {  	v16 =	vld [tilespmem:s25+$0x5120]  }
0x67: {  	v11 =	vadd.f32 v12, v11;
	v12 =	vmul.f32 v17, v13;
	v13 =	vld [tilespmem:s25+$0x130]  }
0x68: {  	v17 =	vld [tilespmem:s25+$0x5130]  }
0x69: {  	v11 =	vadd.f32 v12, v11;
	v12 =	vmul.f32 v18, v14;
	v14 =	vld [tilespmem:s25+$0x140]  }
0x6a: {  	v18 =	vld [tilespmem:s25+$0x5140]  }
0x6b: {  	v11 =	vadd.f32 v12, v11;
	v12 =	vmul.f32 v16, v15;
	v15 =	vld [tilespmem:s25+$0x150]  }
0x6c: {  	v16 =	vld [tilespmem:s25+$0x5150]  }
0x6d: {  	v11 =	vadd.f32 v12, v11;
	v12 =	vmul.f32 v17, v13;
	v13 =	vld [tilespmem:s25+$0x160]  }
0x6e: {  	v17 =	vld [tilespmem:s25+$0x5160]  }
0x6f: {  	v11 =	vadd.f32 v12, v11;
	v12 =	vmul.f32 v18, v14;
	v14 =	vld [tilespmem:s25+$0x170]  }
0x70: {  	v18 =	vld [tilespmem:s25+$0x5170]  }
0x71: {  	v11 =	vadd.f32 v12, v11;
	v12 =	vmul.f32 v16, v15;
	v15 =	vld [tilespmem:s25+$0x180]  }
0x72: {  	v16 =	vld [tilespmem:s25+$0x5180]  }
0x73: {  	v11 =	vadd.f32 v12, v11;
	v12 =	vmul.f32 v17, v13;
	v13 =	vld [tilespmem:s25+$0x190]  }
0x74: {  	v17 =	vld [tilespmem:s25+$0x5190]  }
0x75: {  	v11 =	vadd.f32 v12, v11;
	v12 =	vmul.f32 v18, v14;
	_ =	sdelay $0x1  }
0x76: {  	v11 =	vadd.f32 v12, v11;
	v12 =	vmul.f32 v16, v15;
	_ =	sdelay $0x1  }
0x77: {  	v11 =	vadd.f32 v12, v11;
	v12 =	vmul.f32 v17, v13;
	_ =	sdelay $0x1  }
0x78: {  	v11 =	vadd.f32 v12, v11;
	_ =	sdelay $0x1  }
0x79: {  	(xrf2) =	vadd.scan.msk.f32 $0xffff, v11;
	_ =	sdelay $0x7  }
.Ltmp1:
0x7a: {  	(pc) =	sbr.rel @p0 .LBB2_5-.Ltmp1, $4  }
0x7b: {  	_ = 	snop  }
0x7c: {  	s24 =	sadd.s32 $0x10, s24;
	v11, _, _ =	vpop (xrf2)  }
0x7d: {  	s25 =	sshra.s32 s26, $0x2;
	[tilespmem:s24+$0x0] =	vst v11  }
0x7e: {  	s26 =	sadd.s32 $0x400, s26;
	v11 =	vld [tilespmem:s25+$0x50A0]  }
0x7f: {  	v12 =	vld [tilespmem:s25+$0xA0]  }
0x80: {  	v13 =	vld [tilespmem:s25+$0xB0]  }
0x81: {  	v14 =	vld [tilespmem:s25+$0x50B0]  }
0x82: {  	v15 =	vld [tilespmem:s25+$0xC0]  }
0x83: {  	v16 =	vld [tilespmem:s25+$0x50C0]  }
0x84: {  	v40 =	vld [tilespmem:s25+$0xD0];
	v11 =	vmul.f32 v11, v12  }
0x85: {  	v17 =	vld [tilespmem:s25+$0x50D0]  }
0x86: {  	v41 =	vld [tilespmem:s25+$0xE0];
	v13 =	vmul.f32 v14, v13;
	v11 =	vadd.f32 $0.0e+00, v11  }
0x87: {  	v18 =	vld [tilespmem:s25+$0x50E0]  }
0x88: {  	v43 =	vld [tilespmem:s25+$0xF0];
	v42 =	vmul.f32 v16, v15;
	v11 =	vadd.f32 v13, v11  }
0x89: {  	v44 =	vld [tilespmem:s25+$0x50F0]  }
0x8a: {  	v45 =	vld [tilespmem:s25+$0x100];
	v12 =	vmul.f32 v17, v40;
	v11 =	vadd.f32 v42, v11  }
0x8b: {  	v46 =	vld [tilespmem:s25+$0x5100]  }
0x8c: {  	v48 =	vld [tilespmem:s25+$0x110];
	v47 =	vmul.f32 v18, v41;
	v11 =	vadd.f32 v12, v11  }
0x8d: {  	v49 =	vld [tilespmem:s25+$0x5110]  }
0x8e: {  	v51 =	vld [tilespmem:s25+$0x120];
	v50 =	vmul.f32 v44, v43;
	v11 =	vadd.f32 v47, v11  }
0x8f: {  	v52 =	vld [tilespmem:s25+$0x5120]  }
0x90: {  	v54 =	vld [tilespmem:s25+$0x130];
	v53 =	vmul.f32 v46, v45;
	v11 =	vadd.f32 v50, v11  }
0x91: {  	v55 =	vld [tilespmem:s25+$0x5130]  }
0x92: {  	v57 =	vld [tilespmem:s25+$0x140];
	v56 =	vmul.f32 v49, v48;
	v11 =	vadd.f32 v53, v11  }
0x93: {  	v58 =	vld [tilespmem:s25+$0x5140]  }
0x94: {  	v60 =	vld [tilespmem:s25+$0x150];
	v59 =	vmul.f32 v52, v51;
	v11 =	vadd.f32 v56, v11  }
0x95: {  	v61 =	vld [tilespmem:s25+$0x5150]  }
0x96: {  	v63 =	vld [tilespmem:s25+$0x160];
	v62 =	vmul.f32 v55, v54;
	v11 =	vadd.f32 v59, v11  }
0x97: {  	v21 =	vld [tilespmem:s25+$0x5160]  }
0x98: {  	v23 =	vld [tilespmem:s25+$0x170];
	v22 =	vmul.f32 v58, v57;
	v11 =	vadd.f32 v62, v11  }
0x99: {  	v24 =	vld [tilespmem:s25+$0x5170]  }
0x9a: {  	v26 =	vld [tilespmem:s25+$0x180];
	v25 =	vmul.f32 v61, v60;
	v11 =	vadd.f32 v22, v11  }
0x9b: {  	v27 =	vld [tilespmem:s25+$0x5180]  }
0x9c: {  	v29 =	vld [tilespmem:s25+$0x190];
	v28 =	vmul.f32 v21, v63;
	v11 =	vadd.f32 v25, v11  }
0x9d: {  	v30 =	vld [tilespmem:s25+$0x5190]  }
0x9e: {  	v31 =	vmul.f32 v24, v23;
	v11 =	vadd.f32 v28, v11;
	_ =	sdelay $0x1  }
0x9f: {  	v32 =	vmul.f32 v27, v26;
	v11 =	vadd.f32 v31, v11;
	_ =	sdelay $0x1  }
0xa0: {  	v33 =	vmul.f32 v30, v29;
	v11 =	vadd.f32 v32, v11;
	_ =	sdelay $0x1  }
0xa1: {  	v11 =	vadd.f32 v33, v11;
	_ =	sdelay $0x1  }
0xa2: {  	(xrf2) =	vadd.scan.msk.f32 $0xffff, v11;
	_ =	sdelay $0x9  }
0xa3: {  	s24 =	sadd.s32 $0x10, s24;
	v11, _, _ =	vpop (xrf2)  }
0xa4: {  	[tilespmem:s24+$0x0] =	vst v11  }
0xa5: {  	v11 =	vld.idx.msk [tilespmem:v1+s17+$0x0], $0xffff;
	_ =	sdelay $0x1  }
0xa6: {  	v34 =	vld [tilespmem:$0x50];
	_ =	sdelay $0x2  }
0xa7: {  	v35 =	vmul.f32 $2.000000030e-01, v11  }
0xa8: {  	vm5 =	vgt.f32 v11, $0.0e+00  }
0xa9: {  	v12 =	vxor.u32 $0x80000000, v34;
	v11 =	vsel vm5, v11, v35  }
0xaa: {  	(xrf1) =	vsort.ascd.msk.u32 $0xffff, v12, v11;
	_ =	sdelay $0xd  }
0xab: {  	v12, v36, _ =	vpop (xrf1)  }
0xac: {  	v12 =	vxor.u32 $0x80000000, v12  }
0xad: {  	v37 =	vperm.xlane v12, v2  }
0xae: {  	v38 =	vperm.xlane v36, v2  }
0xaf: {  	vm5 =	veq.s32 v37, v12  }
0xb0: {  	v39 =	vmax.f32 v36, v38;
	vm5 =	vmand vm5, vm0  }
0xb1: {  	v40 =	vperm.xlane v12, v3;
	v13 =	vsel vm5, v39, v36  }
0xb2: {  	v41 =	vperm.xlane v13, v3  }
0xb3: {  	vm5 =	veq.s32 v40, v12  }
0xb4: {  	vm5 =	vmand vm5, vm1;
	v42 =	vmax.f32 v13, v41  }
0xb5: {  	v43 =	vperm.xlane v12, v4;
	v13 =	vsel vm5, v42, v13  }
0xb6: {  	v45 =	vperm.xlane v12, v6;
	v44 =	vperm.xlane v13, v4  }
0xb7: {  	vm5 =	veq.s32 v43, v12  }
0xb8: {  	[tilespmem:$0xA0A0] =	vst v11;
	vm6 =	vne.s32 v45, v12;
	vm5 =	vmand vm5, vm2;
	v11 =	vmax.f32 v13, v44  }
0xb9: {  	v46 =	vperm.xlane v12, v5;
	v47 =	vld.idx.msk [tilespmem:v12+s18+$0x0], $0xffff;
	v11 =	vsel vm5, v11, v13;
	vm5 =	vmor vm6, vm4  }
0xba: {  	v48 =	vperm.xlane v11, v5  }
0xbb: {  	vm6 =	veq.s32 v46, v12  }
0xbc: {  	vm6 =	vmand vm6, vm3;
	v49 =	vmax.f32 v11, v48  }
0xbd: {  	v11 =	vsel vm6, v49, v11  }
0xbe: {  	v11 =	vmax.f32 v47, v11  }
0xbf: {  	[tilespmem:v12+s18+$0x0] =	vst.idx.msk vm5, v11  }
0xc0: {  	v11 =	vld.idx.msk [tilespmem:v7+s17+$0x0], $0xffff;
	_ =	sdelay $0x1  }
0xc1: {  	v12 =	vld [tilespmem:$0x60];
	_ =	sdelay $0x2  }
0xc2: {  	v50 =	vmul.f32 $2.000000030e-01, v11  }
0xc3: {  	vm5 =	vgt.f32 v11, $0.0e+00  }
0xc4: {  	v12 =	vxor.u32 $0x80000000, v12;
	v11 =	vsel vm5, v11, v50  }
0xc5: {  	(xrf1) =	vsort.ascd.msk.u32 $0xffff, v12, v11;
	_ =	sdelay $0xd  }
0xc6: {  	v12, v51, _ =	vpop (xrf1)  }
0xc7: {  	v12 =	vxor.u32 $0x80000000, v12  }
0xc8: {  	v52 =	vperm.xlane v12, v2  }
0xc9: {  	v53 =	vperm.xlane v51, v2  }
0xca: {  	vm5 =	veq.s32 v52, v12  }
0xcb: {  	v54 =	vmax.f32 v51, v53;
	vm5 =	vmand vm5, vm0  }
0xcc: {  	v55 =	vperm.xlane v12, v3;
	v13 =	vsel vm5, v54, v51  }
0xcd: {  	v56 =	vperm.xlane v13, v3  }
0xce: {  	vm5 =	veq.s32 v55, v12  }
0xcf: {  	vm5 =	vmand vm5, vm1;
	v57 =	vmax.f32 v13, v56  }
0xd0: {  	v58 =	vperm.xlane v12, v4;
	v13 =	vsel vm5, v57, v13  }
0xd1: {  	v60 =	vperm.xlane v12, v6;
	v59 =	vperm.xlane v13, v4  }
0xd2: {  	vm5 =	veq.s32 v58, v12  }
0xd3: {  	[tilespmem:$0xA0B0] =	vst v11;
	vm6 =	vne.s32 v60, v12;
	vm5 =	vmand vm5, vm2;
	v11 =	vmax.f32 v13, v59  }
0xd4: {  	v61 =	vperm.xlane v12, v5;
	v62 =	vld.idx.msk [tilespmem:v12+s18+$0x0], $0xffff;
	v11 =	vsel vm5, v11, v13;
	vm5 =	vmor vm6, vm4  }
0xd5: {  	v63 =	vperm.xlane v11, v5  }
0xd6: {  	vm6 =	veq.s32 v61, v12  }
0xd7: {  	vm6 =	vmand vm6, vm3;
	v18 =	vmax.f32 v11, v63  }
0xd8: {  	v11 =	vsel vm6, v18, v11  }
0xd9: {  	v11 =	vmax.f32 v62, v11  }
0xda: {  	[tilespmem:v12+s18+$0x0] =	vst.idx.msk vm5, v11  }
0xdb: {  	v11 =	vld.idx.msk [tilespmem:v8+s17+$0x0], $0xffff;
	_ =	sdelay $0x1  }
0xdc: {  	v12 =	vld [tilespmem:$0x70];
	_ =	sdelay $0x2  }
0xdd: {  	v19 =	vmul.f32 $2.000000030e-01, v11  }
0xde: {  	vm5 =	vgt.f32 v11, $0.0e+00  }
0xdf: {  	v12 =	vxor.u32 $0x80000000, v12;
	v11 =	vsel vm5, v11, v19  }
0xe0: {  	(xrf1) =	vsort.ascd.msk.u32 $0xffff, v12, v11;
	_ =	sdelay $0xd  }
0xe1: {  	v12, v20, _ =	vpop (xrf1)  }
0xe2: {  	v12 =	vxor.u32 $0x80000000, v12  }
0xe3: {  	v21 =	vperm.xlane v12, v2  }
0xe4: {  	v22 =	vperm.xlane v20, v2  }
0xe5: {  	vm5 =	veq.s32 v21, v12  }
0xe6: {  	v23 =	vmax.f32 v20, v22;
	vm5 =	vmand vm5, vm0  }
0xe7: {  	v24 =	vperm.xlane v12, v3;
	v13 =	vsel vm5, v23, v20  }
0xe8: {  	v25 =	vperm.xlane v13, v3  }
0xe9: {  	vm5 =	veq.s32 v24, v12  }
0xea: {  	vm5 =	vmand vm5, vm1;
	v26 =	vmax.f32 v13, v25  }
0xeb: {  	v27 =	vperm.xlane v12, v4;
	v13 =	vsel vm5, v26, v13  }
0xec: {  	v29 =	vperm.xlane v12, v6;
	v28 =	vperm.xlane v13, v4  }
0xed: {  	vm5 =	veq.s32 v27, v12  }
0xee: {  	[tilespmem:$0xA0C0] =	vst v11;
	vm6 =	vne.s32 v29, v12;
	vm5 =	vmand vm5, vm2;
	v11 =	vmax.f32 v13, v28  }
0xef: {  	v30 =	vperm.xlane v12, v5;
	v31 =	vld.idx.msk [tilespmem:v12+s18+$0x0], $0xffff;
	v11 =	vsel vm5, v11, v13;
	vm5 =	vmor vm6, vm4  }
0xf0: {  	v32 =	vperm.xlane v11, v5  }
0xf1: {  	vm6 =	veq.s32 v30, v12  }
0xf2: {  	vm6 =	vmand vm6, vm3;
	v33 =	vmax.f32 v11, v32  }
0xf3: {  	v11 =	vsel vm6, v33, v11  }
0xf4: {  	v11 =	vmax.f32 v31, v11  }
0xf5: {  	[tilespmem:v12+s18+$0x0] =	vst.idx.msk vm5, v11  }
0xf6: {  	v11 =	vld.idx.msk [tilespmem:v9+s17+$0x0], $0xffff;
	_ =	sdelay $0x1  }
0xf7: {  	v12 =	vld [tilespmem:$0x80];
	_ =	sdelay $0x2  }
0xf8: {  	v34 =	vmul.f32 $2.000000030e-01, v11  }
0xf9: {  	vm5 =	vgt.f32 v11, $0.0e+00  }
0xfa: {  	v12 =	vxor.u32 $0x80000000, v12;
	v11 =	vsel vm5, v11, v34  }
0xfb: {  	(xrf1) =	vsort.ascd.msk.u32 $0xffff, v12, v11;
	_ =	sdelay $0xd  }
0xfc: {  	v12, v35, _ =	vpop (xrf1)  }
0xfd: {  	v12 =	vxor.u32 $0x80000000, v12  }
0xfe: {  	v36 =	vperm.xlane v12, v2  }
0xff: {  	v37 =	vperm.xlane v35, v2  }
0x100: {  	vm5 =	veq.s32 v36, v12  }
0x101: {  	v38 =	vmax.f32 v35, v37;
	vm5 =	vmand vm5, vm0  }
0x102: {  	v39 =	vperm.xlane v12, v3;
	v13 =	vsel vm5, v38, v35  }
0x103: {  	v40 =	vperm.xlane v13, v3  }
0x104: {  	vm5 =	veq.s32 v39, v12  }
0x105: {  	vm5 =	vmand vm5, vm1;
	v41 =	vmax.f32 v13, v40  }
0x106: {  	v42 =	vperm.xlane v12, v4;
	v13 =	vsel vm5, v41, v13  }
0x107: {  	v44 =	vperm.xlane v12, v6;
	v43 =	vperm.xlane v13, v4  }
0x108: {  	vm5 =	veq.s32 v42, v12  }
0x109: {  	[tilespmem:$0xA0D0] =	vst v11;
	vm6 =	vne.s32 v44, v12;
	vm5 =	vmand vm5, vm2;
	v11 =	vmax.f32 v13, v43  }
0x10a: {  	v45 =	vperm.xlane v12, v5;
	v46 =	vld.idx.msk [tilespmem:v12+s18+$0x0], $0xffff;
	v11 =	vsel vm5, v11, v13;
	vm5 =	vmor vm6, vm4  }
0x10b: {  	v47 =	vperm.xlane v11, v5  }
0x10c: {  	vm6 =	veq.s32 v45, v12  }
0x10d: {  	vm6 =	vmand vm6, vm3;
	v48 =	vmax.f32 v11, v47  }
0x10e: {  	v11 =	vsel vm6, v48, v11  }
0x10f: {  	v11 =	vmax.f32 v46, v11  }
0x110: {  	[tilespmem:v12+s18+$0x0] =	vst.idx.msk vm5, v11  }
0x111: {  	v11 =	vld.idx.msk [tilespmem:v10+s17+$0x0], $0xffff;
	_ =	sdelay $0x1  }
0x112: {  	v12 =	vld [tilespmem:$0x90];
	_ =	sdelay $0x2  }
0x113: {  	v49 =	vmul.f32 $2.000000030e-01, v11  }
0x114: {  	vm5 =	vgt.f32 v11, $0.0e+00  }
0x115: {  	v12 =	vxor.u32 $0x80000000, v12;
	v11 =	vsel vm5, v11, v49  }
0x116: {  	(xrf1) =	vsort.ascd.msk.u32 $0xffff, v12, v11;
	_ =	sdelay $0xd  }
0x117: {  	v12, v50, _ =	vpop (xrf1)  }
0x118: {  	v12 =	vxor.u32 $0x80000000, v12  }
0x119: {  	v51 =	vperm.xlane v12, v2  }
0x11a: {  	v52 =	vperm.xlane v50, v2  }
0x11b: {  	vm5 =	veq.s32 v51, v12  }
0x11c: {  	v53 =	vmax.f32 v50, v52;
	vm5 =	vmand vm5, vm0  }
0x11d: {  	v54 =	vperm.xlane v12, v3;
	v13 =	vsel vm5, v53, v50  }
0x11e: {  	v55 =	vperm.xlane v13, v3  }
0x11f: {  	vm5 =	veq.s32 v54, v12  }
0x120: {  	vm5 =	vmand vm5, vm1;
	v56 =	vmax.f32 v13, v55  }
0x121: {  	v57 =	vperm.xlane v12, v4;
	v13 =	vsel vm5, v56, v13  }
0x122: {  	v59 =	vperm.xlane v12, v6;
	v58 =	vperm.xlane v13, v4  }
0x123: {  	vm5 =	veq.s32 v57, v12  }
0x124: {  	[tilespmem:$0xA0E0] =	vst v11;
	vm6 =	vne.s32 v59, v12;
	vm5 =	vmand vm5, vm2;
	v11 =	vmax.f32 v13, v58  }
0x125: {  	v60 =	vperm.xlane v12, v5;
	v61 =	vld.idx.msk [tilespmem:v12+s18+$0x0], $0xffff;
	v11 =	vsel vm5, v11, v13;
	vm5 =	vmor vm6, vm4  }
0x126: {  	v62 =	vperm.xlane v11, v5  }
0x127: {  	vm6 =	veq.s32 v60, v12  }
0x128: {  	vm6 =	vmand vm6, vm3;
	v63 =	vmax.f32 v11, v62  }
0x129: {  	s22 =	sadd.s32 $0x1, s22;
	v11 =	vsel vm6, v63, v11  }
0x12a: {  	p0 =	sne.s32 s22, $0x7D;
	v11 =	vmax.f32 v61, v11  }
.Ltmp2:
0x12b: {  	s23 =	sadd.s32 s7, s23;
	[tilespmem:v12+s18+$0x0] =	vst.idx.msk vm5, v11;
	(pc) =	sbr.rel @p0 .LBB2_4-.Ltmp2, $4  }
0x12c: {  	[hbm4b:s23+s1] =	stream.linear.scatter [tilespmem:s19], [sflag:$0x3], $0x50, $0x38;
	[tilespmem:$0xCDF0] =	vst v63  }
0x12d: {  	_ =	swait.ge [sflag:s11], $0x50  }
0x12e: {  	[sflag:s11] =	ssyncset.done $0x0  }
0x12f: {  	[sflag:s11] =	ssyncadd.s32 $0xFFFFFFB0  }
0x130: {  	s20 =	sadd.s32 $0x1, s20  }
0x131: {  	p0 =	sne.s32 s20, s10  }
.Ltmp3:
0x132: {  	_ = 	snop;
	(pc) =	sbr.rel @p0 .LBB2_1-.Ltmp3, $4  }
0x133: {  	[hbm4b:s9+s1] =	stream.linear.scatter [tilespmem:s18], [sflag:$0x3], $0x2800, $0x38;
	[tilespmem:$0xCDF0] =	vst v63  }
0x134: {  	_ =	swait.ge [sflag:s11], $0x2800  }
0x135: {  	[sflag:s11] =	ssyncset.done $0x0  }
0x136: {  	[sflag:s11] =	ssyncadd.s32 $0xFFFFD800  }
0x137: {  	_ =	sfence.sel $0x180000  }
0x138: {  	[bflag:$0x0] =	sbarrier.arrive $0xFFFF  }
0x139: {  	p0 =	sne.s32 s2, $0x0;
	_ =	strace $0x90000047  }
0x13a: {  	s0 =	sadd.s32 @!p0 $0x100000, s0;
	[bflag:$0x2] =	sbarrier.arrive $0xFFFF  }
0x13b: {  	[sflag:s0] =	ssyncadd.tile.s32 @!p0 $0x1;
	_ =	shalt  }
.Lfunc_end2:
_tile_overlayer_lowered:
.L_overlay_start_2:
0x13c: {  	(tag) =	ssettag $0x2  }
0x13d: {  	s0 =	rddreg [dreg:$0x0];
	s2 =	stileid.u32  }
0x13e: {  	s1 =	rddreg [dreg:$0x1];
	p0 =	sne.s32 s2, $0x0  }
0x13f: {  	s3 =	rddreg [dreg:$0x2];
	[bflag:$0x3] =	sbarrier.arrive $0xFFFF;
	s2 =	simm.s32 @!p0 $0x1C03  }
0x140: {  	[timem:s3], [sflag:s2] =	dma.local @!p0 [hbm:s0], s1  }
0x141: {  	s0 =	simm.s32 @!p0 $0x3  }
0x142: {  	_ =	swait.ge @!p0 [sflag:s0], s1  }
0x143: {  	s1 =	ssub.s32 @!p0 $0x0, s1;
	[sflag:s0] =	ssyncset.done @!p0 $0x0  }
0x144: {  	[sflag:s0] =	ssyncadd.s32 @!p0 s1  }
0x145: {  	[bflag:$0x3] =	sbarrier.arrive $0xFFFF  }
0x146: {  	_ =	shalt  }

// kernel: kernel.9.cloned.1.call-start
scs
__scs_entry_jumppad:
0x0: {  	(pc) =	sbr.rel $0x88, $3  }
0x1: {  	(tag) =	ssettag $0x0;
	lr =	simm.s32 $0x1  }
0x2: {  	[smem:$0x3F9C] =	sst lr;
	_ =	strace $0xD0000000  }
0x3: {  	_ = 	snop  }
0x4: {  	_ = 	snop  }
0x5: {  	_ = 	snop  }
0x6: {  	_ = 	snop  }
0x7: {  	_ = 	snop  }
__scs_overlays_trampoline_lowered:
0x8: {  	[smem:$0x3FAB] =	sst s0  }
0x9: {  	[smem:$0x3FAC] =	sst s1  }
0xa: {  	[smem:$0x3FAD] =	sst s2  }
0xb: {  	[smem:$0x3FAE] =	sst s3  }
0xc: {  	[smem:$0x3FAF] =	sst s4  }
0xd: {  	[smem:$0x3FB0] =	sst s5  }
0xe: {  	[smem:$0x3FB1] =	sst s6  }
0xf: {  	[smem:$0x3FB2] =	sst s7  }
0x10: {  	[smem:$0x3FB3] =	sst s8  }
0x11: {  	[smem:$0x3FB4] =	sst s9;
	s0 =	simm.s32 @!p0 $0x0  }
0x12: {  	s1 =	sld [smem:$0x3F9A];
	s0 =	simm.s32 @p0 $0x1  }
0x13: {  	[smem:$0x3FB5] =	sst s0;
	s0 =	simm.s32 @!p1 $0x0  }
0x14: {  	s2 =	sld [smem:$0x3F99];
	s0 =	simm.s32 @p1 $0x1  }
0x15: {  	[smem:$0x3FB6] =	sst s0;
	s0 =	simm.s32 @!p2 $0x0  }
0x16: {  	s3 =	sld [smem:$0x3FDB];
	s0 =	simm.s32 @p2 $0x1  }
0x17: {  	s4 =	simm.s32 $0x1BF5;
	[smem:$0x3FB8] =	sst s0  }
0x18: {  	s0 =	sld [smem:$0x3F9B];
	_ =	swait.ge [sflag:s4], $0x0  }
0x19: {  	s7 =	sld [smem:$0x3F9C]  }
0x1a: {  	s8 =	sadd.s32 $0xFFFFE003, lr  }
0x1b: {  	s9 =	sadd.s32 $0xFFFFFEF7, lr;
	s5 =	simm.s32 $0xFFFFFFFF;
	p2 =	slt.u32 s8, $0xFFFFF086  }
0x1c: {  	p1 =	slt.u32 s9, $0xF7A;
	s5 =	simm.s32 @!p2 $0x0  }
0x1d: {  	s5 =	simm.s32 @p1 $0x1;
	p0 =	seq.s32 s7, s2  }
0x1e: {  	s7 =	smul.u32 @!p0 $0xF7A, s2;
	p2 =	seq.s32 @!p0 s5, $0x0  }
0x1f: {  	s9 =	smul.u32 $0xF7A, s1;
	s8 =	simm.s32 @!p0 $0x1BF5;
	p2 =	por !p2, p0  }
0x20: {  	[sflag:s8] =	ssyncset.s32 @!p0 $0xFFFFF086;
	s6 =	sadd.s32 @!p0 s3, s7;
	s7 =	simm.s32 @!p0 $0x108  }
0x21: {  	s3 =	sadd.s32 s3, s9;
	s6 =	sadd.s32 @!p0 $0x88, s6;
	s7 =	simm.s32 @p2 $0x1082  }
0x22: {  	[simem:s7], [sflag:s8] =	dma.local @!p0 [hbm:s6], $0xF7A  }
0x23: {  	s9 =	sor.u32 $0xD0000000, s2;
	s6 =	simm.s32 $0x108;
	_ =	swait.ge @!p0 [sflag:s8], $0x0  }
0x24: {  	s3 =	sadd.s32 $0x88, s3;
	s6 =	simm.s32 @!p1 $0x1082;
	[sflag:s4] =	ssyncset.s32 $0xFFFFF086  }
0x25: {  	[simem:s6], [sflag:s4] =	dma.local [hbm:s3], $0xF7A  }
0x26: {  	[smem:$0x3F9C] =	sst s1;
	(tag) =	ssettag s2;
	_ =	strace s9  }
0x27: {  	s1 =	sld [smem:$0x3FAC]  }
0x28: {  	s2 =	sld [smem:$0x3FAD]  }
0x29: {  	s4 =	sld [smem:$0x3FAF]  }
0x2a: {  	p0 =	seq.s32 s5, $0x0;
	s5 =	sld [smem:$0x3FB0]  }
0x2b: {  	s6 =	sld [smem:$0x3FB1]  }
0x2c: {  	s7 =	sld [smem:$0x3FB2]  }
0x2d: {  	s3 =	simm.s32 $0x108;
	s8 =	sld [smem:$0x3FB3]  }
0x2e: {  	s3 =	simm.s32 @!p0 $0x1082;
	s9 =	sld [smem:$0x3FB4]  }
0x2f: {  	lr =	sadd.s32 s0, s3;
	s0 =	sld [smem:$0x3FAB]  }
0x30: {  	s3 =	sld [smem:$0x3FAE]  }
0x31: {  	[smem:$0x3FB7] =	sst s10  }
0x32: {  	s10 =	sld [smem:$0x3FB5];
	_ =	sdelay $0x3  }
0x33: {  	p0 =	seq.s32 s10, $0x1;
	s10 =	sld [smem:$0x3FB7];
	_ =	sdelay $0x3  }
0x34: {  	[smem:$0x3FB7] =	sst s10  }
0x35: {  	s10 =	sld [smem:$0x3FB6];
	_ =	sdelay $0x3  }
0x36: {  	p1 =	seq.s32 s10, $0x1;
	s10 =	sld [smem:$0x3FB7];
	_ =	sdelay $0x3  }
0x37: {  	[smem:$0x3FB7] =	sst s10  }
0x38: {  	s10 =	sld [smem:$0x3FB8]  }
0x39: {  	_ = 	snop;
	(pc) =	sbr.ind lr, $3  }
0x3a: {  	_ = 	snop  }
0x3b: {  	_ = 	snop  }
0x3c: {  	p2 =	seq.s32 s10, $0x1;
	s10 =	sld [smem:$0x3FB7]  }
0x3d: {  	_ =	shalt  }
0x3e: {  	_ =	shalt  }
0x3f: {  	_ =	shalt  }
0x40: {  	_ =	shalt  }
0x41: {  	_ =	shalt  }
0x42: {  	_ =	shalt  }
0x43: {  	_ =	shalt  }
0x44: {  	_ =	shalt  }
0x45: {  	_ =	shalt  }
0x46: {  	_ =	shalt  }
0x47: {  	_ =	shalt  }
0x48: {  	_ =	shalt  }
0x49: {  	_ =	shalt  }
0x4a: {  	_ =	shalt  }
0x4b: {  	_ =	shalt  }
0x4c: {  	_ =	shalt  }
0x4d: {  	_ =	shalt  }
0x4e: {  	_ =	shalt  }
0x4f: {  	_ =	shalt  }
0x50: {  	_ =	shalt  }
0x51: {  	_ =	shalt  }
0x52: {  	_ =	shalt  }
0x53: {  	_ =	shalt  }
0x54: {  	_ =	shalt  }
0x55: {  	_ =	shalt  }
0x56: {  	_ =	shalt  }
0x57: {  	_ =	shalt  }
0x58: {  	_ =	shalt  }
0x59: {  	_ =	shalt  }
0x5a: {  	_ =	shalt  }
0x5b: {  	_ =	shalt  }
0x5c: {  	_ =	shalt  }
0x5d: {  	_ =	shalt  }
0x5e: {  	_ =	shalt  }
0x5f: {  	_ =	shalt  }
0x60: {  	_ =	shalt  }
0x61: {  	_ =	shalt  }
0x62: {  	_ =	shalt  }
0x63: {  	_ =	shalt  }
0x64: {  	_ =	shalt  }
0x65: {  	_ =	shalt  }
0x66: {  	_ =	shalt  }
0x67: {  	_ =	shalt  }
0x68: {  	_ =	shalt  }
0x69: {  	_ =	shalt  }
0x6a: {  	_ =	shalt  }
0x6b: {  	_ =	shalt  }
0x6c: {  	_ =	shalt  }
0x6d: {  	_ =	shalt  }
0x6e: {  	_ =	shalt  }
0x6f: {  	_ =	shalt  }
0x70: {  	_ =	shalt  }
0x71: {  	_ =	shalt  }
0x72: {  	_ =	shalt  }
0x73: {  	_ =	shalt  }
0x74: {  	_ =	shalt  }
0x75: {  	_ =	shalt  }
0x76: {  	_ =	shalt  }
0x77: {  	_ =	shalt  }
0x78: {  	_ =	shalt  }
0x79: {  	_ =	shalt  }
0x7a: {  	_ =	shalt  }
0x7b: {  	_ =	shalt  }
0x7c: {  	_ =	shalt  }
0x7d: {  	_ =	shalt  }
0x7e: {  	_ =	shalt  }
0x7f: {  	_ =	shalt  }
0x80: {  	_ =	shalt  }
0x81: {  	_ =	shalt  }
0x82: {  	_ =	shalt  }
0x83: {  	_ =	shalt  }
0x84: {  	_ =	shalt  }
0x85: {  	_ =	shalt  }
0x86: {  	_ =	shalt  }
0x87: {  	_ =	shalt  }
.Lfunc_end0:
.L_simem_size_0:
called_computation.1_lowered:
.L_overlay_start_0:
0x88: {  	s2 =	sld [smem:$0x3FD9]  }
0x89: {  	s3 =	sld [smem:$0x3FFE];
	_ =	sdelay $0x1  }
0x8a: {  	s1 =	srdreg.scid  }
0x8b: {  	s0 =	sand.u32 $0x1, s1  }
0x8c: {  	s17 =	sshll.u32 s0, $0xA;
	s2 =	sadd.s32 s3, s2  }
0x8d: {  	s2 =	sadd.s32 s2, s17  }
0x8e: {  	[smem:$0x3FC3] =	sst s2  }
0x8f: {  	_ = 	snop  }
0x90: {  	s2 =	sld [smem:$0x3FD0];
	(tm) =	ssettm $0x1  }
0x91: {  	s18 =	sld [smem:$0x3FFB];
	_ =	sdelay $0x3  }
0x92: {  	_ =	strace s18  }
0x93: {  	s3 =	sld [smem:$0x3FFC];
	_ =	sdelay $0x3  }
0x94: {  	_ =	strace s3  }
0x95: {  	s3 =	sld [smem:$0x3FFD];
	_ =	sdelay $0x3  }
0x96: {  	_ =	strace s3  }
0x97: {  	_ =	strace $0x8FFFFFFF  }
0x98: {  	s19 =	sld [smem:$0x3FDB];
	_ =	sdelay $0x1  }
0x99: {  	s4 =	simm.s32 $_scs_section_size  }
0x9a: {  	s5 =	simm.s32 $_size__tile_overlayer_lowered;
	s6 =	simm.s32 $_tile_overlayer_lowered  }
0x9b: {  	s22 =	simm.s32 $0x1BFF;
	s21 =	sshll.u32 s6, $0x1;
	s3 =	sadd.s32 s4, s19  }
0x9c: {  	s7 =	simm.s32 $0x0;
	s20 =	sshll.u32 s5, $0x1;
	s5 =	sadd.s32 s21, s3  }
0x9d: {  	[timem:s7], [sflag:s22] =	dma.local [hbm:s5], s20  }
0x9e: {  	_ =	swait.ge [sflag:s22], s20  }
0x9f: {  	s4 =	ssub.s32 $0x0, s20;
	[sflag:s22] =	ssyncset.done $0x0  }
0xa0: {  	[sflag:s22] =	ssyncadd.s32 s4;
	_ =	sdelay $0x1  }
0xa1: {  	s23 =	simm.s32 $0x1B8B  }
0xa2: {  	_ =	swait.ge [sflag:s23], $0x1  }
0xa3: {  	[sflag:s23] =	ssyncset.done $0x0  }
0xa4: {  	s25 =	simm.s32 $0x1B8E;
	s24 =	sld [smem:$0x3FFE];
	[sflag:s23] =	ssyncadd.s32 $0xFFFFFFFF  }
0xa5: {  	s26 =	simm.s32 $execute0_lowered;
	[smem:$0x3FD2] =	sst s25  }
0xa6: {  	s5 =	sshll.u32 s26, $0x1;
	_ =	strace $0x80000049;
	[dreg:$0x1] =	wrdreg $0xFFFFFFFF  }
0xa7: {  	s28 =	simm.s32 $_size_execute0_lowered;
	s3 =	sadd.s32 s3, s5;
	[dreg:$0x0] =	wrdreg $0x0  }
0xa8: {  	s5 =	sshll.u32 s28, $0x1;
	[dreg:$0x2] =	wrdreg s3  }
0xa9: {  	[dreg:$0x3] =	wrdreg s5  }
0xaa: {  	[dreg:$0x4] =	wrdreg $0xC0  }
0xab: {  	_ =	task [dreg:s7], $0x5FFFF  }
0xac: {  	[dreg:$0x1] =	wrdreg $0xFFFFFFFF  }
0xad: {  	[dreg:$0x0] =	wrdreg $0x60  }
0xae: {  	[dreg:$0x2] =	wrdreg s24  }
0xaf: {  	[dreg:$0x3] =	wrdreg s2  }
0xb0: {  	[dreg:$0x4] =	wrdreg $0x80C00  }
0xb1: {  	[dreg:$0x5] =	wrdreg $0x7E400  }
0xb2: {  	[dreg:$0x6] =	wrdreg $0x9  }
0xb3: {  	_ =	task.clear_ibuf [dreg:s7], $0x7FFFF;
	_ =	strace $0x90000049  }
0xb4: {  	s29 =	simm.s32 $0x9;
	_ =	strace $0x8000004B  }
0xb5: {  	_ =	swait.ge [sflag:s29], $0x1  }
0xb6: {  	[sflag:s29] =	ssyncadd.s32 $0xFFFFFFFF  }
0xb7: {  	_ =	strace $0x9000004B  }
0xb8: {  	_ =	sfence  }
0xb9: {  	s30 =	sld [smem:$0x0];
	_ =	sdelay $0x2  }
0xba: {  	s31 =	sshll.u32 s1, $0xD;
	s1 =	sshrl.u32 s1, $0x2  }
0xbb: {  	s3 =	sand.u32 $0x4000, s31;
	s1 =	sadd.s32 s1, s30  }
0xbc: {  	s0 =	sor.u32 s3, s0;
	s1 =	sshll.u32 s1, $0x11  }
0xbd: {  	s0 =	sor.u32 s1, s0  }
0xbe: {  	s0 =	sadd.s32 $0x8F2B, s0  }
0xbf: {  	[sflag:s0] =	ssyncadd.remote.s32 $0x1  }
0xc0: {  	_ =	sfence.sel $0xFFFF  }
0xc1: {  	[dreg:$0x0] =	wrdreg $0xFFFFFFFF;
	(pc) =	sbr.abs _section_cstart, $3  }
0xc2: {  	[dreg:$0x1] =	wrdreg $0xFFFFFFFF  }
0xc3: {  	_ =	task.clear_ibuf [dreg:s7], $0x2FFFF;
	_ =	strace $0x9FFFFFFF  }
0xc4: {  	(tm) =	ssettm $0x7FFFFFFF  }
0xc5: {  	_ =	shalt  }
tec
execute0_lowered:
.L_overlay_start_1:
0x0: {  	(tag) =	ssettag $0x1  }
0x1: {  	s4 =	rddreg [dreg:$0x0]  }
0x2: {  	s2 =	rddreg [dreg:$0x1]  }
0x3: {  	s3 =	rddreg [dreg:$0x2]  }
0x4: {  	s22 =	rddreg [dreg:$0x3];
	s18 =	stileid.u32  }
0x5: {  	s0 =	srdreg.scid;
	s14 =	smul.u32 $0x14000, s18  }
0x6: {  	s5 =	simm.s32 $0x0;
	s13 =	sand.u32 $0x1, s0;
	s0 =	smul.u32 $0x9C4, s18  }
0x7: {  	s31 =	simm.s32 $0x5000;
	[smem:$0x7FF] =	sst s5;
	s16 =	smul.u32 $0x50000, s18  }
0x8: {  	s6 =	sadd.s32 $0x65C00, s4;
	s7 =	sadd.s32 $0xBE00, s4;
	s12 =	smul.u32 $0x280, s18  }
0x9: {  	s8 =	sadd.s32 $0x2000, s4;
	s10 =	sadd.s32 $0xBFA00, s4;
	s26 =	smul.u32 $0x2800, s18  }
0xa: {  	s1 =	smul.u32 $0x140000, s13;
	_ =	strace $0x8000004A;
	s25 =	ssub.s32 $0x2, s13  }
0xb: {  	s19 =	smul.u32 $0x28000, s13;
	s17 =	sshrl.u32 s25, $0x1;
	s16 =	sshrl.u32 s16, $0x2  }
0xc: {  	v0 =	vimm.s32 $0xEDCBA987;
	s24 =	sadd.s32 s14, s3;
	s9 =	sadd.s32 s14, s1;
	s1 =	sadd.s32 s0, s4  }
0xd: {  	v1 =	vimm.s32 $0x65432100;
	v2 =	vimm.s32 $0xDCBA9876;
	v0 =	vunpack.c.l.s4.s8 v0;
	s16 =	sadd.s32 s16, s3;
	s23 =	sadd.s32 s26, s19;
	s14 =	simm.s32 $0x78A0  }
0xe: {  	v3 =	vimm.s32 $0x54321000;
	v1 =	vunpack.c.l.s4.s8 v1;
	v2 =	vunpack.c.l.s4.s8 v2;
	[dreg:$0x5] =	wrdreg s24;
	s11 =	sshrl.u32 s9, $0x3;
	s9 =	smul.u32 $0x4E20, s18  }
0xf: {  	v6 =	vimm.s32 $0xFFEDCBA9;
	v3 =	vunpack.c.l.s4.s8 v3;
	v0 =	vunpack.c.0.s8.s32 v0;
	s30 =	sadd.s32 $0x2800, s16;
	s18 =	sadd.s32 $0x5000, s16;
	s20 =	sadd.s32 $0x7800, s16  }
0x10: {  	v7 =	vimm.s32 $0x87654321;
	v1 =	vunpack.c.0.s8.s32 v1;
	v2 =	vunpack.c.0.s8.s32 v2;
	s21 =	sadd.s32 $0xA000, s16;
	s26 =	sadd.s32 $0xC800, s16;
	[dreg:$0x6] =	wrdreg s30  }
0x11: {  	v6 =	vunpack.c.l.s4.s8 v6;
	v3 =	vunpack.c.0.s8.s32 v3;
	v4 =	vand.u32 $0xF, v0;
	s28 =	sadd.s32 $0xB5C00, s1;
	s1 =	simm.s32 $0x7BC0;
	[dreg:$0x7] =	wrdreg s18  }
0x12: {  	v7 =	vunpack.c.l.s4.s8 v7;
	v2 =	vand.u32 $0xF, v2;
	s15 =	sadd.s32 s11, s4;
	s11 =	sadd.s32 $0x15C00, s4;
	v1 =	vcombine.low v1, v4;
	[dreg:$0x8] =	wrdreg s20  }
0x13: {  	s4 =	ssub.s32 s25, s17;
	v2 =	vcombine.low v3, v2;
	v3 =	vimm.s32 $0x32100000;
	v4 =	vimm.s32 $0xBA987654;
	[dreg:$0x9] =	wrdreg s21;
	s18 =	smul.u32 $0x4E200, s13  }
0x14: {  	s25 =	sshrl.u32 s23, $0x3;
	[dreg:$0xa] =	wrdreg s26;
	s30 =	sadd.s32 $0xF000, s16;
	v5 =	vunpack.c.l.s4.s8 v3;
	v3 =	vunpack.c.l.s4.s8 v4;
	v4 =	vimm.s32 $0xE40000  }
0x15: {  	vm0 =	vcmask $0x3F04;
	vm3 =	vcmask $0x3F30;
	s17 =	sadd.s32 $0x11800, s16;
	s23 =	sor.u32 s19, s12;
	s26 =	sadd.s32 s0, s8;
	v4 =	vunpack.c.l.s2.s4 v4  }
0x16: {  	vm1 =	vcmask $0x3F08;
	v6 =	vunpack.c.0.s8.s32 v6;
	v7 =	vunpack.c.0.s8.s32 v7;
	s0 =	simm.s32 $0x2;
	s16 =	simm.s32 $0x2800;
	[dreg:$0xb] =	wrdreg s30  }
0x17: {  	v0 =	vmov s13;
	s19 =	simm.s32 $0x50;
	[dreg:$0xc] =	wrdreg s17;
	s13 =	sadd.s32 s11, s25;
	v8 =	vunpack.c.0.s8.s32 v3;
	v9 =	vunpack.c.l.s4.s8 v4  }
0x18: {  	vm2 =	vcmask $0x3F10;
	v7 =	vcombine.low v7, v6;
	s20 =	sadd.s32 $0xC9A00, s15;
	s4 =	smax.u32 s4, $0x1;
	[dreg:$0xd] =	wrdreg s13;
	v5 =	vunpack.c.0.s8.s32 v5  }
0x19: {  	s30 =	sadd.s32 s12, s22;
	s15 =	simm.s32 $0x7800;
	[dreg:$0xe] =	wrdreg s20;
	v4 =	vand.u32 $0xF, v8;
	v8 =	vimm.s32 $0x7060504;
	v9 =	vunpack.c.0.s8.s32 v9  }
0x1a: {  	vm4 =	vcmask $0x3F3C;
	s17 =	simm.s32 $0x7850;
	v7 =	vand.u32 $0xF, v7;
	s21 =	sadd.s32 s9, s18;
	[dreg:$0xf] =	wrdreg s4;
	v6 =	vunpack.c.0.s8.s32 v8  }
0x1b: {  	[dreg:$0x10] =	wrdreg s30;
	s20 =	simm.s32 $0x1;
	v3 =	vimm.f32 $0.0e+00;
	s25 =	sshrl.u32 s21, $0x3;
	v4 =	vcombine.low v5, v4;
	v8 =	vand.u32 $0x3, v9  }
0x1c: {  	s13 =	simm.s32 $0x0;
	s21 =	simm.s32 $0x78F0;
	s29 =	sadd.s32 s25, s2;
	v5 =	vimm.f32 $-Inf;
	v6 =	vsel vm3, v6, v8;
	vm3 =	vcmask $0x3F20  }
.LBB2_1:
0x1d: {  	[dreg:$0x11] =	wrdreg s13;
	s4 =	simm.s32 $0x0;
	s13 =	simm.s32 $0x200  }
.LBB2_2:
0x1e: {  	p0 =	sne.s32 s13, $0x9E00;
	[tilespmem:s4+$0x5070] =	vst v3  }
0x1f: {  	[tilespmem:s4+$0x5000] =	vst v3  }
0x20: {  	[tilespmem:s4+$0x5010] =	vst v3  }
.Ltmp0:
0x21: {  	[tilespmem:s4+$0x5020] =	vst v3;
	(pc) =	sbr.rel @p0 .LBB2_2-.Ltmp0, $4  }
0x22: {  	[tilespmem:s4+$0x5030] =	vst v3  }
0x23: {  	[tilespmem:s4+$0x5040] =	vst v3  }
0x24: {  	[tilespmem:s4+$0x5050] =	vst v3  }
0x25: {  	[tilespmem:s4+$0x5060] =	vst v3;
	s4 =	sshra.s32 s13, $0x2;
	s13 =	sadd.s32 $0x200, s13  }
0x26: {  	[tilespmem:s4+$0x5070] =	vst v3  }
0x27: {  	[tilespmem:s4+$0x5000] =	vst v3  }
0x28: {  	[tilespmem:s4+$0x5010] =	vst v3  }
0x29: {  	[tilespmem:s4+$0x5020] =	vst v3  }
0x2a: {  	[tilespmem:s4+$0x5030] =	vst v3  }
0x2b: {  	[tilespmem:s4+$0x5040] =	vst v3  }
0x2c: {  	[tilespmem:s4+$0x5050] =	vst v3  }
0x2d: {  	[tilespmem:s4+$0x5060] =	vst v3  }
0x2e: {  	[spmem:s24] =	stream.linear.scatter [tilespmem:s31], [sflag:$0x2], $0x2800, $0x38;
	[tilespmem:$0x1C0C0] =	vst v63  }
0x2f: {  	_ =	swait.ge [sflag:s0], $0x2800  }
0x30: {  	[sflag:s0] =	ssyncset.done $0x0  }
0x31: {  	s24 =	rddreg [dreg:$0x6];
	[sflag:s0] =	ssyncadd.s32 $0xFFFFD800  }
0x32: {  	[spmem:s24] =	stream.linear.scatter [tilespmem:s31], [sflag:$0x2], $0x2800, $0x38;
	[tilespmem:$0x1C0C0] =	vst v63  }
0x33: {  	_ =	swait.ge [sflag:s0], $0x2800  }
0x34: {  	[sflag:s0] =	ssyncset.done $0x0  }
0x35: {  	s25 =	rddreg [dreg:$0x7];
	[sflag:s0] =	ssyncadd.s32 $0xFFFFD800  }
0x36: {  	[spmem:s25] =	stream.linear.scatter [tilespmem:s31], [sflag:$0x2], $0x2800, $0x38;
	[tilespmem:$0x1C0C0] =	vst v63  }
0x37: {  	_ =	swait.ge [sflag:s0], $0x2800  }
0x38: {  	[sflag:s0] =	ssyncset.done $0x0  }
0x39: {  	s30 =	rddreg [dreg:$0x8];
	[sflag:s0] =	ssyncadd.s32 $0xFFFFD800  }
0x3a: {  	[spmem:s30] =	stream.linear.scatter [tilespmem:s31], [sflag:$0x2], $0x2800, $0x38;
	[tilespmem:$0x1C0C0] =	vst v63  }
0x3b: {  	_ =	swait.ge [sflag:s0], $0x2800  }
0x3c: {  	[sflag:s0] =	ssyncset.done $0x0  }
0x3d: {  	s13 =	rddreg [dreg:$0x9];
	[sflag:s0] =	ssyncadd.s32 $0xFFFFD800  }
0x3e: {  	[spmem:s13] =	stream.linear.scatter [tilespmem:s31], [sflag:$0x2], $0x2800, $0x38;
	[tilespmem:$0x1C0C0] =	vst v63  }
0x3f: {  	_ =	swait.ge [sflag:s0], $0x2800  }
0x40: {  	[sflag:s0] =	ssyncset.done $0x0  }
0x41: {  	s24 =	rddreg [dreg:$0xa];
	[sflag:s0] =	ssyncadd.s32 $0xFFFFD800  }
0x42: {  	[spmem:s24] =	stream.linear.scatter [tilespmem:s31], [sflag:$0x2], $0x2800, $0x38;
	[tilespmem:$0x1C0C0] =	vst v63  }
0x43: {  	_ =	swait.ge [sflag:s0], $0x2800  }
0x44: {  	[sflag:s0] =	ssyncset.done $0x0  }
0x45: {  	s25 =	rddreg [dreg:$0xb];
	[sflag:s0] =	ssyncadd.s32 $0xFFFFD800  }
0x46: {  	[spmem:s25] =	stream.linear.scatter [tilespmem:s31], [sflag:$0x2], $0x2800, $0x38;
	[tilespmem:$0x1C0C0] =	vst v63  }
0x47: {  	_ =	swait.ge [sflag:s0], $0x2800  }
0x48: {  	[sflag:s0] =	ssyncset.done $0x0  }
0x49: {  	s30 =	rddreg [dreg:$0xc];
	[sflag:s0] =	ssyncadd.s32 $0xFFFFD800  }
0x4a: {  	[spmem:s30] =	stream.linear.scatter [tilespmem:s31], [sflag:$0x2], $0x2800, $0x38;
	[tilespmem:$0x1C0C0] =	vst v63  }
0x4b: {  	_ =	swait.ge [sflag:s0], $0x2800  }
0x4c: {  	[sflag:s0] =	ssyncset.done $0x0  }
0x4d: {  	[sflag:s0] =	ssyncadd.s32 $0xFFFFD800  }
0x4e: {  	[tilespmem:$0x7940] =	vst v5  }
0x4f: {  	[tilespmem:$0x7950] =	vst v5  }
0x50: {  	[tilespmem:$0x7960] =	vst v5  }
0x51: {  	[tilespmem:$0x7970] =	vst v5  }
0x52: {  	[tilespmem:$0x7980] =	vst v5  }
0x53: {  	[tilespmem:$0x7990] =	vst v5  }
0x54: {  	[tilespmem:$0x79A0] =	vst v5  }
0x55: {  	[tilespmem:$0x79B0] =	vst v5  }
0x56: {  	[tilespmem:$0x79C0] =	vst v5  }
0x57: {  	[tilespmem:$0x79D0] =	vst v5  }
0x58: {  	[tilespmem:$0x79E0] =	vst v5  }
0x59: {  	[tilespmem:$0x79F0] =	vst v5  }
0x5a: {  	[tilespmem:$0x7A00] =	vst v5  }
0x5b: {  	[tilespmem:$0x7A10] =	vst v5  }
0x5c: {  	[tilespmem:$0x7A20] =	vst v5  }
0x5d: {  	[tilespmem:$0x7A30] =	vst v5  }
0x5e: {  	[tilespmem:$0x7A40] =	vst v5  }
0x5f: {  	[tilespmem:$0x7A50] =	vst v5  }
0x60: {  	[tilespmem:$0x7A60] =	vst v5  }
0x61: {  	[tilespmem:$0x7A70] =	vst v5  }
0x62: {  	[tilespmem:$0x7A80] =	vst v5  }
0x63: {  	[tilespmem:$0x7A90] =	vst v5  }
0x64: {  	[tilespmem:$0x7AA0] =	vst v5  }
0x65: {  	[tilespmem:$0x7AB0] =	vst v5  }
0x66: {  	[tilespmem:$0x7AC0] =	vst v5  }
0x67: {  	[tilespmem:$0x7AD0] =	vst v5  }
0x68: {  	[tilespmem:$0x7AE0] =	vst v5  }
0x69: {  	[tilespmem:$0x7AF0] =	vst v5  }
0x6a: {  	[tilespmem:$0x7B00] =	vst v5  }
0x6b: {  	[tilespmem:$0x7B10] =	vst v5  }
0x6c: {  	[tilespmem:$0x7B20] =	vst v5  }
0x6d: {  	[tilespmem:$0x7B30] =	vst v5  }
0x6e: {  	[tilespmem:$0x7B40] =	vst v5  }
0x6f: {  	[tilespmem:$0x7B50] =	vst v5  }
0x70: {  	[tilespmem:$0x7B60] =	vst v5  }
0x71: {  	[tilespmem:$0x7B70] =	vst v5  }
0x72: {  	[tilespmem:$0x7B80] =	vst v5  }
0x73: {  	[tilespmem:$0x7B90] =	vst v5  }
0x74: {  	[tilespmem:$0x7BA0] =	vst v5  }
0x75: {  	s4 =	simm.s32 $0x0;
	s13 =	simm.s32 $0x0;
	[tilespmem:$0x7BB0] =	vst v5  }
.LBB2_4:
0x76: {  	s24 =	smul.u32 $0x2800, s13;
	_ =	sdelay $0x1  }
0x77: {  	s24 =	sadd.s32 s12, s24  }
0x78: {  	s24 =	sshrl.u32 s24, $0x3  }
0x79: {  	s24 =	sadd.s32 s10, s24  }
0x7a: {  	[tilespmem:s1], [sflag:$0x2] =	stream.linear.gather [hbm4b:s24+s4], $0x280, $0x38;
	[tilespmem:$0x1C0C0] =	vst v63  }
0x7b: {  	_ =	swait.ge [sflag:s0], $0x280  }
0x7c: {  	[sflag:s0] =	ssyncset.done $0x0  }
0x7d: {  	s24 =	simm.s32 $0x0;
	[sflag:s0] =	ssyncadd.s32 $0xFFFFFD80  }
0x7e: {  	s25 =	simm.s32 $0x40;
	v8 =	vld [tilespmem:s24+$0x7BC0]  }
.LBB2_5:
0x7f: {  	p0 =	sne.s32 s25, $0x9C0;
	v9 =	vld [tilespmem:s24+$0x7940];
	_ =	sdelay $0x1  }
.Ltmp1:
0x80: {  	(pc) =	sbr.rel @p0 .LBB2_5-.Ltmp1, $3  }
0x81: {  	_ =	sdelay $0x1  }
0x82: {  	s30 =	sshra.s32 s25, $0x2;
	v9 =	vmax.f32 v9, v8  }
0x83: {  	s25 =	sadd.s32 $0x40, s25;
	v8 =	vld [tilespmem:s30+$0x7BC0];
	[tilespmem:s24+$0x7940] =	vst v9;
	s24 =	smov.u32 s30  }
0x84: {  	v9 =	vld [tilespmem:s24+$0x7940];
	s13 =	sadd.s32 $0x1, s13  }
0x85: {  	p0 =	sne.s32 s13, $0x20  }
.Ltmp2:
0x86: {  	_ = 	snop;
	(pc) =	sbr.rel @p0 .LBB2_4-.Ltmp2, $3  }
0x87: {  	_ =	sdelay $0x1  }
0x88: {  	v8 =	vmax.f32 v9, v8  }
0x89: {  	[tilespmem:s24+$0x7940] =	vst v8  }
0x8a: {  	s4 =	rddreg [dreg:$0x10];
	s13 =	simm.s32 $0x7940  }
0x8b: {  	[spmem:s4] =	stream.linear.scatter [tilespmem:s13], [sflag:$0x2], $0x280, $0x38;
	[tilespmem:$0x1C0C0] =	vst v63  }
0x8c: {  	_ =	swait.ge [sflag:s0], $0x280  }
0x8d: {  	[sflag:s0] =	ssyncset.done $0x0  }
0x8e: {  	[sflag:s0] =	ssyncadd.s32 $0xFFFFFD80  }
0x8f: {  	s24 =	simm.s32 $0x0;
	[bflag:$0x0] =	sbarrier.arrive $0xFFFF  }
0x90: {  	[tilespmem:s24], [sflag:$0x2] =	stream.linear.gather [spmem:s22], $0x2800, $0x38;
	[tilespmem:$0x1C0C0] =	vst v63  }
0x91: {  	_ =	swait.ge [sflag:s0], $0x2800  }
0x92: {  	[sflag:s0] =	ssyncset.done $0x0  }
0x93: {  	s4 =	simm.s32 $0x40;
	s13 =	simm.s32 $0x0;
	[sflag:s0] =	ssyncadd.s32 $0xFFFFD800  }
.LBB2_8:
0x94: {  	p0 =	sne.s32 s4, $0x9FC0;
	[tilespmem:s13+$0x2800] =	vst v3;
	s13 =	smov.u32 s4;
	s4 =	sadd.s32 $0x40, s4  }
.Ltmp3:
0x95: {  	(pc) =	sbr.rel @p0 .LBB2_8-.Ltmp3, $2  }
0x96: {  	_ =	sdelay $0x2  }
0x97: {  	s13 =	sshra.s32 s13, $0x2  }
0x98: {  	[tilespmem:s13+$0x2800] =	vst v3  }
.LBB2_10:
0x99: {  	s4 =	sadd.s32 s24, s28  }
0x9a: {  	[tilespmem:s14], [sflag:$0x2] =	stream.linear.gather [hbm4b:s4+s5], $0x50, $0x38;
	[tilespmem:$0x1C0C0] =	vst v63  }
0x9b: {  	_ =	swait.ge [sflag:s0], $0x50  }
0x9c: {  	[sflag:s0] =	ssyncset.done $0x0  }
0x9d: {  	s25 =	sadd.s32 s24, s26;
	[sflag:s0] =	ssyncadd.s32 $0xFFFFFFB0  }
0x9e: {  	[tilespmem:s15], [sflag:$0x2] =	stream.linear.gather [hbm4b:s25+s5], $0x50, $0x38;
	[tilespmem:$0x1C0C0] =	vst v63  }
0x9f: {  	_ =	swait.ge [sflag:s0], $0x50  }
0xa0: {  	[sflag:s0] =	ssyncset.done $0x0  }
0xa1: {  	[sflag:s0] =	ssyncadd.s32 $0xFFFFFFB0  }
0xa2: {  	v8 =	vld [tilespmem:$0x7800];
	_ =	sdelay $0x6  }
0xa3: {  	v10 =	vld [tilespmem:$0x78A0]  }
0xa4: {  	v9 =	vld.idx.msk [tilespmem:v8+s5+$0x0], $0xffff;
	_ =	sdelay $0x4  }
0xa5: {  	v9 =	vsub.f32 v10, v9;
	_ =	sdelay $0x1  }
0xa6: {  	v9 =	vmul.f32 $1.442695020e+00, v9;
	_ =	sdelay $0x1  }
0xa7: {  	(erf) = vpow2.f32 v9;
	_ =	sdelay $0x8  }
0xa8: {  	v8 =	vxor.u32 $0x80000000, v8;
	v9 =	vpop (erf)  }
0xa9: {  	(xrf1) =	vsort.ascd.msk.u32 $0xffff, v8, v9;
	_ =	sdelay $0xd  }
0xaa: {  	v8, v36, _ =	vpop (xrf1)  }
0xab: {  	v8 =	vxor.u32 $0x80000000, v8  }
0xac: {  	v12 =	vperm.xlane v36, v1;
	v11 =	vperm.xlane v8, v1;
	_ =	sdelay $0x1  }
0xad: {  	v37 =	vadd.f32 v36, v12;
	vm5 =	veq.s32 v11, v8  }
0xae: {  	vm5 =	vmand vm5, vm0  }
0xaf: {  	v10 =	vsel vm5, v37, v36  }
0xb0: {  	v38 =	vperm.xlane v8, v2;
	v39 =	vperm.xlane v10, v2;
	_ =	sdelay $0x1  }
0xb1: {  	vm5 =	veq.s32 v38, v8;
	v40 =	vadd.f32 v10, v39  }
0xb2: {  	vm5 =	vmand vm5, vm1  }
0xb3: {  	v10 =	vsel vm5, v40, v10  }
0xb4: {  	v41 =	vperm.xlane v8, v4;
	v42 =	vperm.xlane v10, v4;
	_ =	sdelay $0x1  }
0xb5: {  	vm5 =	veq.s32 v41, v8;
	v43 =	vadd.f32 v10, v42  }
0xb6: {  	v44 =	vperm.xlane v8, v7;
	vm5 =	vmand vm5, vm2  }
0xb7: {  	[tilespmem:$0x78A0] =	vst v9;
	v45 =	vsel vm5, v43, v10  }
0xb8: {  	v46 =	vperm.xlane v8, v6;
	v47 =	vld.idx.msk [tilespmem:v8+s16+$0x0], $0xffff;
	vm5 =	vne.s32 v44, v8;
	v11 =	vperm.xlane v45, v6  }
0xb9: {  	vm5 =	vmor vm5, vm4  }
0xba: {  	vm6 =	veq.s32 v46, v8;
	v48 =	vadd.f32 v45, v11  }
0xbb: {  	vm6 =	vmand vm6, vm3  }
0xbc: {  	v9 =	vsel vm6, v48, v45  }
0xbd: {  	v9 =	vadd.f32 v9, v47;
	_ =	sdelay $0x1  }
0xbe: {  	[tilespmem:v8+s16+$0x0] =	vst.idx.msk vm5, v9  }
0xbf: {  	v8 =	vld [tilespmem:$0x7810];
	_ =	sdelay $0x6  }
0xc0: {  	v49 =	vld [tilespmem:$0x78B0]  }
0xc1: {  	v9 =	vld.idx.msk [tilespmem:v8+s5+$0x0], $0xffff;
	_ =	sdelay $0x4  }
0xc2: {  	v9 =	vsub.f32 v49, v9;
	_ =	sdelay $0x1  }
0xc3: {  	v9 =	vmul.f32 $1.442695020e+00, v9;
	_ =	sdelay $0x1  }
0xc4: {  	(erf) = vpow2.f32 v9;
	_ =	sdelay $0x8  }
0xc5: {  	v8 =	vxor.u32 $0x80000000, v8;
	v9 =	vpop (erf)  }
0xc6: {  	(xrf1) =	vsort.ascd.msk.u32 $0xffff, v8, v9;
	_ =	sdelay $0xd  }
0xc7: {  	v8, v50, _ =	vpop (xrf1)  }
0xc8: {  	v8 =	vxor.u32 $0x80000000, v8  }
0xc9: {  	v52 =	vperm.xlane v50, v1;
	v51 =	vperm.xlane v8, v1;
	_ =	sdelay $0x1  }
0xca: {  	v53 =	vadd.f32 v50, v52;
	vm5 =	veq.s32 v51, v8  }
0xcb: {  	vm5 =	vmand vm5, vm0  }
0xcc: {  	v10 =	vsel vm5, v53, v50  }
0xcd: {  	v54 =	vperm.xlane v8, v2;
	v55 =	vperm.xlane v10, v2;
	_ =	sdelay $0x1  }
0xce: {  	vm5 =	veq.s32 v54, v8;
	v56 =	vadd.f32 v10, v55  }
0xcf: {  	vm5 =	vmand vm5, vm1  }
0xd0: {  	v10 =	vsel vm5, v56, v10  }
0xd1: {  	v57 =	vperm.xlane v8, v4;
	v58 =	vperm.xlane v10, v4;
	_ =	sdelay $0x1  }
0xd2: {  	vm5 =	veq.s32 v57, v8;
	v59 =	vadd.f32 v10, v58  }
0xd3: {  	v60 =	vperm.xlane v8, v7;
	vm5 =	vmand vm5, vm2  }
0xd4: {  	[tilespmem:$0x78B0] =	vst v9;
	v61 =	vsel vm5, v59, v10  }
0xd5: {  	v62 =	vperm.xlane v8, v6;
	v63 =	vld.idx.msk [tilespmem:v8+s16+$0x0], $0xffff;
	vm5 =	vne.s32 v60, v8;
	v11 =	vperm.xlane v61, v6  }
0xd6: {  	vm5 =	vmor vm5, vm4  }
0xd7: {  	vm6 =	veq.s32 v62, v8;
	v15 =	vadd.f32 v61, v11  }
0xd8: {  	vm6 =	vmand vm6, vm3  }
0xd9: {  	v9 =	vsel vm6, v15, v61  }
0xda: {  	v9 =	vadd.f32 v9, v63;
	_ =	sdelay $0x1  }
0xdb: {  	[tilespmem:v8+s16+$0x0] =	vst.idx.msk vm5, v9  }
0xdc: {  	v8 =	vld [tilespmem:$0x7820];
	_ =	sdelay $0x6  }
0xdd: {  	v16 =	vld [tilespmem:$0x78C0]  }
0xde: {  	v9 =	vld.idx.msk [tilespmem:v8+s5+$0x0], $0xffff;
	_ =	sdelay $0x4  }
0xdf: {  	v9 =	vsub.f32 v16, v9;
	_ =	sdelay $0x1  }
0xe0: {  	v9 =	vmul.f32 $1.442695020e+00, v9;
	_ =	sdelay $0x1  }
0xe1: {  	(erf) = vpow2.f32 v9;
	_ =	sdelay $0x8  }
0xe2: {  	v8 =	vxor.u32 $0x80000000, v8;
	v9 =	vpop (erf)  }
0xe3: {  	(xrf1) =	vsort.ascd.msk.u32 $0xffff, v8, v9;
	_ =	sdelay $0xd  }
0xe4: {  	v8, v17, _ =	vpop (xrf1)  }
0xe5: {  	v8 =	vxor.u32 $0x80000000, v8  }
0xe6: {  	v19 =	vperm.xlane v17, v1;
	v18 =	vperm.xlane v8, v1;
	_ =	sdelay $0x1  }
0xe7: {  	v20 =	vadd.f32 v17, v19;
	vm5 =	veq.s32 v18, v8  }
0xe8: {  	vm5 =	vmand vm5, vm0  }
0xe9: {  	v10 =	vsel vm5, v20, v17  }
0xea: {  	v21 =	vperm.xlane v8, v2;
	v22 =	vperm.xlane v10, v2;
	_ =	sdelay $0x1  }
0xeb: {  	vm5 =	veq.s32 v21, v8;
	v23 =	vadd.f32 v10, v22  }
0xec: {  	vm5 =	vmand vm5, vm1  }
0xed: {  	v10 =	vsel vm5, v23, v10  }
0xee: {  	v24 =	vperm.xlane v8, v4;
	v25 =	vperm.xlane v10, v4;
	_ =	sdelay $0x1  }
0xef: {  	vm5 =	veq.s32 v24, v8;
	v26 =	vadd.f32 v10, v25  }
0xf0: {  	v27 =	vperm.xlane v8, v7;
	vm5 =	vmand vm5, vm2  }
0xf1: {  	[tilespmem:$0x78C0] =	vst v9;
	v28 =	vsel vm5, v26, v10  }
0xf2: {  	v29 =	vperm.xlane v8, v6;
	v30 =	vld.idx.msk [tilespmem:v8+s16+$0x0], $0xffff;
	vm5 =	vne.s32 v27, v8;
	v11 =	vperm.xlane v28, v6  }
0xf3: {  	vm5 =	vmor vm5, vm4  }
0xf4: {  	vm6 =	veq.s32 v29, v8;
	v31 =	vadd.f32 v28, v11  }
0xf5: {  	vm6 =	vmand vm6, vm3  }
0xf6: {  	v9 =	vsel vm6, v31, v28  }
0xf7: {  	v9 =	vadd.f32 v9, v30;
	_ =	sdelay $0x1  }
0xf8: {  	[tilespmem:v8+s16+$0x0] =	vst.idx.msk vm5, v9  }
0xf9: {  	v8 =	vld [tilespmem:$0x7830];
	_ =	sdelay $0x6  }
0xfa: {  	v32 =	vld [tilespmem:$0x78D0]  }
0xfb: {  	v9 =	vld.idx.msk [tilespmem:v8+s5+$0x0], $0xffff;
	_ =	sdelay $0x4  }
0xfc: {  	v9 =	vsub.f32 v32, v9;
	_ =	sdelay $0x1  }
0xfd: {  	v9 =	vmul.f32 $1.442695020e+00, v9;
	_ =	sdelay $0x1  }
0xfe: {  	(erf) = vpow2.f32 v9;
	_ =	sdelay $0x8  }
0xff: {  	v8 =	vxor.u32 $0x80000000, v8;
	v9 =	vpop (erf)  }
0x100: {  	(xrf1) =	vsort.ascd.msk.u32 $0xffff, v8, v9;
	_ =	sdelay $0xd  }
0x101: {  	v8, v33, _ =	vpop (xrf1)  }
0x102: {  	v8 =	vxor.u32 $0x80000000, v8  }
0x103: {  	v35 =	vperm.xlane v33, v1;
	v34 =	vperm.xlane v8, v1;
	_ =	sdelay $0x1  }
0x104: {  	v36 =	vadd.f32 v33, v35;
	vm5 =	veq.s32 v34, v8  }
0x105: {  	vm5 =	vmand vm5, vm0  }
0x106: {  	v10 =	vsel vm5, v36, v33  }
0x107: {  	v37 =	vperm.xlane v8, v2;
	v38 =	vperm.xlane v10, v2;
	_ =	sdelay $0x1  }
0x108: {  	vm5 =	veq.s32 v37, v8;
	v39 =	vadd.f32 v10, v38  }
0x109: {  	vm5 =	vmand vm5, vm1  }
0x10a: {  	v10 =	vsel vm5, v39, v10  }
0x10b: {  	v40 =	vperm.xlane v8, v4;
	v41 =	vperm.xlane v10, v4;
	_ =	sdelay $0x1  }
0x10c: {  	vm5 =	veq.s32 v40, v8;
	v42 =	vadd.f32 v10, v41  }
0x10d: {  	v43 =	vperm.xlane v8, v7;
	vm5 =	vmand vm5, vm2  }
0x10e: {  	[tilespmem:$0x78D0] =	vst v9;
	v44 =	vsel vm5, v42, v10  }
0x10f: {  	v45 =	vperm.xlane v8, v6;
	v46 =	vld.idx.msk [tilespmem:v8+s16+$0x0], $0xffff;
	vm5 =	vne.s32 v43, v8;
	v11 =	vperm.xlane v44, v6  }
0x110: {  	vm5 =	vmor vm5, vm4  }
0x111: {  	vm6 =	veq.s32 v45, v8;
	v47 =	vadd.f32 v44, v11  }
0x112: {  	vm6 =	vmand vm6, vm3  }
0x113: {  	v9 =	vsel vm6, v47, v44  }
0x114: {  	v9 =	vadd.f32 v9, v46;
	_ =	sdelay $0x1  }
0x115: {  	[tilespmem:v8+s16+$0x0] =	vst.idx.msk vm5, v9  }
0x116: {  	v8 =	vld [tilespmem:$0x7840];
	_ =	sdelay $0x6  }
0x117: {  	v48 =	vld [tilespmem:$0x78E0]  }
0x118: {  	v9 =	vld.idx.msk [tilespmem:v8+s5+$0x0], $0xffff;
	_ =	sdelay $0x4  }
0x119: {  	v9 =	vsub.f32 v48, v9;
	_ =	sdelay $0x1  }
0x11a: {  	v9 =	vmul.f32 $1.442695020e+00, v9;
	_ =	sdelay $0x1  }
0x11b: {  	(erf) = vpow2.f32 v9;
	_ =	sdelay $0x8  }
0x11c: {  	v8 =	vxor.u32 $0x80000000, v8;
	v9 =	vpop (erf)  }
0x11d: {  	(xrf1) =	vsort.ascd.msk.u32 $0xffff, v8, v9;
	_ =	sdelay $0xd  }
0x11e: {  	v8, v49, _ =	vpop (xrf1)  }
0x11f: {  	v8 =	vxor.u32 $0x80000000, v8  }
0x120: {  	v51 =	vperm.xlane v49, v1;
	v50 =	vperm.xlane v8, v1;
	_ =	sdelay $0x1  }
0x121: {  	v52 =	vadd.f32 v49, v51;
	vm5 =	veq.s32 v50, v8  }
0x122: {  	vm5 =	vmand vm5, vm0  }
0x123: {  	v10 =	vsel vm5, v52, v49  }
0x124: {  	v53 =	vperm.xlane v8, v2;
	v54 =	vperm.xlane v10, v2;
	_ =	sdelay $0x1  }
0x125: {  	vm5 =	veq.s32 v53, v8;
	v55 =	vadd.f32 v10, v54  }
0x126: {  	vm5 =	vmand vm5, vm1  }
0x127: {  	v10 =	vsel vm5, v55, v10  }
0x128: {  	v56 =	vperm.xlane v8, v4;
	v57 =	vperm.xlane v10, v4;
	_ =	sdelay $0x1  }
0x129: {  	vm5 =	veq.s32 v56, v8;
	v58 =	vadd.f32 v10, v57  }
0x12a: {  	v59 =	vperm.xlane v8, v7;
	vm5 =	vmand vm5, vm2  }
0x12b: {  	[tilespmem:$0x78E0] =	vst v9;
	v60 =	vsel vm5, v58, v10  }
0x12c: {  	v61 =	vperm.xlane v8, v6;
	v62 =	vld.idx.msk [tilespmem:v8+s16+$0x0], $0xffff;
	vm5 =	vne.s32 v59, v8;
	v11 =	vperm.xlane v60, v6  }
0x12d: {  	vm5 =	vmor vm5, vm4  }
0x12e: {  	vm6 =	veq.s32 v61, v8;
	v63 =	vadd.f32 v60, v11  }
0x12f: {  	vm6 =	vmand vm6, vm3  }
0x130: {  	v9 =	vsel vm6, v63, v60  }
0x131: {  	v9 =	vadd.f32 v9, v62  }
0x132: {  	p0 =	sne.s32 s24, $0x9BA  }
.Ltmp4:
0x133: {  	s30 =	sadd.s32 s24, s29;
	[tilespmem:v8+s16+$0x0] =	vst.idx.msk vm5, v9;
	(pc) =	sbr.rel @p0 .LBB2_10-.Ltmp4, $4  }
0x134: {  	[hbm4b:s30+s5] =	stream.linear.scatter [tilespmem:s14], [sflag:$0x2], $0x50, $0x38;
	[tilespmem:$0x1C0C0] =	vst v63  }
0x135: {  	_ =	swait.ge [sflag:s0], $0x50  }
0x136: {  	[sflag:s0] =	ssyncset.done $0x0  }
0x137: {  	s24 =	sadd.s32 $0xA, s24;
	[sflag:s0] =	ssyncadd.s32 $0xFFFFFFB0  }
0x138: {  	s24 =	simm.s32 $0x0;
	s4 =	rddreg [dreg:$0xd]  }
0x139: {  	[hbm4b:s4+s24] =	stream.linear.scatter [tilespmem:s16], [sflag:$0x2], $0x2800, $0x38;
	[tilespmem:$0x1C0C0] =	vst v63  }
0x13a: {  	_ =	swait.ge [sflag:s0], $0x2800  }
0x13b: {  	[sflag:s0] =	ssyncset.done $0x0  }
0x13c: {  	[sflag:s0] =	ssyncadd.s32 $0xFFFFD800  }
0x13d: {  	[bflag:$0x0] =	sbarrier.arrive $0xFFFF  }
0x13e: {  	[tilespmem:$0x7940] =	vst v3  }
0x13f: {  	[tilespmem:$0x7950] =	vst v3  }
0x140: {  	[tilespmem:$0x7960] =	vst v3  }
0x141: {  	[tilespmem:$0x7970] =	vst v3  }
0x142: {  	[tilespmem:$0x7980] =	vst v3  }
0x143: {  	[tilespmem:$0x7990] =	vst v3  }
0x144: {  	[tilespmem:$0x79A0] =	vst v3  }
0x145: {  	[tilespmem:$0x79B0] =	vst v3  }
0x146: {  	[tilespmem:$0x79C0] =	vst v3  }
0x147: {  	[tilespmem:$0x79D0] =	vst v3  }
0x148: {  	[tilespmem:$0x79E0] =	vst v3  }
0x149: {  	[tilespmem:$0x79F0] =	vst v3  }
0x14a: {  	[tilespmem:$0x7A00] =	vst v3  }
0x14b: {  	[tilespmem:$0x7A10] =	vst v3  }
0x14c: {  	[tilespmem:$0x7A20] =	vst v3  }
0x14d: {  	[tilespmem:$0x7A30] =	vst v3  }
0x14e: {  	[tilespmem:$0x7A40] =	vst v3  }
0x14f: {  	[tilespmem:$0x7A50] =	vst v3  }
0x150: {  	[tilespmem:$0x7A60] =	vst v3  }
0x151: {  	[tilespmem:$0x7A70] =	vst v3  }
0x152: {  	[tilespmem:$0x7A80] =	vst v3  }
0x153: {  	[tilespmem:$0x7A90] =	vst v3  }
0x154: {  	[tilespmem:$0x7AA0] =	vst v3  }
0x155: {  	[tilespmem:$0x7AB0] =	vst v3  }
0x156: {  	[tilespmem:$0x7AC0] =	vst v3  }
0x157: {  	[tilespmem:$0x7AD0] =	vst v3  }
0x158: {  	[tilespmem:$0x7AE0] =	vst v3  }
0x159: {  	[tilespmem:$0x7AF0] =	vst v3  }
0x15a: {  	[tilespmem:$0x7B00] =	vst v3  }
0x15b: {  	[tilespmem:$0x7B10] =	vst v3  }
0x15c: {  	[tilespmem:$0x7B20] =	vst v3  }
0x15d: {  	[tilespmem:$0x7B30] =	vst v3  }
0x15e: {  	[tilespmem:$0x7B40] =	vst v3  }
0x15f: {  	[tilespmem:$0x7B50] =	vst v3  }
0x160: {  	[tilespmem:$0x7B60] =	vst v3  }
0x161: {  	[tilespmem:$0x7B70] =	vst v3  }
0x162: {  	[tilespmem:$0x7B80] =	vst v3  }
0x163: {  	[tilespmem:$0x7B90] =	vst v3  }
0x164: {  	[tilespmem:$0x7BA0] =	vst v3  }
0x165: {  	s4 =	simm.s32 $0x0;
	[tilespmem:$0x7BB0] =	vst v3  }
.LBB2_12:
0x166: {  	s13 =	smul.u32 $0x2800, s4;
	_ =	sdelay $0x1  }
0x167: {  	s13 =	sadd.s32 s13, s23  }
0x168: {  	s13 =	sshrl.u32 s13, $0x3  }
0x169: {  	s13 =	sadd.s32 s11, s13  }
0x16a: {  	[tilespmem:s1], [sflag:$0x2] =	stream.linear.gather [hbm4b:s13+s24], $0x280, $0x38;
	[tilespmem:$0x1C0C0] =	vst v63  }
0x16b: {  	_ =	swait.ge [sflag:s0], $0x280  }
0x16c: {  	[sflag:s0] =	ssyncset.done $0x0  }
0x16d: {  	s13 =	simm.s32 $0x0;
	[sflag:s0] =	ssyncadd.s32 $0xFFFFFD80  }
0x16e: {  	s25 =	simm.s32 $0x40;
	v8 =	vld [tilespmem:s13+$0x7BC0]  }
.LBB2_13:
0x16f: {  	p0 =	sne.s32 s25, $0x9C0;
	v9 =	vld [tilespmem:s13+$0x7940];
	_ =	sdelay $0x2  }
.Ltmp5:
0x170: {  	(pc) =	sbr.rel @p0 .LBB2_13-.Ltmp5, $4  }
0x171: {  	_ = 	snop  }
0x172: {  	v9 =	vadd.f32 v8, v9  }
0x173: {  	s30 =	sshra.s32 s25, $0x2  }
0x174: {  	s25 =	sadd.s32 $0x40, s25;
	v8 =	vld [tilespmem:s30+$0x7BC0];
	[tilespmem:s13+$0x7940] =	vst v9;
	s13 =	smov.u32 s30  }
0x175: {  	v9 =	vld [tilespmem:s13+$0x7940]  }
0x176: {  	s4 =	sadd.s32 $0x1, s4  }
0x177: {  	p0 =	sne.s32 s4, $0x10  }
.Ltmp6:
0x178: {  	_ = 	snop;
	(pc) =	sbr.rel @p0 .LBB2_12-.Ltmp6, $3  }
0x179: {  	_ = 	snop  }
0x17a: {  	v8 =	vadd.f32 v8, v9;
	_ =	sdelay $0x1  }
0x17b: {  	[tilespmem:s13+$0x7940] =	vst v8  }
0x17c: {  	s4 =	simm.s32 $0x0;
	s13 =	simm.s32 $0x40  }
.LBB2_16:
0x17d: {  	p0 =	sne.s32 s13, $0x9C0;
	v8 =	vld [tilespmem:s4+$0x7940];
	_ =	sdelay $0x4  }
0x17e: {  	v8 =	vadd.f32 $9.999999710e-10, v8;
	_ =	sdelay $0x1  }
0x17f: {  	(erf) = vrcp.f32 v8;
	_ =	sdelay $0x5  }
.Ltmp7:
0x180: {  	(pc) =	sbr.rel @p0 .LBB2_16-.Ltmp7, $3  }
0x181: {  	_ =	sdelay $0x1  }
0x182: {  	v8 =	vpop (erf)  }
0x183: {  	[tilespmem:s4+$0x7940] =	vst v8;
	s4 =	sshra.s32 s13, $0x2;
	s13 =	sadd.s32 $0x40, s13  }
0x184: {  	v8 =	vld [tilespmem:s4+$0x7940];
	_ =	sdelay $0x4  }
0x185: {  	v8 =	vadd.f32 $9.999999710e-10, v8;
	_ =	sdelay $0x1  }
0x186: {  	(erf) = vrcp.f32 v8;
	_ =	sdelay $0x8  }
0x187: {  	v8 =	vpop (erf)  }
0x188: {  	s30 =	rddreg [dreg:$0x10];
	s13 =	simm.s32 $0x7940;
	[tilespmem:s4+$0x7940] =	vst v8  }
0x189: {  	[spmem:s30] =	stream.linear.scatter [tilespmem:s13], [sflag:$0x2], $0x280, $0x38;
	[tilespmem:$0x1C0C0] =	vst v63  }
0x18a: {  	_ =	swait.ge [sflag:s0], $0x280  }
0x18b: {  	[sflag:s0] =	ssyncset.done $0x0  }
0x18c: {  	[sflag:s0] =	ssyncadd.s32 $0xFFFFFD80  }
0x18d: {  	s24 =	simm.s32 $0x0;
	[bflag:$0x0] =	sbarrier.arrive $0xFFFF  }
0x18e: {  	[tilespmem:s24], [sflag:$0x2] =	stream.linear.gather [spmem:s22], $0x2800, $0x38;
	[tilespmem:$0x1C0C0] =	vst v63  }
0x18f: {  	_ =	swait.ge [sflag:s0], $0x2800  }
0x190: {  	[sflag:s0] =	ssyncset.done $0x0  }
0x191: {  	s25 =	simm.s32 $0x0;
	[sflag:s0] =	ssyncadd.s32 $0xFFFFD800  }
.LBB2_18:
0x192: {  	s4 =	smul.u32 $0x50, s25;
	_ =	sdelay $0x1  }
0x193: {  	s4 =	sadd.s32 s9, s4  }
0x194: {  	s13 =	sshrl.u32 s4, $0x3  }
0x195: {  	s30 =	sadd.s32 s7, s13  }
0x196: {  	[tilespmem:s17], [sflag:$0x2] =	stream.linear.gather [hbm4b:s30+s24], $0x50, $0x38;
	[tilespmem:$0x1C0C0] =	vst v63  }
0x197: {  	_ =	swait.ge [sflag:s0], $0x50  }
0x198: {  	[sflag:s0] =	ssyncset.done $0x0  }
0x199: {  	s13 =	sadd.s32 s8, s13;
	[sflag:s0] =	ssyncadd.s32 $0xFFFFFFB0  }
0x19a: {  	[tilespmem:s15], [sflag:$0x2] =	stream.linear.gather [hbm4b:s13+s24], $0x50, $0x38;
	[tilespmem:$0x1C0C0] =	vst v63  }
0x19b: {  	s4 =	sadd.s32 s18, s4;
	_ =	swait.ge [sflag:s0], $0x50  }
0x19c: {  	s4 =	sshrl.u32 s4, $0x3;
	[sflag:s0] =	ssyncset.done $0x0  }
0x19d: {  	s4 =	sadd.s32 s2, s4;
	[sflag:s0] =	ssyncadd.s32 $0xFFFFFFB0  }
0x19e: {  	[tilespmem:s14], [sflag:$0x2] =	stream.linear.gather [hbm4b:s4+s24], $0x50, $0x38;
	[tilespmem:$0x1C0C0] =	vst v63  }
0x19f: {  	_ =	swait.ge [sflag:s0], $0x50  }
0x1a0: {  	[sflag:s0] =	ssyncset.done $0x0  }
0x1a1: {  	[sflag:s0] =	ssyncadd.s32 $0xFFFFFFB0  }
0x1a2: {  	v8 =	vld [tilespmem:$0x7850]  }
0x1a3: {  	v9 =	vld [tilespmem:$0x7860]  }
0x1a4: {  	v10 =	vld [tilespmem:$0x7870]  }
0x1a5: {  	v11 =	vld [tilespmem:$0x7880]  }
0x1a6: {  	v12 =	vld [tilespmem:$0x7890]  }
0x1a7: {  	v8 =	vshll.u32 v8, $0x1  }
0x1a8: {  	v9 =	vshll.u32 v9, $0x1;
	v8 =	vor.u32 v0, v8  }
0x1a9: {  	[tilespmem:$0x7850] =	vst v8;
	v8 =	vor.u32 v0, v9;
	v9 =	vshll.u32 v10, $0x1  }
0x1aa: {  	[tilespmem:$0x7860] =	vst v8;
	v8 =	vor.u32 v0, v9;
	v9 =	vshll.u32 v11, $0x1  }
0x1ab: {  	[tilespmem:$0x7870] =	vst v8;
	v8 =	vor.u32 v0, v9;
	v9 =	vshll.u32 v12, $0x1  }
0x1ac: {  	[tilespmem:$0x7880] =	vst v8;
	v8 =	vor.u32 v0, v9  }
0x1ad: {  	[tilespmem:$0x7890] =	vst v8  }
0x1ae: {  	[tilespmem:s31], [sflag:$0x1] =	stream.indirect.gather [hbm4b:s6+s19], $0x80, s17, s19, $0xb8;
	[tilespmem:$0x1C0C0] =	vst v63  }
0x1af: {  	_ =	swait.ge [sflag:s20], $0x2800  }
0x1b0: {  	[sflag:s20] =	ssyncset.done $0x0  }
0x1b1: {  	[sflag:s20] =	ssyncadd.s32 $0xFFFFD800  }
0x1b2: {  	v8 =	vld [tilespmem:$0x7800];
	_ =	sdelay $0x5  }
0x1b3: {  	v9 =	vld [tilespmem:$0x78A0]  }
0x1b4: {  	v10 =	vld [tilespmem:$0x7810]  }
0x1b5: {  	v8 =	vld.idx.msk [tilespmem:v8+s24+$0x0], $0xffff;
	_ =	sdelay $0x4  }
0x1b6: {  	v8 =	vmul.f32 v9, v8;
	_ =	sdelay $0x1  }
0x1b7: {  	v9 =	vld [tilespmem:$0x78B0];
	[tilespmem:$0x78F0] =	vst v8  }
0x1b8: {  	v8 =	vld.idx.msk [tilespmem:v10+s24+$0x0], $0xffff  }
0x1b9: {  	v10 =	vld [tilespmem:$0x7820];
	_ =	sdelay $0x4  }
0x1ba: {  	v8 =	vmul.f32 v9, v8;
	_ =	sdelay $0x1  }
0x1bb: {  	v9 =	vld [tilespmem:$0x78C0];
	[tilespmem:$0x7900] =	vst v8  }
0x1bc: {  	v8 =	vld.idx.msk [tilespmem:v10+s24+$0x0], $0xffff  }
0x1bd: {  	v10 =	vld [tilespmem:$0x7830];
	_ =	sdelay $0x4  }
0x1be: {  	v8 =	vmul.f32 v9, v8;
	_ =	sdelay $0x1  }
0x1bf: {  	v9 =	vld [tilespmem:$0x78D0];
	[tilespmem:$0x7910] =	vst v8  }
0x1c0: {  	v8 =	vld.idx.msk [tilespmem:v10+s24+$0x0], $0xffff  }
0x1c1: {  	v10 =	vld [tilespmem:$0x7840];
	_ =	sdelay $0x4  }
0x1c2: {  	v8 =	vmul.f32 v9, v8;
	_ =	sdelay $0x1  }
0x1c3: {  	v9 =	vld [tilespmem:$0x78E0];
	[tilespmem:$0x7920] =	vst v8  }
0x1c4: {  	v8 =	vld.idx.msk [tilespmem:v10+s24+$0x0], $0xffff;
	_ =	sdelay $0x4  }
0x1c5: {  	v8 =	vmul.f32 v9, v8  }
0x1c6: {  	v9 =	vmov s24  }
0x1c7: {  	s4 =	simm.s32 $0x5040;
	[tilespmem:$0x7930] =	vst v8  }
0x1c8: {  	v12 =	vld [tilespmem:s4+$0x30]  }
0x1c9: {  	v15 =	vld [tilespmem:s4+$0x10]  }
0x1ca: {  	v13 =	vld [tilespmem:s4+$0xFFFFFFC0]  }
0x1cb: {  	v9 =	vld.idx.msk [tilespmem:v9+s21+$0x0], $0xffff  }
0x1cc: {  	v17 =	vld [tilespmem:s4+$0xFFFFFFE0]  }
0x1cd: {  	v8 =	vld [tilespmem:s4+$0xFFFFFFF0]  }
0x1ce: {  	v10 =	vld [tilespmem:s4+$0x20]  }
0x1cf: {  	v11 =	vld [tilespmem:s4+$0xFFFFFFD0]  }
0x1d0: {  	v16 =	vmul.f32 v12, v9;
	v12 =	vld [tilespmem:s4+$0x0]  }
0x1d1: {  	v14 =	vmul.f32 v13, v9  }
0x1d2: {  	s30 =	simm.s32 $0x5040;
	s13 =	simm.s32 $0x1;
	v13 =	vmul.f32 v17, v9;
	v15 =	vmul.f32 v15, v9  }
.LBB2_19:
0x1d3: {  	p0 =	sne.s32 s13, $0x4F  }
0x1d4: {  	v11 =	vmul.f32 v11, v9;
	v10 =	vmul.f32 v10, v9;
	[tilespmem:s4+$0x30] =	vst v16;
	s30 =	sadd.s32 $0x80, s30;
	s22 =	smov.u32 s13;
	s13 =	sadd.s32 $0x1, s13  }
0x1d5: {  	[tilespmem:s4+$0xFFFFFFC0] =	vst v14;
	v14 =	vmul.f32 v8, v9;
	v9 =	vmul.f32 v12, v9  }
0x1d6: {  	[tilespmem:s4+$0x10] =	vst v15  }
0x1d7: {  	v12 =	vmov s22;
	[tilespmem:s4+$0xFFFFFFE0] =	vst v13  }
0x1d8: {  	v8 =	vld [tilespmem:s30+$0xFFFFFFF0];
	[tilespmem:s4+$0xFFFFFFF0] =	vst v14  }
0x1d9: {  	v13 =	vld [tilespmem:s30+$0x30];
	[tilespmem:s4+$0x0] =	vst v9  }
0x1da: {  	v15 =	vld [tilespmem:s30+$0x10];
	[tilespmem:s4+$0x20] =	vst v10  }
0x1db: {  	v14 =	vld [tilespmem:s30+$0xFFFFFFC0];
	[tilespmem:s4+$0xFFFFFFD0] =	vst v11;
	s4 =	smov.u32 s30  }
0x1dc: {  	v9 =	vld.idx.msk [tilespmem:v12+s21+$0x0], $0xffff  }
0x1dd: {  	v17 =	vld [tilespmem:s30+$0xFFFFFFE0]  }
0x1de: {  	v10 =	vld [tilespmem:s30+$0x20]  }
.Ltmp8:
0x1df: {  	v11 =	vld [tilespmem:s30+$0xFFFFFFD0];
	(pc) =	sbr.rel @p0 .LBB2_19-.Ltmp8, $3  }
0x1e0: {  	v12 =	vld [tilespmem:s30+$0x0];
	_ =	sdelay $0x1  }
0x1e1: {  	v14 =	vmul.f32 v14, v9;
	v16 =	vmul.f32 v13, v9  }
0x1e2: {  	v15 =	vmul.f32 v15, v9;
	v13 =	vmul.f32 v17, v9  }
0x1e3: {  	[tilespmem:s4+$0x30] =	vst v16  }
0x1e4: {  	[tilespmem:s4+$0xFFFFFFC0] =	vst v14  }
0x1e5: {  	v8 =	vmul.f32 v8, v9;
	[tilespmem:s4+$0x10] =	vst v15  }
0x1e6: {  	v10 =	vmul.f32 v10, v9;
	[tilespmem:s4+$0xFFFFFFE0] =	vst v13  }
0x1e7: {  	v12 =	vmul.f32 v12, v9;
	[tilespmem:s4+$0xFFFFFFF0] =	vst v8  }
0x1e8: {  	s25 =	sadd.s32 $0x1, s25;
	v8 =	vmul.f32 v11, v9;
	[tilespmem:s4+$0x20] =	vst v10  }
0x1e9: {  	p0 =	sne.s32 s25, $0xFA;
	[tilespmem:s4+$0x0] =	vst v12  }
.Ltmp9:
0x1ea: {  	[tilespmem:s4+$0xFFFFFFD0] =	vst v8;
	(pc) =	sbr.rel @p0 .LBB2_18-.Ltmp9, $4  }
0x1eb: {  	[spmem:s3] =	stream.indirect.scatter.add.f32 [tilespmem:s31], [sflag:$0x2], $0x80, s15, s19, $0xb8;
	[tilespmem:$0x1C0C0] =	vst v63  }
0x1ec: {  	_ =	swait.ge [sflag:s0], $0x2800  }
0x1ed: {  	[sflag:s0] =	ssyncset.done $0x0  }
0x1ee: {  	[sflag:s0] =	ssyncadd.s32 $0xFFFFD800  }
0x1ef: {  	s4 =	stileid.u32;
	[bflag:$0x0] =	sbarrier.arrive $0xFFFF  }
0x1f0: {  	s4 =	sshll.u32 s4, $0x6;
	s24 =	rddreg [dreg:$0x5]  }
0x1f1: {  	s22 =	rddreg [dreg:$0xe];
	s4 =	sor.u32 $0x1C02, s4;
	s13 =	sshrl.u32 s24, $0x3  }
0x1f2: {  	[hbm:s22], [sflag:s4] =	dma.local [spmem:s13], $0x2800  }
0x1f3: {  	_ =	swait.ge [sflag:s0], $0x2800  }
0x1f4: {  	s25 =	rddreg [dreg:$0x11]  }
0x1f5: {  	s30 =	rddreg [dreg:$0xf];
	s13 =	sadd.s32 $0x1, s25  }
0x1f6: {  	p0 =	sne.s32 s13, s30  }
.Ltmp10:
0x1f7: {  	_ = 	snop;
	(pc) =	sbr.rel @p0 .LBB2_1-.Ltmp10, $4  }
0x1f8: {  	_ = 	snop  }
0x1f9: {  	[sflag:s0] =	ssyncset.done $0x0  }
0x1fa: {  	[sflag:s0] =	ssyncadd.s32 $0xFFFFD800  }
0x1fb: {  	s22 =	rddreg [dreg:$0x3]  }
0x1fc: {  	_ =	sfence.sel $0x180000  }
0x1fd: {  	[bflag:$0x0] =	sbarrier.arrive $0xFFFF  }
0x1fe: {  	_ =	strace $0x9000004A  }
0x1ff: {  	s0 =	stileid.u32;
	[bflag:$0x2] =	sbarrier.arrive $0xFFFF  }
0x200: {  	p0 =	sne.s32 s0, $0x0;
	s0 =	rddreg [dreg:$0x4]  }
0x201: {  	s0 =	sadd.s32 @!p0 $0x100000, s0  }
0x202: {  	[sflag:s0] =	ssyncadd.tile.s32 @!p0 $0x1;
	_ =	shalt  }
.Lfunc_end2:
_tile_overlayer_lowered:
.L_overlay_start_2:
0x203: {  	(tag) =	ssettag $0x2  }
0x204: {  	s0 =	rddreg [dreg:$0x0];
	s2 =	stileid.u32  }
0x205: {  	s1 =	rddreg [dreg:$0x1];
	p0 =	sne.s32 s2, $0x0  }
0x206: {  	s3 =	rddreg [dreg:$0x2];
	[bflag:$0x3] =	sbarrier.arrive $0xFFFF;
	s2 =	simm.s32 @!p0 $0x1C02  }
0x207: {  	[timem:s3], [sflag:s2] =	dma.local @!p0 [hbm:s0], s1  }
0x208: {  	s0 =	simm.s32 @!p0 $0x2  }
0x209: {  	_ =	swait.ge @!p0 [sflag:s0], s1  }
0x20a: {  	s1 =	ssub.s32 @!p0 $0x0, s1;
	[sflag:s0] =	ssyncset.done @!p0 $0x0  }
0x20b: {  	[sflag:s0] =	ssyncadd.s32 @!p0 s1  }
0x20c: {  	[bflag:$0x3] =	sbarrier.arrive $0xFFFF  }
0x20d: {  	_ =	shalt  }

</sc_bundles>
